<compile_context>
chip_gen: v7x
topology: tpu7x:2x2x1
jax: 0.10.2.dev20260603
libtpu: 0.0.44.dev20260713+nightly
codegen_flags: <defaults>
</compile_context>

<pallas_src>
import functools

import jax
import jax.numpy as jnp
from jax import lax
from jax.experimental import pallas as pl
from jax.experimental.pallas import tpu as pltpu
from jax.experimental.pallas import tpu_sc as plsc

N = 10000
NP = 10240
E = 160000
EP = 163840
NC = 2
NS = 16
CHUNK = 128
ECHUNKS = EP // CHUNK
D_IN = 256
D_HID = 512
D_OUT = 256
HALF = 128

_sc_mesh = plsc.VectorSubcoreMesh(core_axis_name="c", subcore_axis_name="s")


def _build_deg_kernel():
    nchunks = ECHUNKS // (NC * NS)

    @functools.partial(
        pl.kernel,
        out_type=jax.ShapeDtypeStruct((NC * NS, NP), jnp.float32),
        mesh=_sc_mesh,
        scratch_types=[
            pltpu.VMEM((nchunks * CHUNK,), jnp.int32),
            pltpu.VMEM((NP,), jnp.float32),
        ],
        compiler_params=pltpu.CompilerParams(needs_layout_passes=False),
    )
    def deg_kernel(dst1_hbm, zeros_hbm, degp_hbm, dstv, hist):
        c = lax.axis_index("c")
        s = lax.axis_index("s")
        wid = c * NS + s
        pltpu.sync_copy(dst1_hbm.at[pl.ds(wid * nchunks * CHUNK, nchunks * CHUNK)], dstv)
        pltpu.sync_copy(zeros_hbm, hist)
        ones16 = jnp.ones((16,), jnp.float32)

        def body(j, _):
            for k in range(8):
                plsc.addupdate_scatter(
                    hist, [dstv[pl.ds(j * CHUNK + k * 16, 16)]], ones16)
            return ()

        lax.fori_loop(0, nchunks, body, ())
        pltpu.sync_copy(hist, degp_hbm.at[wid])

    return deg_kernel


def _build_agg_kernel():
    nchunks = ECHUNKS // NS
    rpt = NP // NS

    @functools.partial(
        pl.kernel,
        out_type=jax.ShapeDtypeStruct((NC * NP, HALF), jnp.float32),
        mesh=_sc_mesh,
        scratch_types=[
            pltpu.VMEM((nchunks * CHUNK,), jnp.int32),
            pltpu.VMEM((CHUNK, HALF), jnp.float32),
            pltpu.VMEM((CHUNK, HALF), jnp.float32),
            pltpu.VMEM((CHUNK,), jnp.int32),
            pltpu.VMEM((CHUNK,), jnp.int32),
            pltpu.VMEM((CHUNK,), jnp.int32),
            pltpu.VMEM((CHUNK,), jnp.int32),
            pltpu.VMEM_SHARED((NP, HALF), jnp.float32),
            pltpu.SemaphoreType.DMA,
            pltpu.SemaphoreType.DMA,
        ],
    )
    def agg_kernel(vh_hbm, src1_hbm, dst2_hbm, out_hbm,
                   srcv, rowsa, rowsb, gidxa, gidxb, sidxa, sidxb,
                   acc, sema, semb):
        c = lax.axis_index("c")
        s = lax.axis_index("s")
        goff = c * NP
        ne = nchunks * CHUNK
        pltpu.sync_copy(src1_hbm.at[pl.ds(s * ne, ne)], srcv)
        pltpu.sync_copy(
            vh_hbm.at[pl.ds(goff + s * rpt, rpt)],
            acc.at[pl.ds(s * rpt, rpt)],
        )
        plsc.subcore_barrier()

        def fire(gidx, sidx, rows, sem, j):
            for k in range(8):
                gidx[pl.ds(k * 16, 16)] = srcv[pl.ds(j * CHUNK + k * 16, 16)] + goff
            pltpu.async_copy(vh_hbm.at[gidx], rows, sem)
            pltpu.async_copy(dst2_hbm.at[s * nchunks + j], sidx, sem)

        def drain(gidx, sidx, rows, sem):
            pltpu.make_async_copy(vh_hbm.at[gidx], rows, sem).wait()
            pltpu.make_async_copy(dst2_hbm.at[0], sidx, sem).wait()
            pltpu.sync_copy(rows, acc.at[sidx], add=True)

        fire(gidxa, sidxa, rowsa, sema, 0)

        def body(i, _):
            a = 2 * i
            fire(gidxb, sidxb, rowsb, semb, a + 1)
            drain(gidxa, sidxa, rowsa, sema)
            fire(gidxa, sidxa, rowsa, sema, a + 2)
            drain(gidxb, sidxb, rowsb, semb)
            return ()

        lax.fori_loop(0, nchunks // 2 - 1, body, ())
        fire(gidxb, sidxb, rowsb, semb, nchunks - 1)
        drain(gidxa, sidxa, rowsa, sema)
        drain(gidxb, sidxb, rowsb, semb)
        plsc.subcore_barrier()
        pltpu.sync_copy(
            acc.at[pl.ds(s * rpt, rpt)],
            out_hbm.at[pl.ds(goff + s * rpt, rpt)],
        )

    return agg_kernel


_deg = _build_deg_kernel()
_agg = _build_agg_kernel()


_RT = 512
_GRID = NP // _RT


def _prescale_body(degp_ref, x_ref, vh_ref, dinv_ref):
    deg = jnp.sum(degp_ref[...], axis=0) + 1.0
    dinv = lax.rsqrt(deg)
    dinv_ref[...] = dinv.reshape(_RT, 1)
    vh = x_ref[...] * dinv[:, None]
    vh_ref[0] = vh[:, :HALF]
    vh_ref[1] = vh[:, HALF:]


def _prescale(degp, x_p):
    return pl.pallas_call(
        _prescale_body,
        grid=(_GRID,),
        in_specs=[
            pl.BlockSpec((NC * NS, _RT), lambda i: (0, i)),
            pl.BlockSpec((_RT, D_IN), lambda i: (i, 0)),
        ],
        out_specs=[
            pl.BlockSpec((NC, _RT, HALF), lambda i: (0, i, 0)),
            pl.BlockSpec((_RT, 1), lambda i: (i, 0)),
        ],
        out_shape=[
            jax.ShapeDtypeStruct((NC, NP, HALF), jnp.float32),
            jax.ShapeDtypeStruct((NP, 1), jnp.float32),
        ],
    )(degp, x_p)


def _mlp_body(s1_ref, dinv_ref, w1_ref, b1_ref, w2_ref, vh2_ref):
    dv = dinv_ref[...]
    w1 = w1_ref[...]
    z0 = s1_ref[0] * dv
    z1 = s1_ref[1] * dv
    h = jnp.dot(z0, w1[:HALF], preferred_element_type=jnp.float32)
    h = h + jnp.dot(z1, w1[HALF:], preferred_element_type=jnp.float32)
    h = jnp.maximum(h + b1_ref[...], 0.0)
    p = jnp.dot(h, w2_ref[...], preferred_element_type=jnp.float32) * dv
    vh2_ref[0] = p[:, :HALF]
    vh2_ref[1] = p[:, HALF:]


def _mlp(s1, dinv2d, W1, b1, W2):
    return pl.pallas_call(
        _mlp_body,
        grid=(_GRID,),
        in_specs=[
            pl.BlockSpec((NC, _RT, HALF), lambda i: (0, i, 0)),
            pl.BlockSpec((_RT, 1), lambda i: (i, 0)),
            pl.BlockSpec((D_IN, D_HID), lambda i: (0, 0)),
            pl.BlockSpec((1, D_HID), lambda i: (0, 0)),
            pl.BlockSpec((D_HID, D_OUT), lambda i: (0, 0)),
        ],
        out_specs=pl.BlockSpec((NC, _RT, HALF), lambda i: (0, i, 0)),
        out_shape=jax.ShapeDtypeStruct((NC, NP, HALF), jnp.float32),
    )(s1, dinv2d, W1, b1, W2)


def _final_body(s2_ref, dinv_ref, b2_ref, out_ref):
    dv = dinv_ref[...]
    s2 = jnp.concatenate([s2_ref[0], s2_ref[1]], axis=1)
    out_ref[...] = s2 * dv + b2_ref[...]


def _final(s2, dinv2d, b2r):
    return pl.pallas_call(
        _final_body,
        grid=(_GRID,),
        in_specs=[
            pl.BlockSpec((NC, _RT, HALF), lambda i: (0, i, 0)),
            pl.BlockSpec((_RT, 1), lambda i: (i, 0)),
            pl.BlockSpec((1, D_OUT), lambda i: (0, 0)),
        ],
        out_specs=pl.BlockSpec((_RT, D_OUT), lambda i: (i, 0)),
        out_shape=jax.ShapeDtypeStruct((N, D_OUT), jnp.float32),
    )(s2, dinv2d, b2r)


def kernel(x, edge_index, W1, b1, W2, b2):
    ei = edge_index.astype(jnp.int32)
    src = jnp.concatenate([ei[0], jnp.zeros((EP - E,), jnp.int32)])
    dst = jnp.concatenate([ei[1], jnp.full((EP - E,), N, jnp.int32)])

    x_p = jnp.pad(x, ((0, NP - N), (0, 0)))
    zeros_np = jnp.zeros((NP,), jnp.float32)

    dst2 = dst.reshape(ECHUNKS, CHUNK)
    degp = _deg(dst, zeros_np)
    vh1, dinv2d = _prescale(degp, x_p)
    s1 = _agg(vh1.reshape(NC * NP, HALF), src, dst2).reshape(NC, NP, HALF)
    vh2 = _mlp(s1, dinv2d, W1, b1.reshape(1, D_HID), W2)
    s2 = _agg(vh2.reshape(NC * NP, HALF), src, dst2).reshape(NC, NP, HALF)
    out = _final(s2, dinv2d, b2.reshape(1, D_OUT))
    return out

# --- scband reference (transcript-rebuilt; emitter-appended) ---
"""Pipeline reference for scband-gcnencoder-11278584119563 (READ-ONLY COPY).

The authoritative reference and input builder live on the scoring server;
editing this copy changes nothing except your own understanding.
"""

import jax, jax.numpy as jnp
import numpy as np

N_NODES = 10000
E = 160000
D_IN = 256
D_HID = 512
D_OUT = 256

def setup_inputs(seed: int = 0) -> dict:
    key = jax.random.key(seed)
    k1, k2, k3, k4, k5, k6 = jax.random.split(key, 6)
    x = jax.random.normal(k1, (N_NODES, D_IN), dtype=jnp.float32)
    edge_index = jax.random.randint(k2, (2, E), 0, N_NODES, dtype=jnp.int64)
    s1 = 1.0 / np.sqrt(D_IN)
    s2 = 1.0 / np.sqrt(D_HID)
    W1 = jax.random.uniform(k3, (D_IN, D_HID), dtype=jnp.float32, minval=-s1, maxval=s1)
    b1 = jnp.zeros((D_HID,), dtype=jnp.float32)
    W2 = jax.random.uniform(k4, (D_HID, D_OUT), dtype=jnp.float32, minval=-s2, maxval=s2)
    b2 = jnp.zeros((D_OUT,), dtype=jnp.float32)
    return {"x": x, "edge_index": edge_index, "W1": W1, "b1": b1, "W2": W2, "b2": b2}

def _gcn_conv(x, src, dst, norm, W, b):
    # GCNConv: x' = D^{-1/2} (A + I) D^{-1/2} X W + b
    h = x @ W
    msg = h[src] * norm[:, None]
    out = jnp.zeros((x.shape[0], W.shape[1]), dtype=h.dtype).at[dst].add(msg)
    return out + b

def _build_norm(edge_index, n_nodes):
    loop = jnp.arange(n_nodes, dtype=edge_index.dtype)
    src = jnp.concatenate([edge_index[0], loop])
    dst = jnp.concatenate([edge_index[1], loop])
    deg = jnp.zeros((n_nodes,), dtype=jnp.float32).at[dst].add(1.0)
    dinv = jnp.where(deg > 0, 1.0 / jnp.sqrt(deg), 0.0)
    norm = dinv[src] * dinv[dst]
    return src, dst, norm

def reference(x, edge_index, W1, b1, W2, b2):
    src, dst, norm = _build_norm(edge_index, x.shape[0])
    h = _gcn_conv(x, src, dst, norm, W1, b1)
    h = jax.nn.relu(h)
    out = _gcn_conv(h, src, dst, norm, W2, b2)
    return out

if __name__ == "__main__":
    import jax
    _d = setup_inputs()
    print(jax.jit(kernel)(*tuple(_d.values())))

</pallas_src>

<mosaic_0001>
#map = affine_map<(d0, d1) -> (0, 0)>
#map1 = affine_map<(d0, d1) -> (0)>
module attributes {stable_mosaic.version = 14 : i64} {
  func.func @agg_kernel(%arg0: i32, %arg1: i32, %arg2: memref<20480x128xf32, #tpu.memory_space<hbm>>, %arg3: memref<163840xi32, #tpu.memory_space<hbm>>, %arg4: memref<1280x128xi32, #tpu.memory_space<hbm>>, %arg5: memref<20480x128xf32, #tpu.memory_space<hbm>>, %arg6: memref<10240xi32, #tpu.memory_space<vmem>>, %arg7: memref<128x128xf32, #tpu.memory_space<vmem>>, %arg8: memref<128x128xf32, #tpu.memory_space<vmem>>, %arg9: memref<128xi32, #tpu.memory_space<vmem>>, %arg10: memref<128xi32, #tpu.memory_space<vmem>>, %arg11: memref<128xi32, #tpu.memory_space<vmem>>, %arg12: memref<128xi32, #tpu.memory_space<vmem>>, %arg13: memref<10240x128xf32, #tpu.memory_space<vmem_shared>>, %arg14: memref<!tpu.dma_semaphore, #tpu.memory_space<semaphore_mem>>, %arg15: memref<!tpu.dma_semaphore, #tpu.memory_space<semaphore_mem>>) attributes {dimension_semantics = [#tpu.dimension_semantics<core_parallel>, #tpu.dimension_semantics<subcore_parallel>], iteration_bounds = array<i64: 2, 16>, scalar_prefetch = 0 : i64, scratch_operands = 10 : i64, tpu.core_type = #tpu.core_type<sc_vector_subcore>, window_params = [{transform_indices = #map}, {transform_indices = #map1}, {transform_indices = #map}, {transform_indices = #map}]} {
    %mul3A = arith.constant 10240 : i32
    %mul3A_0 = arith.muli %arg0, %mul3A : i32
    %mul3A_1 = arith.constant 10240 : i32
    %mul3A_2 = arith.muli %arg1, %mul3A_1 : i32
    "tpu.region"() ({
      %run_scoped3A = tpu.sem_alloc : memref<!tpu.dma_semaphore, #tpu.memory_space<semaphore_mem>>
      %dma_start3A_203 = tpu.memref_slice %arg3[%mul3A_2] : memref<163840xi32, #tpu.memory_space<hbm>> -> memref<10240xi32, #tpu.memory_space<hbm>>
      %dma_start3A_204 = tpu.memref_slice %arg3[%mul3A_2] : memref<163840xi32, #tpu.memory_space<hbm>> -> memref<10240xi32, #tpu.memory_space<hbm>>
      tpu.enqueue_dma source(%dma_start3A_204 : memref<10240xi32, #tpu.memory_space<hbm>>) target(%arg6 : memref<10240xi32, #tpu.memory_space<vmem>>) target_semaphore(%run_scoped3A : memref<!tpu.dma_semaphore, #tpu.memory_space<semaphore_mem>>)
      %dma_wait3A_205 = tpu.memref_slice %arg3[%mul3A_2] : memref<163840xi32, #tpu.memory_space<hbm>> -> memref<10240xi32, #tpu.memory_space<hbm>>
      %dma_wait3A_206 = tpu.memref_slice %arg3[%mul3A_2] : memref<163840xi32, #tpu.memory_space<hbm>> -> memref<10240xi32, #tpu.memory_space<hbm>>
      tpu.wait_dma2 semaphore(%run_scoped3A : memref<!tpu.dma_semaphore, #tpu.memory_space<semaphore_mem>>) src(%dma_wait3A_206 : memref<10240xi32, #tpu.memory_space<hbm>>) dst(%arg6 : memref<10240xi32, #tpu.memory_space<vmem>>)
      tpu.yield
    }) : () -> ()
    %mul3A_3 = arith.constant 640 : i32
    %mul3A_4 = arith.muli %arg1, %mul3A_3 : i32
    %add3A = arith.addi %mul3A_0, %mul3A_4 : i32
    %mul3A_5 = arith.constant 640 : i32
    %mul3A_6 = arith.muli %arg1, %mul3A_5 : i32
    "tpu.region"() ({
      %run_scoped3A = tpu.sem_alloc : memref<!tpu.dma_semaphore, #tpu.memory_space<semaphore_mem>>
      %dma_start3A_203 = arith.constant 0 : i32
      %dma_start3A_204 = tpu.memref_slice %arg13[%mul3A_6, %dma_start3A_203] : memref<10240x128xf32, #tpu.memory_space<vmem_shared>> -> memref<640x128xf32, #tpu.memory_space<vmem_shared>>
      %dma_start3A_205 = arith.constant 0 : i32
      %dma_start3A_206 = tpu.memref_slice %arg2[%add3A, %dma_start3A_205] : memref<20480x128xf32, #tpu.memory_space<hbm>> -> memref<640x128xf32, #tpu.memory_space<hbm>>
      tpu.enqueue_dma source(%dma_start3A_206 : memref<640x128xf32, #tpu.memory_space<hbm>>) target(%dma_start3A_204 : memref<640x128xf32, #tpu.memory_space<vmem_shared>>) target_semaphore(%run_scoped3A : memref<!tpu.dma_semaphore, #tpu.memory_space<semaphore_mem>>)
      %dma_wait3A_207 = arith.constant 0 : i32
      %dma_wait3A_208 = tpu.memref_slice %arg13[%mul3A_6, %dma_wait3A_207] : memref<10240x128xf32, #tpu.memory_space<vmem_shared>> -> memref<640x128xf32, #tpu.memory_space<vmem_shared>>
      %dma_wait3A_209 = arith.constant 0 : i32
      %dma_wait3A_210 = tpu.memref_slice %arg2[%add3A, %dma_wait3A_209] : memref<20480x128xf32, #tpu.memory_space<hbm>> -> memref<640x128xf32, #tpu.memory_space<hbm>>
      tpu.wait_dma2 semaphore(%run_scoped3A : memref<!tpu.dma_semaphore, #tpu.memory_space<semaphore_mem>>) src(%dma_wait3A_210 : memref<640x128xf32, #tpu.memory_space<hbm>>) dst(%dma_wait3A_208 : memref<640x128xf32, #tpu.memory_space<vmem_shared>>)
      tpu.yield
    }) : () -> ()
    %barrier3A = arith.constant 0 : index
    tpu.barrier barrier_id(%barrier3A)
    %get3A = arith.constant 0 : index
    %get3A_7 = tpu.vector_load %arg6[%get3A] {strides = array<i32>} : memref<10240xi32, #tpu.memory_space<vmem>>, vector<16xi32>,
    %get3A_8 = vector.shape_cast %get3A_7 : vector<16xi32> to vector<16xi32>
    %add3A_9 = vector.broadcast %mul3A_0 : i32 to vector<16xi32>
    %add3A_10 = arith.addi %get3A_8, %add3A_9 : vector<16xi32>
    %swap3A = arith.constant 0 : index
    %swap3A_11 = tpu.vector_load %arg9[%swap3A] {strides = array<i32>} : memref<128xi32, #tpu.memory_space<vmem>>, vector<16xi32>,
    %swap3A_12 = vector.shape_cast %swap3A_11 : vector<16xi32> to vector<16xi32>
    %swap3A_13 = vector.shape_cast %add3A_10 : vector<16xi32> to vector<16xi32>
    tpu.vector_store %arg9[%swap3A], %swap3A_13 {strides = array<i32>} : memref<128xi32, #tpu.memory_space<vmem>>, vector<16xi32>,
    %get3A_14 = arith.constant 16 : index
    %get3A_15 = tpu.vector_load %arg6[%get3A_14] {strides = array<i32>} : memref<10240xi32, #tpu.memory_space<vmem>>, vector<16xi32>,
    %get3A_16 = vector.shape_cast %get3A_15 : vector<16xi32> to vector<16xi32>
    %add3A_17 = vector.broadcast %mul3A_0 : i32 to vector<16xi32>
    %add3A_18 = arith.addi %get3A_16, %add3A_17 : vector<16xi32>
    %swap3A_19 = arith.constant 16 : index
    %swap3A_20 = tpu.vector_load %arg9[%swap3A_19] {strides = array<i32>} : memref<128xi32, #tpu.memory_space<vmem>>, vector<16xi32>,
    %swap3A_21 = vector.shape_cast %swap3A_20 : vector<16xi32> to vector<16xi32>
    %swap3A_22 = vector.shape_cast %add3A_18 : vector<16xi32> to vector<16xi32>
    tpu.vector_store %arg9[%swap3A_19], %swap3A_22 {strides = array<i32>} : memref<128xi32, #tpu.memory_space<vmem>>, vector<16xi32>,
    %get3A_23 = arith.constant 32 : index
    %get3A_24 = tpu.vector_load %arg6[%get3A_23] {strides = array<i32>} : memref<10240xi32, #tpu.memory_space<vmem>>, vector<16xi32>,
    %get3A_25 = vector.shape_cast %get3A_24 : vector<16xi32> to vector<16xi32>
    %add3A_26 = vector.broadcast %mul3A_0 : i32 to vector<16xi32>
    %add3A_27 = arith.addi %get3A_25, %add3A_26 : vector<16xi32>
    %swap3A_28 = arith.constant 32 : index
    %swap3A_29 = tpu.vector_load %arg9[%swap3A_28] {strides = array<i32>} : memref<128xi32, #tpu.memory_space<vmem>>, vector<16xi32>,
    %swap3A_30 = vector.shape_cast %swap3A_29 : vector<16xi32> to vector<16xi32>
    %swap3A_31 = vector.shape_cast %add3A_27 : vector<16xi32> to vector<16xi32>
    tpu.vector_store %arg9[%swap3A_28], %swap3A_31 {strides = array<i32>} : memref<128xi32, #tpu.memory_space<vmem>>, vector<16xi32>,
    %get3A_32 = arith.constant 48 : index
    %get3A_33 = tpu.vector_load %arg6[%get3A_32] {strides = array<i32>} : memref<10240xi32, #tpu.memory_space<vmem>>, vector<16xi32>,
    %get3A_34 = vector.shape_cast %get3A_33 : vector<16xi32> to vector<16xi32>
    %add3A_35 = vector.broadcast %mul3A_0 : i32 to vector<16xi32>
    %add3A_36 = arith.addi %get3A_34, %add3A_35 : vector<16xi32>
    %swap3A_37 = arith.constant 48 : index
    %swap3A_38 = tpu.vector_load %arg9[%swap3A_37] {strides = array<i32>} : memref<128xi32, #tpu.memory_space<vmem>>, vector<16xi32>,
    %swap3A_39 = vector.shape_cast %swap3A_38 : vector<16xi32> to vector<16xi32>
    %swap3A_40 = vector.shape_cast %add3A_36 : vector<16xi32> to vector<16xi32>
    tpu.vector_store %arg9[%swap3A_37], %swap3A_40 {strides = array<i32>} : memref<128xi32, #tpu.memory_space<vmem>>, vector<16xi32>,
    %get3A_41 = arith.constant 64 : index
    %get3A_42 = tpu.vector_load %arg6[%get3A_41] {strides = array<i32>} : memref<10240xi32, #tpu.memory_space<vmem>>, vector<16xi32>,
    %get3A_43 = vector.shape_cast %get3A_42 : vector<16xi32> to vector<16xi32>
    %add3A_44 = vector.broadcast %mul3A_0 : i32 to vector<16xi32>
    %add3A_45 = arith.addi %get3A_43, %add3A_44 : vector<16xi32>
    %swap3A_46 = arith.constant 64 : index
    %swap3A_47 = tpu.vector_load %arg9[%swap3A_46] {strides = array<i32>} : memref<128xi32, #tpu.memory_space<vmem>>, vector<16xi32>,
    %swap3A_48 = vector.shape_cast %swap3A_47 : vector<16xi32> to vector<16xi32>
    %swap3A_49 = vector.shape_cast %add3A_45 : vector<16xi32> to vector<16xi32>
    tpu.vector_store %arg9[%swap3A_46], %swap3A_49 {strides = array<i32>} : memref<128xi32, #tpu.memory_space<vmem>>, vector<16xi32>,
    %get3A_50 = arith.constant 80 : index
    %get3A_51 = tpu.vector_load %arg6[%get3A_50] {strides = array<i32>} : memref<10240xi32, #tpu.memory_space<vmem>>, vector<16xi32>,
    %get3A_52 = vector.shape_cast %get3A_51 : vector<16xi32> to vector<16xi32>
    %add3A_53 = vector.broadcast %mul3A_0 : i32 to vector<16xi32>
    %add3A_54 = arith.addi %get3A_52, %add3A_53 : vector<16xi32>
    %swap3A_55 = arith.constant 80 : index
    %swap3A_56 = tpu.vector_load %arg9[%swap3A_55] {strides = array<i32>} : memref<128xi32, #tpu.memory_space<vmem>>, vector<16xi32>,
    %swap3A_57 = vector.shape_cast %swap3A_56 : vector<16xi32> to vector<16xi32>
    %swap3A_58 = vector.shape_cast %add3A_54 : vector<16xi32> to vector<16xi32>
    tpu.vector_store %arg9[%swap3A_55], %swap3A_58 {strides = array<i32>} : memref<128xi32, #tpu.memory_space<vmem>>, vector<16xi32>,
    %get3A_59 = arith.constant 96 : index
    %get3A_60 = tpu.vector_load %arg6[%get3A_59] {strides = array<i32>} : memref<10240xi32, #tpu.memory_space<vmem>>, vector<16xi32>,
    %get3A_61 = vector.shape_cast %get3A_60 : vector<16xi32> to vector<16xi32>
    %add3A_62 = vector.broadcast %mul3A_0 : i32 to vector<16xi32>
    %add3A_63 = arith.addi %get3A_61, %add3A_62 : vector<16xi32>
    %swap3A_64 = arith.constant 96 : index
    %swap3A_65 = tpu.vector_load %arg9[%swap3A_64] {strides = array<i32>} : memref<128xi32, #tpu.memory_space<vmem>>, vector<16xi32>,
    %swap3A_66 = vector.shape_cast %swap3A_65 : vector<16xi32> to vector<16xi32>
    %swap3A_67 = vector.shape_cast %add3A_63 : vector<16xi32> to vector<16xi32>
    tpu.vector_store %arg9[%swap3A_64], %swap3A_67 {strides = array<i32>} : memref<128xi32, #tpu.memory_space<vmem>>, vector<16xi32>,
    %get3A_68 = arith.constant 112 : index
    %get3A_69 = tpu.vector_load %arg6[%get3A_68] {strides = array<i32>} : memref<10240xi32, #tpu.memory_space<vmem>>, vector<16xi32>,
    %get3A_70 = vector.shape_cast %get3A_69 : vector<16xi32> to vector<16xi32>
    %add3A_71 = vector.broadcast %mul3A_0 : i32 to vector<16xi32>
    %add3A_72 = arith.addi %get3A_70, %add3A_71 : vector<16xi32>
    %swap3A_73 = arith.constant 112 : index
    %swap3A_74 = tpu.vector_load %arg9[%swap3A_73] {strides = array<i32>} : memref<128xi32, #tpu.memory_space<vmem>>, vector<16xi32>,
    %swap3A_75 = vector.shape_cast %swap3A_74 : vector<16xi32> to vector<16xi32>
    %swap3A_76 = vector.shape_cast %add3A_72 : vector<16xi32> to vector<16xi32>
    tpu.vector_store %arg9[%swap3A_73], %swap3A_76 {strides = array<i32>} : memref<128xi32, #tpu.memory_space<vmem>>, vector<16xi32>,
    %dma_start3A = arith.constant 0 : i32
    %dma_start3A_77 = arith.constant 0 : i32
    %dma_start3A_78 = tpu.memref_slice %arg2[%dma_start3A, %dma_start3A_77] : memref<20480x128xf32, #tpu.memory_space<hbm>> -> memref<20480x128xf32, #tpu.memory_space<hbm>>
    tpu.enqueue_indirect_dma source(%dma_start3A_78 : memref<20480x128xf32, #tpu.memory_space<hbm>>) target(%arg7 : memref<128x128xf32, #tpu.memory_space<vmem>>) offsets(%arg9 : memref<128xi32, #tpu.memory_space<vmem>>) semaphore(%arg14 : memref<!tpu.dma_semaphore, #tpu.memory_space<semaphore_mem>>)
    %mul3A_79 = arith.constant 80 : i32
    %mul3A_80 = arith.muli %arg1, %mul3A_79 : i32
    %add3A_81 = arith.constant 0 : i32
    %add3A_82 = arith.addi %mul3A_80, %add3A_81 : i32
    %dma_start3A_83 = arith.constant 0 : i32
    %dma_start3A_84 = tpu.memref_slice %arg4[%add3A_82, %dma_start3A_83] : memref<1280x128xi32, #tpu.memory_space<hbm>> -> memref<1x128xi32, #tpu.memory_space<hbm>>
    %dma_start3A_85 = tpu.memref_squeeze %dma_start3A_84 : memref<1x128xi32, #tpu.memory_space<hbm>> -> memref<128xi32, #tpu.memory_space<hbm>>
    %dma_start3A_86 = arith.constant 0 : i32
    %dma_start3A_87 = tpu.memref_slice %arg4[%add3A_82, %dma_start3A_86] : memref<1280x128xi32, #tpu.memory_space<hbm>> -> memref<1x128xi32, #tpu.memory_space<hbm>>
    %dma_start3A_88 = tpu.memref_squeeze %dma_start3A_87 : memref<1x128xi32, #tpu.memory_space<hbm>> -> memref<128xi32, #tpu.memory_space<hbm>>
    tpu.enqueue_dma source(%dma_start3A_88 : memref<128xi32, #tpu.memory_space<hbm>>) target(%arg11 : memref<128xi32, #tpu.memory_space<vmem>>) target_semaphore(%arg14 : memref<!tpu.dma_semaphore, #tpu.memory_space<semaphore_mem>>)
    %scan3A = arith.constant 0 : i32
    %scan3A_89 = arith.constant 39 : i32
    %scan3A_90 = arith.addi %scan3A, %scan3A_89 : i32
    %scan3A_91 = arith.constant 1 : i32
    scf.for %scan3A_203 = %scan3A to %scan3A_90 step %scan3A_91  : i32 {
      %mul3A_204 = arith.constant 2 : i32
      %mul3A_205 = arith.muli %mul3A_204, %scan3A_203 : i32
      %add3A_206 = arith.constant 1 : i32
      %add3A_207 = arith.addi %mul3A_205, %add3A_206 : i32
      %mul3A_208 = arith.constant 128 : i32
      %mul3A_209 = arith.muli %add3A_207, %mul3A_208 : i32
      %add3A_210 = arith.constant 0 : i32
      %add3A_211 = arith.addi %mul3A_209, %add3A_210 : i32
      %get3A_212 = arith.index_cast %add3A_211 : i32 to index
      %get3A_213 = tpu.vector_load %arg6[%get3A_212] {strides = array<i32>} : memref<10240xi32, #tpu.memory_space<vmem>>, vector<16xi32>,
      %get3A_214 = vector.shape_cast %get3A_213 : vector<16xi32> to vector<16xi32>
      %add3A_215 = vector.broadcast %mul3A_0 : i32 to vector<16xi32>
      %add3A_216 = arith.addi %get3A_214, %add3A_215 : vector<16xi32>
      %swap3A_217 = arith.constant 0 : index
      %swap3A_218 = tpu.vector_load %arg10[%swap3A_217] {strides = array<i32>} : memref<128xi32, #tpu.memory_space<vmem>>, vector<16xi32>,
      %swap3A_219 = vector.shape_cast %swap3A_218 : vector<16xi32> to vector<16xi32>
      %swap3A_220 = vector.shape_cast %add3A_216 : vector<16xi32> to vector<16xi32>
      tpu.vector_store %arg10[%swap3A_217], %swap3A_220 {strides = array<i32>} : memref<128xi32, #tpu.memory_space<vmem>>, vector<16xi32>,
      %mul3A_221 = arith.constant 128 : i32
      %mul3A_222 = arith.muli %add3A_207, %mul3A_221 : i32
      %add3A_223 = arith.constant 16 : i32
      %add3A_224 = arith.addi %mul3A_222, %add3A_223 : i32
      %get3A_225 = arith.index_cast %add3A_224 : i32 to index
      %get3A_226 = tpu.vector_load %arg6[%get3A_225] {strides = array<i32>} : memref<10240xi32, #tpu.memory_space<vmem>>, vector<16xi32>,
      %get3A_227 = vector.shape_cast %get3A_226 : vector<16xi32> to vector<16xi32>
      %add3A_228 = vector.broadcast %mul3A_0 : i32 to vector<16xi32>
      %add3A_229 = arith.addi %get3A_227, %add3A_228 : vector<16xi32>
      %swap3A_230 = arith.constant 16 : index
      %swap3A_231 = tpu.vector_load %arg10[%swap3A_230] {strides = array<i32>} : memref<128xi32, #tpu.memory_space<vmem>>, vector<16xi32>,
      %swap3A_232 = vector.shape_cast %swap3A_231 : vector<16xi32> to vector<16xi32>
      %swap3A_233 = vector.shape_cast %add3A_229 : vector<16xi32> to vector<16xi32>
      tpu.vector_store %arg10[%swap3A_230], %swap3A_233 {strides = array<i32>} : memref<128xi32, #tpu.memory_space<vmem>>, vector<16xi32>,
      %mul3A_234 = arith.constant 128 : i32
      %mul3A_235 = arith.muli %add3A_207, %mul3A_234 : i32
      %add3A_236 = arith.constant 32 : i32
      %add3A_237 = arith.addi %mul3A_235, %add3A_236 : i32
      %get3A_238 = arith.index_cast %add3A_237 : i32 to index
      %get3A_239 = tpu.vector_load %arg6[%get3A_238] {strides = array<i32>} : memref<10240xi32, #tpu.memory_space<vmem>>, vector<16xi32>,
      %get3A_240 = vector.shape_cast %get3A_239 : vector<16xi32> to vector<16xi32>
      %add3A_241 = vector.broadcast %mul3A_0 : i32 to vector<16xi32>
      %add3A_242 = arith.addi %get3A_240, %add3A_241 : vector<16xi32>
      %swap3A_243 = arith.constant 32 : index
      %swap3A_244 = tpu.vector_load %arg10[%swap3A_243] {strides = array<i32>} : memref<128xi32, #tpu.memory_space<vmem>>, vector<16xi32>,
      %swap3A_245 = vector.shape_cast %swap3A_244 : vector<16xi32> to vector<16xi32>
      %swap3A_246 = vector.shape_cast %add3A_242 : vector<16xi32> to vector<16xi32>
      tpu.vector_store %arg10[%swap3A_243], %swap3A_246 {strides = array<i32>} : memref<128xi32, #tpu.memory_space<vmem>>, vector<16xi32>,
      %mul3A_247 = arith.constant 128 : i32
      %mul3A_248 = arith.muli %add3A_207, %mul3A_247 : i32
      %add3A_249 = arith.constant 48 : i32
      %add3A_250 = arith.addi %mul3A_248, %add3A_249 : i32
      %get3A_251 = arith.index_cast %add3A_250 : i32 to index
      %get3A_252 = tpu.vector_load %arg6[%get3A_251] {strides = array<i32>} : memref<10240xi32, #tpu.memory_space<vmem>>, vector<16xi32>,
      %get3A_253 = vector.shape_cast %get3A_252 : vector<16xi32> to vector<16xi32>
      %add3A_254 = vector.broadcast %mul3A_0 : i32 to vector<16xi32>
      %add3A_255 = arith.addi %get3A_253, %add3A_254 : vector<16xi32>
      %swap3A_256 = arith.constant 48 : index
      %swap3A_257 = tpu.vector_load %arg10[%swap3A_256] {strides = array<i32>} : memref<128xi32, #tpu.memory_space<vmem>>, vector<16xi32>,
      %swap3A_258 = vector.shape_cast %swap3A_257 : vector<16xi32> to vector<16xi32>
      %swap3A_259 = vector.shape_cast %add3A_255 : vector<16xi32> to vector<16xi32>
      tpu.vector_store %arg10[%swap3A_256], %swap3A_259 {strides = array<i32>} : memref<128xi32, #tpu.memory_space<vmem>>, vector<16xi32>,
      %mul3A_260 = arith.constant 128 : i32
      %mul3A_261 = arith.muli %add3A_207, %mul3A_260 : i32
      %add3A_262 = arith.constant 64 : i32
      %add3A_263 = arith.addi %mul3A_261, %add3A_262 : i32
      %get3A_264 = arith.index_cast %add3A_263 : i32 to index
      %get3A_265 = tpu.vector_load %arg6[%get3A_264] {strides = array<i32>} : memref<10240xi32, #tpu.memory_space<vmem>>, vector<16xi32>,
      %get3A_266 = vector.shape_cast %get3A_265 : vector<16xi32> to vector<16xi32>
      %add3A_267 = vector.broadcast %mul3A_0 : i32 to vector<16xi32>
      %add3A_268 = arith.addi %get3A_266, %add3A_267 : vector<16xi32>
      %swap3A_269 = arith.constant 64 : index
      %swap3A_270 = tpu.vector_load %arg10[%swap3A_269] {strides = array<i32>} : memref<128xi32, #tpu.memory_space<vmem>>, vector<16xi32>,
      %swap3A_271 = vector.shape_cast %swap3A_270 : vector<16xi32> to vector<16xi32>
      %swap3A_272 = vector.shape_cast %add3A_268 : vector<16xi32> to vector<16xi32>
      tpu.vector_store %arg10[%swap3A_269], %swap3A_272 {strides = array<i32>} : memref<128xi32, #tpu.memory_space<vmem>>, vector<16xi32>,
      %mul3A_273 = arith.constant 128 : i32
      %mul3A_274 = arith.muli %add3A_207, %mul3A_273 : i32
      %add3A_275 = arith.constant 80 : i32
      %add3A_276 = arith.addi %mul3A_274, %add3A_275 : i32
      %get3A_277 = arith.index_cast %add3A_276 : i32 to index
      %get3A_278 = tpu.vector_load %arg6[%get3A_277] {strides = array<i32>} : memref<10240xi32, #tpu.memory_space<vmem>>, vector<16xi32>,
      %get3A_279 = vector.shape_cast %get3A_278 : vector<16xi32> to vector<16xi32>
      %add3A_280 = vector.broadcast %mul3A_0 : i32 to vector<16xi32>
      %add3A_281 = arith.addi %get3A_279, %add3A_280 : vector<16xi32>
      %swap3A_282 = arith.constant 80 : index
      %swap3A_283 = tpu.vector_load %arg10[%swap3A_282] {strides = array<i32>} : memref<128xi32, #tpu.memory_space<vmem>>, vector<16xi32>,
      %swap3A_284 = vector.shape_cast %swap3A_283 : vector<16xi32> to vector<16xi32>
      %swap3A_285 = vector.shape_cast %add3A_281 : vector<16xi32> to vector<16xi32>
      tpu.vector_store %arg10[%swap3A_282], %swap3A_285 {strides = array<i32>} : memref<128xi32, #tpu.memory_space<vmem>>, vector<16xi32>,
      %mul3A_286 = arith.constant 128 : i32
      %mul3A_287 = arith.muli %add3A_207, %mul3A_286 : i32
      %add3A_288 = arith.constant 96 : i32
      %add3A_289 = arith.addi %mul3A_287, %add3A_288 : i32
      %get3A_290 = arith.index_cast %add3A_289 : i32 to index
      %get3A_291 = tpu.vector_load %arg6[%get3A_290] {strides = array<i32>} : memref<10240xi32, #tpu.memory_space<vmem>>, vector<16xi32>,
      %get3A_292 = vector.shape_cast %get3A_291 : vector<16xi32> to vector<16xi32>
      %add3A_293 = vector.broadcast %mul3A_0 : i32 to vector<16xi32>
      %add3A_294 = arith.addi %get3A_292, %add3A_293 : vector<16xi32>
      %swap3A_295 = arith.constant 96 : index
      %swap3A_296 = tpu.vector_load %arg10[%swap3A_295] {strides = array<i32>} : memref<128xi32, #tpu.memory_space<vmem>>, vector<16xi32>,
      %swap3A_297 = vector.shape_cast %swap3A_296 : vector<16xi32> to vector<16xi32>
      %swap3A_298 = vector.shape_cast %add3A_294 : vector<16xi32> to vector<16xi32>
      tpu.vector_store %arg10[%swap3A_295], %swap3A_298 {strides = array<i32>} : memref<128xi32, #tpu.memory_space<vmem>>, vector<16xi32>,
      %mul3A_299 = arith.constant 128 : i32
      %mul3A_300 = arith.muli %add3A_207, %mul3A_299 : i32
      %add3A_301 = arith.constant 112 : i32
      %add3A_302 = arith.addi %mul3A_300, %add3A_301 : i32
      %get3A_303 = arith.index_cast %add3A_302 : i32 to index
      %get3A_304 = tpu.vector_load %arg6[%get3A_303] {strides = array<i32>} : memref<10240xi32, #tpu.memory_space<vmem>>, vector<16xi32>,
      %get3A_305 = vector.shape_cast %get3A_304 : vector<16xi32> to vector<16xi32>
      %add3A_306 = vector.broadcast %mul3A_0 : i32 to vector<16xi32>
      %add3A_307 = arith.addi %get3A_305, %add3A_306 : vector<16xi32>
      %swap3A_308 = arith.constant 112 : index
      %swap3A_309 = tpu.vector_load %arg10[%swap3A_308] {strides = array<i32>} : memref<128xi32, #tpu.memory_space<vmem>>, vector<16xi32>,
      %swap3A_310 = vector.shape_cast %swap3A_309 : vector<16xi32> to vector<16xi32>
      %swap3A_311 = vector.shape_cast %add3A_307 : vector<16xi32> to vector<16xi32>
      tpu.vector_store %arg10[%swap3A_308], %swap3A_311 {strides = array<i32>} : memref<128xi32, #tpu.memory_space<vmem>>, vector<16xi32>,
      %dma_start3A_312 = arith.constant 0 : i32
      %dma_start3A_313 = arith.constant 0 : i32
      %dma_start3A_314 = tpu.memref_slice %arg2[%dma_start3A_312, %dma_start3A_313] : memref<20480x128xf32, #tpu.memory_space<hbm>> -> memref<20480x128xf32, #tpu.memory_space<hbm>>
      tpu.enqueue_indirect_dma source(%dma_start3A_314 : memref<20480x128xf32, #tpu.memory_space<hbm>>) target(%arg8 : memref<128x128xf32, #tpu.memory_space<vmem>>) offsets(%arg10 : memref<128xi32, #tpu.memory_space<vmem>>) semaphore(%arg15 : memref<!tpu.dma_semaphore, #tpu.memory_space<semaphore_mem>>)
      %mul3A_315 = arith.constant 80 : i32
      %mul3A_316 = arith.muli %arg1, %mul3A_315 : i32
      %add3A_317 = arith.addi %mul3A_316, %add3A_207 : i32
      %dma_start3A_318 = arith.constant 0 : i32
      %dma_start3A_319 = tpu.memref_slice %arg4[%add3A_317, %dma_start3A_318] : memref<1280x128xi32, #tpu.memory_space<hbm>> -> memref<1x128xi32, #tpu.memory_space<hbm>>
      %dma_start3A_320 = tpu.memref_squeeze %dma_start3A_319 : memref<1x128xi32, #tpu.memory_space<hbm>> -> memref<128xi32, #tpu.memory_space<hbm>>
      %dma_start3A_321 = arith.constant 0 : i32
      %dma_start3A_322 = tpu.memref_slice %arg4[%add3A_317, %dma_start3A_321] : memref<1280x128xi32, #tpu.memory_space<hbm>> -> memref<1x128xi32, #tpu.memory_space<hbm>>
      %dma_start3A_323 = tpu.memref_squeeze %dma_start3A_322 : memref<1x128xi32, #tpu.memory_space<hbm>> -> memref<128xi32, #tpu.memory_space<hbm>>
      tpu.enqueue_dma source(%dma_start3A_323 : memref<128xi32, #tpu.memory_space<hbm>>) target(%arg12 : memref<128xi32, #tpu.memory_space<vmem>>) target_semaphore(%arg15 : memref<!tpu.dma_semaphore, #tpu.memory_space<semaphore_mem>>)
      %dma_wait3A_324 = arith.constant 0 : i32
      %dma_wait3A_325 = arith.constant 0 : i32
      %dma_wait3A_326 = tpu.memref_slice %arg2[%dma_wait3A_324, %dma_wait3A_325] : memref<20480x128xf32, #tpu.memory_space<hbm>> -> memref<20480x128xf32, #tpu.memory_space<hbm>>
      tpu.wait_indirect_dma semaphore(%arg14 : memref<!tpu.dma_semaphore, #tpu.memory_space<semaphore_mem>>) src(%dma_wait3A_326 : memref<20480x128xf32, #tpu.memory_space<hbm>>) dst(%arg7 : memref<128x128xf32, #tpu.memory_space<vmem>>)
      %dma_wait3A_327 = arith.constant 0 : i32
      %dma_wait3A_328 = arith.constant 0 : i32
      %dma_wait3A_329 = tpu.memref_slice %arg4[%dma_wait3A_327, %dma_wait3A_328] : memref<1280x128xi32, #tpu.memory_space<hbm>> -> memref<1x128xi32, #tpu.memory_space<hbm>>
      %dma_wait3A_330 = tpu.memref_squeeze %dma_wait3A_329 : memref<1x128xi32, #tpu.memory_space<hbm>> -> memref<128xi32, #tpu.memory_space<hbm>>
      %dma_wait3A_331 = arith.constant 0 : i32
      %dma_wait3A_332 = tpu.memref_slice %arg4[%dma_wait3A_327, %dma_wait3A_331] : memref<1280x128xi32, #tpu.memory_space<hbm>> -> memref<1x128xi32, #tpu.memory_space<hbm>>
      %dma_wait3A_333 = tpu.memref_squeeze %dma_wait3A_332 : memref<1x128xi32, #tpu.memory_space<hbm>> -> memref<128xi32, #tpu.memory_space<hbm>>
      tpu.wait_dma2 semaphore(%arg14 : memref<!tpu.dma_semaphore, #tpu.memory_space<semaphore_mem>>) src(%dma_wait3A_333 : memref<128xi32, #tpu.memory_space<hbm>>) dst(%arg11 : memref<128xi32, #tpu.memory_space<vmem>>)
      "tpu.region"() ({
        %run_scoped3A = tpu.sem_alloc : memref<!tpu.dma_semaphore, #tpu.memory_space<semaphore_mem>>
        %dma_start3A_462 = arith.constant 0 : i32
        %dma_start3A_463 = arith.constant 0 : i32
        %dma_start3A_464 = tpu.memref_slice %arg13[%dma_start3A_462, %dma_start3A_463] : memref<10240x128xf32, #tpu.memory_space<vmem_shared>> -> memref<10240x128xf32, #tpu.memory_space<vmem_shared>>
        tpu.enqueue_indirect_dma source(%arg7 : memref<128x128xf32, #tpu.memory_space<vmem>>) target(%dma_start3A_464 : memref<10240x128xf32, #tpu.memory_space<vmem_shared>>) offsets(%arg11 : memref<128xi32, #tpu.memory_space<vmem>>) semaphore(%run_scoped3A : memref<!tpu.dma_semaphore, #tpu.memory_space<semaphore_mem>>) {add = true}
        %dma_wait3A_465 = arith.constant 0 : i32
        %dma_wait3A_466 = arith.constant 0 : i32
        %dma_wait3A_467 = tpu.memref_slice %arg13[%dma_wait3A_465, %dma_wait3A_466] : memref<10240x128xf32, #tpu.memory_space<vmem_shared>> -> memref<10240x128xf32, #tpu.memory_space<vmem_shared>>
        tpu.wait_indirect_dma semaphore(%run_scoped3A : memref<!tpu.dma_semaphore, #tpu.memory_space<semaphore_mem>>) src(%arg7 : memref<128x128xf32, #tpu.memory_space<vmem>>) dst(%dma_wait3A_467 : memref<10240x128xf32, #tpu.memory_space<vmem_shared>>)
        tpu.yield
      }) : () -> ()
      %add3A_334 = arith.constant 2 : i32
      %add3A_335 = arith.addi %mul3A_205, %add3A_334 : i32
      %mul3A_336 = arith.constant 128 : i32
      %mul3A_337 = arith.muli %add3A_335, %mul3A_336 : i32
      %add3A_338 = arith.constant 0 : i32
      %add3A_339 = arith.addi %mul3A_337, %add3A_338 : i32
      %get3A_340 = arith.index_cast %add3A_339 : i32 to index
      %get3A_341 = tpu.vector_load %arg6[%get3A_340] {strides = array<i32>} : memref<10240xi32, #tpu.memory_space<vmem>>, vector<16xi32>,
      %get3A_342 = vector.shape_cast %get3A_341 : vector<16xi32> to vector<16xi32>
      %add3A_343 = vector.broadcast %mul3A_0 : i32 to vector<16xi32>
      %add3A_344 = arith.addi %get3A_342, %add3A_343 : vector<16xi32>
      %swap3A_345 = arith.constant 0 : index
      %swap3A_346 = tpu.vector_load %arg9[%swap3A_345] {strides = array<i32>} : memref<128xi32, #tpu.memory_space<vmem>>, vector<16xi32>,
      %swap3A_347 = vector.shape_cast %swap3A_346 : vector<16xi32> to vector<16xi32>
      %swap3A_348 = vector.shape_cast %add3A_344 : vector<16xi32> to vector<16xi32>
      tpu.vector_store %arg9[%swap3A_345], %swap3A_348 {strides = array<i32>} : memref<128xi32, #tpu.memory_space<vmem>>, vector<16xi32>,
      %mul3A_349 = arith.constant 128 : i32
      %mul3A_350 = arith.muli %add3A_335, %mul3A_349 : i32
      %add3A_351 = arith.constant 16 : i32
      %add3A_352 = arith.addi %mul3A_350, %add3A_351 : i32
      %get3A_353 = arith.index_cast %add3A_352 : i32 to index
      %get3A_354 = tpu.vector_load %arg6[%get3A_353] {strides = array<i32>} : memref<10240xi32, #tpu.memory_space<vmem>>, vector<16xi32>,
      %get3A_355 = vector.shape_cast %get3A_354 : vector<16xi32> to vector<16xi32>
      %add3A_356 = vector.broadcast %mul3A_0 : i32 to vector<16xi32>
      %add3A_357 = arith.addi %get3A_355, %add3A_356 : vector<16xi32>
      %swap3A_358 = arith.constant 16 : index
      %swap3A_359 = tpu.vector_load %arg9[%swap3A_358] {strides = array<i32>} : memref<128xi32, #tpu.memory_space<vmem>>, vector<16xi32>,
      %swap3A_360 = vector.shape_cast %swap3A_359 : vector<16xi32> to vector<16xi32>
      %swap3A_361 = vector.shape_cast %add3A_357 : vector<16xi32> to vector<16xi32>
      tpu.vector_store %arg9[%swap3A_358], %swap3A_361 {strides = array<i32>} : memref<128xi32, #tpu.memory_space<vmem>>, vector<16xi32>,
      %mul3A_362 = arith.constant 128 : i32
      %mul3A_363 = arith.muli %add3A_335, %mul3A_362 : i32
      %add3A_364 = arith.constant 32 : i32
      %add3A_365 = arith.addi %mul3A_363, %add3A_364 : i32
      %get3A_366 = arith.index_cast %add3A_365 : i32 to index
      %get3A_367 = tpu.vector_load %arg6[%get3A_366] {strides = array<i32>} : memref<10240xi32, #tpu.memory_space<vmem>>, vector<16xi32>,
      %get3A_368 = vector.shape_cast %get3A_367 : vector<16xi32> to vector<16xi32>
      %add3A_369 = vector.broadcast %mul3A_0 : i32 to vector<16xi32>
      %add3A_370 = arith.addi %get3A_368, %add3A_369 : vector<16xi32>
      %swap3A_371 = arith.constant 32 : index
      %swap3A_372 = tpu.vector_load %arg9[%swap3A_371] {strides = array<i32>} : memref<128xi32, #tpu.memory_space<vmem>>, vector<16xi32>,
      %swap3A_373 = vector.shape_cast %swap3A_372 : vector<16xi32> to vector<16xi32>
      %swap3A_374 = vector.shape_cast %add3A_370 : vector<16xi32> to vector<16xi32>
      tpu.vector_store %arg9[%swap3A_371], %swap3A_374 {strides = array<i32>} : memref<128xi32, #tpu.memory_space<vmem>>, vector<16xi32>,
      %mul3A_375 = arith.constant 128 : i32
      %mul3A_376 = arith.muli %add3A_335, %mul3A_375 : i32
      %add3A_377 = arith.constant 48 : i32
      %add3A_378 = arith.addi %mul3A_376, %add3A_377 : i32
      %get3A_379 = arith.index_cast %add3A_378 : i32 to index
      %get3A_380 = tpu.vector_load %arg6[%get3A_379] {strides = array<i32>} : memref<10240xi32, #tpu.memory_space<vmem>>, vector<16xi32>,
      %get3A_381 = vector.shape_cast %get3A_380 : vector<16xi32> to vector<16xi32>
      %add3A_382 = vector.broadcast %mul3A_0 : i32 to vector<16xi32>
      %add3A_383 = arith.addi %get3A_381, %add3A_382 : vector<16xi32>
      %swap3A_384 = arith.constant 48 : index
      %swap3A_385 = tpu.vector_load %arg9[%swap3A_384] {strides = array<i32>} : memref<128xi32, #tpu.memory_space<vmem>>, vector<16xi32>,
      %swap3A_386 = vector.shape_cast %swap3A_385 : vector<16xi32> to vector<16xi32>
      %swap3A_387 = vector.shape_cast %add3A_383 : vector<16xi32> to vector<16xi32>
      tpu.vector_store %arg9[%swap3A_384], %swap3A_387 {strides = array<i32>} : memref<128xi32, #tpu.memory_space<vmem>>, vector<16xi32>,
      %mul3A_388 = arith.constant 128 : i32
      %mul3A_389 = arith.muli %add3A_335, %mul3A_388 : i32
      %add3A_390 = arith.constant 64 : i32
      %add3A_391 = arith.addi %mul3A_389, %add3A_390 : i32
      %get3A_392 = arith.index_cast %add3A_391 : i32 to index
      %get3A_393 = tpu.vector_load %arg6[%get3A_392] {strides = array<i32>} : memref<10240xi32, #tpu.memory_space<vmem>>, vector<16xi32>,
      %get3A_394 = vector.shape_cast %get3A_393 : vector<16xi32> to vector<16xi32>
      %add3A_395 = vector.broadcast %mul3A_0 : i32 to vector<16xi32>
      %add3A_396 = arith.addi %get3A_394, %add3A_395 : vector<16xi32>
      %swap3A_397 = arith.constant 64 : index
      %swap3A_398 = tpu.vector_load %arg9[%swap3A_397] {strides = array<i32>} : memref<128xi32, #tpu.memory_space<vmem>>, vector<16xi32>,
      %swap3A_399 = vector.shape_cast %swap3A_398 : vector<16xi32> to vector<16xi32>
      %swap3A_400 = vector.shape_cast %add3A_396 : vector<16xi32> to vector<16xi32>
      tpu.vector_store %arg9[%swap3A_397], %swap3A_400 {strides = array<i32>} : memref<128xi32, #tpu.memory_space<vmem>>, vector<16xi32>,
      %mul3A_401 = arith.constant 128 : i32
      %mul3A_402 = arith.muli %add3A_335, %mul3A_401 : i32
      %add3A_403 = arith.constant 80 : i32
      %add3A_404 = arith.addi %mul3A_402, %add3A_403 : i32
      %get3A_405 = arith.index_cast %add3A_404 : i32 to index
      %get3A_406 = tpu.vector_load %arg6[%get3A_405] {strides = array<i32>} : memref<10240xi32, #tpu.memory_space<vmem>>, vector<16xi32>,
      %get3A_407 = vector.shape_cast %get3A_406 : vector<16xi32> to vector<16xi32>
      %add3A_408 = vector.broadcast %mul3A_0 : i32 to vector<16xi32>
      %add3A_409 = arith.addi %get3A_407, %add3A_408 : vector<16xi32>
      %swap3A_410 = arith.constant 80 : index
      %swap3A_411 = tpu.vector_load %arg9[%swap3A_410] {strides = array<i32>} : memref<128xi32, #tpu.memory_space<vmem>>, vector<16xi32>,
      %swap3A_412 = vector.shape_cast %swap3A_411 : vector<16xi32> to vector<16xi32>
      %swap3A_413 = vector.shape_cast %add3A_409 : vector<16xi32> to vector<16xi32>
      tpu.vector_store %arg9[%swap3A_410], %swap3A_413 {strides = array<i32>} : memref<128xi32, #tpu.memory_space<vmem>>, vector<16xi32>,
      %mul3A_414 = arith.constant 128 : i32
      %mul3A_415 = arith.muli %add3A_335, %mul3A_414 : i32
      %add3A_416 = arith.constant 96 : i32
      %add3A_417 = arith.addi %mul3A_415, %add3A_416 : i32
      %get3A_418 = arith.index_cast %add3A_417 : i32 to index
      %get3A_419 = tpu.vector_load %arg6[%get3A_418] {strides = array<i32>} : memref<10240xi32, #tpu.memory_space<vmem>>, vector<16xi32>,
      %get3A_420 = vector.shape_cast %get3A_419 : vector<16xi32> to vector<16xi32>
      %add3A_421 = vector.broadcast %mul3A_0 : i32 to vector<16xi32>
      %add3A_422 = arith.addi %get3A_420, %add3A_421 : vector<16xi32>
      %swap3A_423 = arith.constant 96 : index
      %swap3A_424 = tpu.vector_load %arg9[%swap3A_423] {strides = array<i32>} : memref<128xi32, #tpu.memory_space<vmem>>, vector<16xi32>,
      %swap3A_425 = vector.shape_cast %swap3A_424 : vector<16xi32> to vector<16xi32>
      %swap3A_426 = vector.shape_cast %add3A_422 : vector<16xi32> to vector<16xi32>
      tpu.vector_store %arg9[%swap3A_423], %swap3A_426 {strides = array<i32>} : memref<128xi32, #tpu.memory_space<vmem>>, vector<16xi32>,
      %mul3A_427 = arith.constant 128 : i32
      %mul3A_428 = arith.muli %add3A_335, %mul3A_427 : i32
      %add3A_429 = arith.constant 112 : i32
      %add3A_430 = arith.addi %mul3A_428, %add3A_429 : i32
      %get3A_431 = arith.index_cast %add3A_430 : i32 to index
      %get3A_432 = tpu.vector_load %arg6[%get3A_431] {strides = array<i32>} : memref<10240xi32, #tpu.memory_space<vmem>>, vector<16xi32>,
      %get3A_433 = vector.shape_cast %get3A_432 : vector<16xi32> to vector<16xi32>
      %add3A_434 = vector.broadcast %mul3A_0 : i32 to vector<16xi32>
      %add3A_435 = arith.addi %get3A_433, %add3A_434 : vector<16xi32>
      %swap3A_436 = arith.constant 112 : index
      %swap3A_437 = tpu.vector_load %arg9[%swap3A_436] {strides = array<i32>} : memref<128xi32, #tpu.memory_space<vmem>>, vector<16xi32>,
      %swap3A_438 = vector.shape_cast %swap3A_437 : vector<16xi32> to vector<16xi32>
      %swap3A_439 = vector.shape_cast %add3A_435 : vector<16xi32> to vector<16xi32>
      tpu.vector_store %arg9[%swap3A_436], %swap3A_439 {strides = array<i32>} : memref<128xi32, #tpu.memory_space<vmem>>, vector<16xi32>,
      %dma_start3A_440 = arith.constant 0 : i32
      %dma_start3A_441 = arith.constant 0 : i32
      %dma_start3A_442 = tpu.memref_slice %arg2[%dma_start3A_440, %dma_start3A_441] : memref<20480x128xf32, #tpu.memory_space<hbm>> -> memref<20480x128xf32, #tpu.memory_space<hbm>>
      tpu.enqueue_indirect_dma source(%dma_start3A_442 : memref<20480x128xf32, #tpu.memory_space<hbm>>) target(%arg7 : memref<128x128xf32, #tpu.memory_space<vmem>>) offsets(%arg9 : memref<128xi32, #tpu.memory_space<vmem>>) semaphore(%arg14 : memref<!tpu.dma_semaphore, #tpu.memory_space<semaphore_mem>>)
      %mul3A_443 = arith.constant 80 : i32
      %mul3A_444 = arith.muli %arg1, %mul3A_443 : i32
      %add3A_445 = arith.addi %mul3A_444, %add3A_335 : i32
      %dma_start3A_446 = arith.constant 0 : i32
      %dma_start3A_447 = tpu.memref_slice %arg4[%add3A_445, %dma_start3A_446] : memref<1280x128xi32, #tpu.memory_space<hbm>> -> memref<1x128xi32, #tpu.memory_space<hbm>>
      %dma_start3A_448 = tpu.memref_squeeze %dma_start3A_447 : memref<1x128xi32, #tpu.memory_space<hbm>> -> memref<128xi32, #tpu.memory_space<hbm>>
      %dma_start3A_449 = arith.constant 0 : i32
      %dma_start3A_450 = tpu.memref_slice %arg4[%add3A_445, %dma_start3A_449] : memref<1280x128xi32, #tpu.memory_space<hbm>> -> memref<1x128xi32, #tpu.memory_space<hbm>>
      %dma_start3A_451 = tpu.memref_squeeze %dma_start3A_450 : memref<1x128xi32, #tpu.memory_space<hbm>> -> memref<128xi32, #tpu.memory_space<hbm>>
      tpu.enqueue_dma source(%dma_start3A_451 : memref<128xi32, #tpu.memory_space<hbm>>) target(%arg11 : memref<128xi32, #tpu.memory_space<vmem>>) target_semaphore(%arg14 : memref<!tpu.dma_semaphore, #tpu.memory_space<semaphore_mem>>)
      %dma_wait3A_452 = arith.constant 0 : i32
      %dma_wait3A_453 = arith.constant 0 : i32
      %dma_wait3A_454 = tpu.memref_slice %arg2[%dma_wait3A_452, %dma_wait3A_453] : memref<20480x128xf32, #tpu.memory_space<hbm>> -> memref<20480x128xf32, #tpu.memory_space<hbm>>
      tpu.wait_indirect_dma semaphore(%arg15 : memref<!tpu.dma_semaphore, #tpu.memory_space<semaphore_mem>>) src(%dma_wait3A_454 : memref<20480x128xf32, #tpu.memory_space<hbm>>) dst(%arg8 : memref<128x128xf32, #tpu.memory_space<vmem>>)
      %dma_wait3A_455 = arith.constant 0 : i32
      %dma_wait3A_456 = arith.constant 0 : i32
      %dma_wait3A_457 = tpu.memref_slice %arg4[%dma_wait3A_455, %dma_wait3A_456] : memref<1280x128xi32, #tpu.memory_space<hbm>> -> memref<1x128xi32, #tpu.memory_space<hbm>>
      %dma_wait3A_458 = tpu.memref_squeeze %dma_wait3A_457 : memref<1x128xi32, #tpu.memory_space<hbm>> -> memref<128xi32, #tpu.memory_space<hbm>>
      %dma_wait3A_459 = arith.constant 0 : i32
      %dma_wait3A_460 = tpu.memref_slice %arg4[%dma_wait3A_455, %dma_wait3A_459] : memref<1280x128xi32, #tpu.memory_space<hbm>> -> memref<1x128xi32, #tpu.memory_space<hbm>>
      %dma_wait3A_461 = tpu.memref_squeeze %dma_wait3A_460 : memref<1x128xi32, #tpu.memory_space<hbm>> -> memref<128xi32, #tpu.memory_space<hbm>>
      tpu.wait_dma2 semaphore(%arg15 : memref<!tpu.dma_semaphore, #tpu.memory_space<semaphore_mem>>) src(%dma_wait3A_461 : memref<128xi32, #tpu.memory_space<hbm>>) dst(%arg12 : memref<128xi32, #tpu.memory_space<vmem>>)
      "tpu.region"() ({
        %run_scoped3A = tpu.sem_alloc : memref<!tpu.dma_semaphore, #tpu.memory_space<semaphore_mem>>
        %dma_start3A_462 = arith.constant 0 : i32
        %dma_start3A_463 = arith.constant 0 : i32
        %dma_start3A_464 = tpu.memref_slice %arg13[%dma_start3A_462, %dma_start3A_463] : memref<10240x128xf32, #tpu.memory_space<vmem_shared>> -> memref<10240x128xf32, #tpu.memory_space<vmem_shared>>
        tpu.enqueue_indirect_dma source(%arg8 : memref<128x128xf32, #tpu.memory_space<vmem>>) target(%dma_start3A_464 : memref<10240x128xf32, #tpu.memory_space<vmem_shared>>) offsets(%arg12 : memref<128xi32, #tpu.memory_space<vmem>>) semaphore(%run_scoped3A : memref<!tpu.dma_semaphore, #tpu.memory_space<semaphore_mem>>) {add = true}
        %dma_wait3A_465 = arith.constant 0 : i32
        %dma_wait3A_466 = arith.constant 0 : i32
        %dma_wait3A_467 = tpu.memref_slice %arg13[%dma_wait3A_465, %dma_wait3A_466] : memref<10240x128xf32, #tpu.memory_space<vmem_shared>> -> memref<10240x128xf32, #tpu.memory_space<vmem_shared>>
        tpu.wait_indirect_dma semaphore(%run_scoped3A : memref<!tpu.dma_semaphore, #tpu.memory_space<semaphore_mem>>) src(%arg8 : memref<128x128xf32, #tpu.memory_space<vmem>>) dst(%dma_wait3A_467 : memref<10240x128xf32, #tpu.memory_space<vmem_shared>>)
        tpu.yield
      }) : () -> ()
    }
    %scan3A_92 = arith.constant 39 : i32
    %get3A_93 = arith.constant 10112 : index
    %get3A_94 = tpu.vector_load %arg6[%get3A_93] {strides = array<i32>} : memref<10240xi32, #tpu.memory_space<vmem>>, vector<16xi32>,
    %get3A_95 = vector.shape_cast %get3A_94 : vector<16xi32> to vector<16xi32>
    %add3A_96 = vector.broadcast %mul3A_0 : i32 to vector<16xi32>
    %add3A_97 = arith.addi %get3A_95, %add3A_96 : vector<16xi32>
    %swap3A_98 = arith.constant 0 : index
    %swap3A_99 = tpu.vector_load %arg10[%swap3A_98] {strides = array<i32>} : memref<128xi32, #tpu.memory_space<vmem>>, vector<16xi32>,
    %swap3A_100 = vector.shape_cast %swap3A_99 : vector<16xi32> to vector<16xi32>
    %swap3A_101 = vector.shape_cast %add3A_97 : vector<16xi32> to vector<16xi32>
    tpu.vector_store %arg10[%swap3A_98], %swap3A_101 {strides = array<i32>} : memref<128xi32, #tpu.memory_space<vmem>>, vector<16xi32>,
    %get3A_102 = arith.constant 10128 : index
    %get3A_103 = tpu.vector_load %arg6[%get3A_102] {strides = array<i32>} : memref<10240xi32, #tpu.memory_space<vmem>>, vector<16xi32>,
    %get3A_104 = vector.shape_cast %get3A_103 : vector<16xi32> to vector<16xi32>
    %add3A_105 = vector.broadcast %mul3A_0 : i32 to vector<16xi32>
    %add3A_106 = arith.addi %get3A_104, %add3A_105 : vector<16xi32>
    %swap3A_107 = arith.constant 16 : index
    %swap3A_108 = tpu.vector_load %arg10[%swap3A_107] {strides = array<i32>} : memref<128xi32, #tpu.memory_space<vmem>>, vector<16xi32>,
    %swap3A_109 = vector.shape_cast %swap3A_108 : vector<16xi32> to vector<16xi32>
    %swap3A_110 = vector.shape_cast %add3A_106 : vector<16xi32> to vector<16xi32>
    tpu.vector_store %arg10[%swap3A_107], %swap3A_110 {strides = array<i32>} : memref<128xi32, #tpu.memory_space<vmem>>, vector<16xi32>,
    %get3A_111 = arith.constant 10144 : index
    %get3A_112 = tpu.vector_load %arg6[%get3A_111] {strides = array<i32>} : memref<10240xi32, #tpu.memory_space<vmem>>, vector<16xi32>,
    %get3A_113 = vector.shape_cast %get3A_112 : vector<16xi32> to vector<16xi32>
    %add3A_114 = vector.broadcast %mul3A_0 : i32 to vector<16xi32>
    %add3A_115 = arith.addi %get3A_113, %add3A_114 : vector<16xi32>
    %swap3A_116 = arith.constant 32 : index
    %swap3A_117 = tpu.vector_load %arg10[%swap3A_116] {strides = array<i32>} : memref<128xi32, #tpu.memory_space<vmem>>, vector<16xi32>,
    %swap3A_118 = vector.shape_cast %swap3A_117 : vector<16xi32> to vector<16xi32>
    %swap3A_119 = vector.shape_cast %add3A_115 : vector<16xi32> to vector<16xi32>
    tpu.vector_store %arg10[%swap3A_116], %swap3A_119 {strides = array<i32>} : memref<128xi32, #tpu.memory_space<vmem>>, vector<16xi32>,
    %get3A_120 = arith.constant 10160 : index
    %get3A_121 = tpu.vector_load %arg6[%get3A_120] {strides = array<i32>} : memref<10240xi32, #tpu.memory_space<vmem>>, vector<16xi32>,
    %get3A_122 = vector.shape_cast %get3A_121 : vector<16xi32> to vector<16xi32>
    %add3A_123 = vector.broadcast %mul3A_0 : i32 to vector<16xi32>
    %add3A_124 = arith.addi %get3A_122, %add3A_123 : vector<16xi32>
    %swap3A_125 = arith.constant 48 : index
    %swap3A_126 = tpu.vector_load %arg10[%swap3A_125] {strides = array<i32>} : memref<128xi32, #tpu.memory_space<vmem>>, vector<16xi32>,
    %swap3A_127 = vector.shape_cast %swap3A_126 : vector<16xi32> to vector<16xi32>
    %swap3A_128 = vector.shape_cast %add3A_124 : vector<16xi32> to vector<16xi32>
    tpu.vector_store %arg10[%swap3A_125], %swap3A_128 {strides = array<i32>} : memref<128xi32, #tpu.memory_space<vmem>>, vector<16xi32>,
    %get3A_129 = arith.constant 10176 : index
    %get3A_130 = tpu.vector_load %arg6[%get3A_129] {strides = array<i32>} : memref<10240xi32, #tpu.memory_space<vmem>>, vector<16xi32>,
    %get3A_131 = vector.shape_cast %get3A_130 : vector<16xi32> to vector<16xi32>
    %add3A_132 = vector.broadcast %mul3A_0 : i32 to vector<16xi32>
    %add3A_133 = arith.addi %get3A_131, %add3A_132 : vector<16xi32>
    %swap3A_134 = arith.constant 64 : index
    %swap3A_135 = tpu.vector_load %arg10[%swap3A_134] {strides = array<i32>} : memref<128xi32, #tpu.memory_space<vmem>>, vector<16xi32>,
    %swap3A_136 = vector.shape_cast %swap3A_135 : vector<16xi32> to vector<16xi32>
    %swap3A_137 = vector.shape_cast %add3A_133 : vector<16xi32> to vector<16xi32>
    tpu.vector_store %arg10[%swap3A_134], %swap3A_137 {strides = array<i32>} : memref<128xi32, #tpu.memory_space<vmem>>, vector<16xi32>,
    %get3A_138 = arith.constant 10192 : index
    %get3A_139 = tpu.vector_load %arg6[%get3A_138] {strides = array<i32>} : memref<10240xi32, #tpu.memory_space<vmem>>, vector<16xi32>,
    %get3A_140 = vector.shape_cast %get3A_139 : vector<16xi32> to vector<16xi32>
    %add3A_141 = vector.broadcast %mul3A_0 : i32 to vector<16xi32>
    %add3A_142 = arith.addi %get3A_140, %add3A_141 : vector<16xi32>
    %swap3A_143 = arith.constant 80 : index
    %swap3A_144 = tpu.vector_load %arg10[%swap3A_143] {strides = array<i32>} : memref<128xi32, #tpu.memory_space<vmem>>, vector<16xi32>,
    %swap3A_145 = vector.shape_cast %swap3A_144 : vector<16xi32> to vector<16xi32>
    %swap3A_146 = vector.shape_cast %add3A_142 : vector<16xi32> to vector<16xi32>
    tpu.vector_store %arg10[%swap3A_143], %swap3A_146 {strides = array<i32>} : memref<128xi32, #tpu.memory_space<vmem>>, vector<16xi32>,
    %get3A_147 = arith.constant 10208 : index
    %get3A_148 = tpu.vector_load %arg6[%get3A_147] {strides = array<i32>} : memref<10240xi32, #tpu.memory_space<vmem>>, vector<16xi32>,
    %get3A_149 = vector.shape_cast %get3A_148 : vector<16xi32> to vector<16xi32>
    %add3A_150 = vector.broadcast %mul3A_0 : i32 to vector<16xi32>
    %add3A_151 = arith.addi %get3A_149, %add3A_150 : vector<16xi32>
    %swap3A_152 = arith.constant 96 : index
    %swap3A_153 = tpu.vector_load %arg10[%swap3A_152] {strides = array<i32>} : memref<128xi32, #tpu.memory_space<vmem>>, vector<16xi32>,
    %swap3A_154 = vector.shape_cast %swap3A_153 : vector<16xi32> to vector<16xi32>
    %swap3A_155 = vector.shape_cast %add3A_151 : vector<16xi32> to vector<16xi32>
    tpu.vector_store %arg10[%swap3A_152], %swap3A_155 {strides = array<i32>} : memref<128xi32, #tpu.memory_space<vmem>>, vector<16xi32>,
    %get3A_156 = arith.constant 10224 : index
    %get3A_157 = tpu.vector_load %arg6[%get3A_156] {strides = array<i32>} : memref<10240xi32, #tpu.memory_space<vmem>>, vector<16xi32>,
    %get3A_158 = vector.shape_cast %get3A_157 : vector<16xi32> to vector<16xi32>
    %add3A_159 = vector.broadcast %mul3A_0 : i32 to vector<16xi32>
    %add3A_160 = arith.addi %get3A_158, %add3A_159 : vector<16xi32>
    %swap3A_161 = arith.constant 112 : index
    %swap3A_162 = tpu.vector_load %arg10[%swap3A_161] {strides = array<i32>} : memref<128xi32, #tpu.memory_space<vmem>>, vector<16xi32>,
    %swap3A_163 = vector.shape_cast %swap3A_162 : vector<16xi32> to vector<16xi32>
    %swap3A_164 = vector.shape_cast %add3A_160 : vector<16xi32> to vector<16xi32>
    tpu.vector_store %arg10[%swap3A_161], %swap3A_164 {strides = array<i32>} : memref<128xi32, #tpu.memory_space<vmem>>, vector<16xi32>,
    %dma_start3A_165 = arith.constant 0 : i32
    %dma_start3A_166 = arith.constant 0 : i32
    %dma_start3A_167 = tpu.memref_slice %arg2[%dma_start3A_165, %dma_start3A_166] : memref<20480x128xf32, #tpu.memory_space<hbm>> -> memref<20480x128xf32, #tpu.memory_space<hbm>>
    tpu.enqueue_indirect_dma source(%dma_start3A_167 : memref<20480x128xf32, #tpu.memory_space<hbm>>) target(%arg8 : memref<128x128xf32, #tpu.memory_space<vmem>>) offsets(%arg10 : memref<128xi32, #tpu.memory_space<vmem>>) semaphore(%arg15 : memref<!tpu.dma_semaphore, #tpu.memory_space<semaphore_mem>>)
    %mul3A_168 = arith.constant 80 : i32
    %mul3A_169 = arith.muli %arg1, %mul3A_168 : i32
    %add3A_170 = arith.constant 79 : i32
    %add3A_171 = arith.addi %mul3A_169, %add3A_170 : i32
    %dma_start3A_172 = arith.constant 0 : i32
    %dma_start3A_173 = tpu.memref_slice %arg4[%add3A_171, %dma_start3A_172] : memref<1280x128xi32, #tpu.memory_space<hbm>> -> memref<1x128xi32, #tpu.memory_space<hbm>>
    %dma_start3A_174 = tpu.memref_squeeze %dma_start3A_173 : memref<1x128xi32, #tpu.memory_space<hbm>> -> memref<128xi32, #tpu.memory_space<hbm>>
    %dma_start3A_175 = arith.constant 0 : i32
    %dma_start3A_176 = tpu.memref_slice %arg4[%add3A_171, %dma_start3A_175] : memref<1280x128xi32, #tpu.memory_space<hbm>> -> memref<1x128xi32, #tpu.memory_space<hbm>>
    %dma_start3A_177 = tpu.memref_squeeze %dma_start3A_176 : memref<1x128xi32, #tpu.memory_space<hbm>> -> memref<128xi32, #tpu.memory_space<hbm>>
    tpu.enqueue_dma source(%dma_start3A_177 : memref<128xi32, #tpu.memory_space<hbm>>) target(%arg12 : memref<128xi32, #tpu.memory_space<vmem>>) target_semaphore(%arg15 : memref<!tpu.dma_semaphore, #tpu.memory_space<semaphore_mem>>)
    %dma_wait3A = arith.constant 0 : i32
    %dma_wait3A_178 = arith.constant 0 : i32
    %dma_wait3A_179 = tpu.memref_slice %arg2[%dma_wait3A, %dma_wait3A_178] : memref<20480x128xf32, #tpu.memory_space<hbm>> -> memref<20480x128xf32, #tpu.memory_space<hbm>>
    tpu.wait_indirect_dma semaphore(%arg14 : memref<!tpu.dma_semaphore, #tpu.memory_space<semaphore_mem>>) src(%dma_wait3A_179 : memref<20480x128xf32, #tpu.memory_space<hbm>>) dst(%arg7 : memref<128x128xf32, #tpu.memory_space<vmem>>)
    %dma_wait3A_180 = arith.constant 0 : i32
    %dma_wait3A_181 = arith.constant 0 : i32
    %dma_wait3A_182 = tpu.memref_slice %arg4[%dma_wait3A_180, %dma_wait3A_181] : memref<1280x128xi32, #tpu.memory_space<hbm>> -> memref<1x128xi32, #tpu.memory_space<hbm>>
    %dma_wait3A_183 = tpu.memref_squeeze %dma_wait3A_182 : memref<1x128xi32, #tpu.memory_space<hbm>> -> memref<128xi32, #tpu.memory_space<hbm>>
    %dma_wait3A_184 = arith.constant 0 : i32
    %dma_wait3A_185 = tpu.memref_slice %arg4[%dma_wait3A_180, %dma_wait3A_184] : memref<1280x128xi32, #tpu.memory_space<hbm>> -> memref<1x128xi32, #tpu.memory_space<hbm>>
    %dma_wait3A_186 = tpu.memref_squeeze %dma_wait3A_185 : memref<1x128xi32, #tpu.memory_space<hbm>> -> memref<128xi32, #tpu.memory_space<hbm>>
    tpu.wait_dma2 semaphore(%arg14 : memref<!tpu.dma_semaphore, #tpu.memory_space<semaphore_mem>>) src(%dma_wait3A_186 : memref<128xi32, #tpu.memory_space<hbm>>) dst(%arg11 : memref<128xi32, #tpu.memory_space<vmem>>)
    "tpu.region"() ({
      %run_scoped3A = tpu.sem_alloc : memref<!tpu.dma_semaphore, #tpu.memory_space<semaphore_mem>>
      %dma_start3A_203 = arith.constant 0 : i32
      %dma_start3A_204 = arith.constant 0 : i32
      %dma_start3A_205 = tpu.memref_slice %arg13[%dma_start3A_203, %dma_start3A_204] : memref<10240x128xf32, #tpu.memory_space<vmem_shared>> -> memref<10240x128xf32, #tpu.memory_space<vmem_shared>>
      tpu.enqueue_indirect_dma source(%arg7 : memref<128x128xf32, #tpu.memory_space<vmem>>) target(%dma_start3A_205 : memref<10240x128xf32, #tpu.memory_space<vmem_shared>>) offsets(%arg11 : memref<128xi32, #tpu.memory_space<vmem>>) semaphore(%run_scoped3A : memref<!tpu.dma_semaphore, #tpu.memory_space<semaphore_mem>>) {add = true}
      %dma_wait3A_206 = arith.constant 0 : i32
      %dma_wait3A_207 = arith.constant 0 : i32
      %dma_wait3A_208 = tpu.memref_slice %arg13[%dma_wait3A_206, %dma_wait3A_207] : memref<10240x128xf32, #tpu.memory_space<vmem_shared>> -> memref<10240x128xf32, #tpu.memory_space<vmem_shared>>
      tpu.wait_indirect_dma semaphore(%run_scoped3A : memref<!tpu.dma_semaphore, #tpu.memory_space<semaphore_mem>>) src(%arg7 : memref<128x128xf32, #tpu.memory_space<vmem>>) dst(%dma_wait3A_208 : memref<10240x128xf32, #tpu.memory_space<vmem_shared>>)
      tpu.yield
    }) : () -> ()
    %dma_wait3A_187 = arith.constant 0 : i32
    %dma_wait3A_188 = arith.constant 0 : i32
    %dma_wait3A_189 = tpu.memref_slice %arg2[%dma_wait3A_187, %dma_wait3A_188] : memref<20480x128xf32, #tpu.memory_space<hbm>> -> memref<20480x128xf32, #tpu.memory_space<hbm>>
    tpu.wait_indirect_dma semaphore(%arg15 : memref<!tpu.dma_semaphore, #tpu.memory_space<semaphore_mem>>) src(%dma_wait3A_189 : memref<20480x128xf32, #tpu.memory_space<hbm>>) dst(%arg8 : memref<128x128xf32, #tpu.memory_space<vmem>>)
    %dma_wait3A_190 = arith.constant 0 : i32
    %dma_wait3A_191 = arith.constant 0 : i32
    %dma_wait3A_192 = tpu.memref_slice %arg4[%dma_wait3A_190, %dma_wait3A_191] : memref<1280x128xi32, #tpu.memory_space<hbm>> -> memref<1x128xi32, #tpu.memory_space<hbm>>
    %dma_wait3A_193 = tpu.memref_squeeze %dma_wait3A_192 : memref<1x128xi32, #tpu.memory_space<hbm>> -> memref<128xi32, #tpu.memory_space<hbm>>
    %dma_wait3A_194 = arith.constant 0 : i32
    %dma_wait3A_195 = tpu.memref_slice %arg4[%dma_wait3A_190, %dma_wait3A_194] : memref<1280x128xi32, #tpu.memory_space<hbm>> -> memref<1x128xi32, #tpu.memory_space<hbm>>
    %dma_wait3A_196 = tpu.memref_squeeze %dma_wait3A_195 : memref<1x128xi32, #tpu.memory_space<hbm>> -> memref<128xi32, #tpu.memory_space<hbm>>
    tpu.wait_dma2 semaphore(%arg15 : memref<!tpu.dma_semaphore, #tpu.memory_space<semaphore_mem>>) src(%dma_wait3A_196 : memref<128xi32, #tpu.memory_space<hbm>>) dst(%arg12 : memref<128xi32, #tpu.memory_space<vmem>>)
    "tpu.region"() ({
      %run_scoped3A = tpu.sem_alloc : memref<!tpu.dma_semaphore, #tpu.memory_space<semaphore_mem>>
      %dma_start3A_203 = arith.constant 0 : i32
      %dma_start3A_204 = arith.constant 0 : i32
      %dma_start3A_205 = tpu.memref_slice %arg13[%dma_start3A_203, %dma_start3A_204] : memref<10240x128xf32, #tpu.memory_space<vmem_shared>> -> memref<10240x128xf32, #tpu.memory_space<vmem_shared>>
      tpu.enqueue_indirect_dma source(%arg8 : memref<128x128xf32, #tpu.memory_space<vmem>>) target(%dma_start3A_205 : memref<10240x128xf32, #tpu.memory_space<vmem_shared>>) offsets(%arg12 : memref<128xi32, #tpu.memory_space<vmem>>) semaphore(%run_scoped3A : memref<!tpu.dma_semaphore, #tpu.memory_space<semaphore_mem>>) {add = true}
      %dma_wait3A_206 = arith.constant 0 : i32
      %dma_wait3A_207 = arith.constant 0 : i32
      %dma_wait3A_208 = tpu.memref_slice %arg13[%dma_wait3A_206, %dma_wait3A_207] : memref<10240x128xf32, #tpu.memory_space<vmem_shared>> -> memref<10240x128xf32, #tpu.memory_space<vmem_shared>>
      tpu.wait_indirect_dma semaphore(%run_scoped3A : memref<!tpu.dma_semaphore, #tpu.memory_space<semaphore_mem>>) src(%arg8 : memref<128x128xf32, #tpu.memory_space<vmem>>) dst(%dma_wait3A_208 : memref<10240x128xf32, #tpu.memory_space<vmem_shared>>)
      tpu.yield
    }) : () -> ()
    %barrier3A_197 = arith.constant 0 : index
    tpu.barrier barrier_id(%barrier3A_197)
    %mul3A_198 = arith.constant 640 : i32
    %mul3A_199 = arith.muli %arg1, %mul3A_198 : i32
    %mul3A_200 = arith.constant 640 : i32
    %mul3A_201 = arith.muli %arg1, %mul3A_200 : i32
    %add3A_202 = arith.addi %mul3A_0, %mul3A_201 : i32
    "tpu.region"() ({
      %run_scoped3A = tpu.sem_alloc : memref<!tpu.dma_semaphore, #tpu.memory_space<semaphore_mem>>
      %dma_start3A_203 = arith.constant 0 : i32
      %dma_start3A_204 = tpu.memref_slice %arg5[%add3A_202, %dma_start3A_203] : memref<20480x128xf32, #tpu.memory_space<hbm>> -> memref<640x128xf32, #tpu.memory_space<hbm>>
      %dma_start3A_205 = arith.constant 0 : i32
      %dma_start3A_206 = tpu.memref_slice %arg13[%mul3A_199, %dma_start3A_205] : memref<10240x128xf32, #tpu.memory_space<vmem_shared>> -> memref<640x128xf32, #tpu.memory_space<vmem_shared>>
      tpu.enqueue_dma source(%dma_start3A_206 : memref<640x128xf32, #tpu.memory_space<vmem_shared>>) target(%dma_start3A_204 : memref<640x128xf32, #tpu.memory_space<hbm>>) target_semaphore(%run_scoped3A : memref<!tpu.dma_semaphore, #tpu.memory_space<semaphore_mem>>)
      %dma_wait3A_207 = arith.constant 0 : i32
      %dma_wait3A_208 = tpu.memref_slice %arg5[%add3A_202, %dma_wait3A_207] : memref<20480x128xf32, #tpu.memory_space<hbm>> -> memref<640x128xf32, #tpu.memory_space<hbm>>
      %dma_wait3A_209 = arith.constant 0 : i32
      %dma_wait3A_210 = tpu.memref_slice %arg13[%mul3A_199, %dma_wait3A_209] : memref<10240x128xf32, #tpu.memory_space<vmem_shared>> -> memref<640x128xf32, #tpu.memory_space<vmem_shared>>
      tpu.wait_dma2 semaphore(%run_scoped3A : memref<!tpu.dma_semaphore, #tpu.memory_space<semaphore_mem>>) src(%dma_wait3A_210 : memref<640x128xf32, #tpu.memory_space<vmem_shared>>) dst(%dma_wait3A_208 : memref<640x128xf32, #tpu.memory_space<hbm>>)
      tpu.yield
    }) : () -> ()
    return
  }
}

#map = affine_map<(d0, d1) -> (0)>
#map1 = affine_map<(d0, d1) -> (0, 0)>
module attributes {stable_mosaic.version = 14 : i64} {
  func.func @deg_kernel(%arg0: i32, %arg1: i32, %arg2: memref<163840xi32, #tpu.memory_space<hbm>>, %arg3: memref<10240xf32, #tpu.memory_space<hbm>>, %arg4: memref<32x10240xf32, #tpu.memory_space<hbm>>, %arg5: memref<5120xi32, #tpu.memory_space<vmem>>, %arg6: memref<10240xf32, #tpu.memory_space<vmem>>) attributes {dimension_semantics = [#tpu.dimension_semantics<core_parallel>, #tpu.dimension_semantics<subcore_parallel>], iteration_bounds = array<i64: 2, 16>, scalar_prefetch = 0 : i64, scratch_operands = 2 : i64, tpu.core_type = #tpu.core_type<sc_vector_subcore>, window_params = [{transform_indices = #map}, {transform_indices = #map}, {transform_indices = #map1}]} {
    %mul3A = arith.constant 16 : i32
    %mul3A_0 = arith.muli %arg0, %mul3A : i32
    %add3A = arith.addi %mul3A_0, %arg1 : i32
    %mul3A_1 = arith.constant 40 : i32
    %mul3A_2 = arith.muli %add3A, %mul3A_1 : i32
    %mul3A_3 = arith.constant 128 : i32
    %mul3A_4 = arith.muli %mul3A_2, %mul3A_3 : i32
    "tpu.region"() ({
      %run_scoped3A = tpu.sem_alloc : memref<!tpu.dma_semaphore, #tpu.memory_space<semaphore_mem>>
      %dma_start3A = tpu.memref_slice %arg2[%mul3A_4] : memref<163840xi32, #tpu.memory_space<hbm>> -> memref<5120xi32, #tpu.memory_space<hbm>>
      %dma_start3A_10 = tpu.memref_slice %arg2[%mul3A_4] : memref<163840xi32, #tpu.memory_space<hbm>> -> memref<5120xi32, #tpu.memory_space<hbm>>
      tpu.enqueue_dma source(%dma_start3A_10 : memref<5120xi32, #tpu.memory_space<hbm>>) target(%arg5 : memref<5120xi32, #tpu.memory_space<vmem>>) target_semaphore(%run_scoped3A : memref<!tpu.dma_semaphore, #tpu.memory_space<semaphore_mem>>)
      %dma_wait3A = tpu.memref_slice %arg2[%mul3A_4] : memref<163840xi32, #tpu.memory_space<hbm>> -> memref<5120xi32, #tpu.memory_space<hbm>>
      %dma_wait3A_11 = tpu.memref_slice %arg2[%mul3A_4] : memref<163840xi32, #tpu.memory_space<hbm>> -> memref<5120xi32, #tpu.memory_space<hbm>>
      tpu.wait_dma2 semaphore(%run_scoped3A : memref<!tpu.dma_semaphore, #tpu.memory_space<semaphore_mem>>) src(%dma_wait3A_11 : memref<5120xi32, #tpu.memory_space<hbm>>) dst(%arg5 : memref<5120xi32, #tpu.memory_space<vmem>>)
      tpu.yield
    }) : () -> ()
    "tpu.region"() ({
      %run_scoped3A = tpu.sem_alloc : memref<!tpu.dma_semaphore, #tpu.memory_space<semaphore_mem>>
      tpu.enqueue_dma source(%arg3 : memref<10240xf32, #tpu.memory_space<hbm>>) target(%arg6 : memref<10240xf32, #tpu.memory_space<vmem>>) target_semaphore(%run_scoped3A : memref<!tpu.dma_semaphore, #tpu.memory_space<semaphore_mem>>)
      tpu.wait_dma2 semaphore(%run_scoped3A : memref<!tpu.dma_semaphore, #tpu.memory_space<semaphore_mem>>) src(%arg3 : memref<10240xf32, #tpu.memory_space<hbm>>) dst(%arg6 : memref<10240xf32, #tpu.memory_space<vmem>>)
      tpu.yield
    }) : () -> ()
    %broadcast_in_dim3A = arith.constant 1.000000e+00 : f32
    %broadcast_in_dim3A_5 = vector.broadcast %broadcast_in_dim3A : f32 to vector<16xf32>
    %scan3A = arith.constant 0 : i32
    %scan3A_6 = arith.constant 40 : i32
    %scan3A_7 = arith.addi %scan3A, %scan3A_6 : i32
    %scan3A_8 = arith.constant 1 : i32
    scf.for %scan3A_10 = %scan3A to %scan3A_7 step %scan3A_8  : i32 {
      %mul3A_11 = arith.constant 128 : i32
      %mul3A_12 = arith.muli %scan3A_10, %mul3A_11 : i32
      %add3A_13 = arith.constant 0 : i32
      %add3A_14 = arith.addi %mul3A_12, %add3A_13 : i32
      %get3A = arith.index_cast %add3A_14 : i32 to index
      %get3A_15 = tpu.vector_load %arg5[%get3A] {strides = array<i32>} : memref<5120xi32, #tpu.memory_space<vmem>>, vector<16xi32>,
      tpu.vector_store_idx %arg6[%get3A_15], %broadcast_in_dim3A_5 {add = true} : memref<10240xf32, #tpu.memory_space<vmem>>[vector<16xi32>], vector<16xf32>,
      %mul3A_16 = arith.constant 128 : i32
      %mul3A_17 = arith.muli %scan3A_10, %mul3A_16 : i32
      %add3A_18 = arith.constant 16 : i32
      %add3A_19 = arith.addi %mul3A_17, %add3A_18 : i32
      %get3A_20 = arith.index_cast %add3A_19 : i32 to index
      %get3A_21 = tpu.vector_load %arg5[%get3A_20] {strides = array<i32>} : memref<5120xi32, #tpu.memory_space<vmem>>, vector<16xi32>,
      tpu.vector_store_idx %arg6[%get3A_21], %broadcast_in_dim3A_5 {add = true} : memref<10240xf32, #tpu.memory_space<vmem>>[vector<16xi32>], vector<16xf32>,
      %mul3A_22 = arith.constant 128 : i32
      %mul3A_23 = arith.muli %scan3A_10, %mul3A_22 : i32
      %add3A_24 = arith.constant 32 : i32
      %add3A_25 = arith.addi %mul3A_23, %add3A_24 : i32
      %get3A_26 = arith.index_cast %add3A_25 : i32 to index
      %get3A_27 = tpu.vector_load %arg5[%get3A_26] {strides = array<i32>} : memref<5120xi32, #tpu.memory_space<vmem>>, vector<16xi32>,
      tpu.vector_store_idx %arg6[%get3A_27], %broadcast_in_dim3A_5 {add = true} : memref<10240xf32, #tpu.memory_space<vmem>>[vector<16xi32>], vector<16xf32>,
      %mul3A_28 = arith.constant 128 : i32
      %mul3A_29 = arith.muli %scan3A_10, %mul3A_28 : i32
      %add3A_30 = arith.constant 48 : i32
      %add3A_31 = arith.addi %mul3A_29, %add3A_30 : i32
      %get3A_32 = arith.index_cast %add3A_31 : i32 to index
      %get3A_33 = tpu.vector_load %arg5[%get3A_32] {strides = array<i32>} : memref<5120xi32, #tpu.memory_space<vmem>>, vector<16xi32>,
      tpu.vector_store_idx %arg6[%get3A_33], %broadcast_in_dim3A_5 {add = true} : memref<10240xf32, #tpu.memory_space<vmem>>[vector<16xi32>], vector<16xf32>,
      %mul3A_34 = arith.constant 128 : i32
      %mul3A_35 = arith.muli %scan3A_10, %mul3A_34 : i32
      %add3A_36 = arith.constant 64 : i32
      %add3A_37 = arith.addi %mul3A_35, %add3A_36 : i32
      %get3A_38 = arith.index_cast %add3A_37 : i32 to index
      %get3A_39 = tpu.vector_load %arg5[%get3A_38] {strides = array<i32>} : memref<5120xi32, #tpu.memory_space<vmem>>, vector<16xi32>,
      tpu.vector_store_idx %arg6[%get3A_39], %broadcast_in_dim3A_5 {add = true} : memref<10240xf32, #tpu.memory_space<vmem>>[vector<16xi32>], vector<16xf32>,
      %mul3A_40 = arith.constant 128 : i32
      %mul3A_41 = arith.muli %scan3A_10, %mul3A_40 : i32
      %add3A_42 = arith.constant 80 : i32
      %add3A_43 = arith.addi %mul3A_41, %add3A_42 : i32
      %get3A_44 = arith.index_cast %add3A_43 : i32 to index
      %get3A_45 = tpu.vector_load %arg5[%get3A_44] {strides = array<i32>} : memref<5120xi32, #tpu.memory_space<vmem>>, vector<16xi32>,
      tpu.vector_store_idx %arg6[%get3A_45], %broadcast_in_dim3A_5 {add = true} : memref<10240xf32, #tpu.memory_space<vmem>>[vector<16xi32>], vector<16xf32>,
      %mul3A_46 = arith.constant 128 : i32
      %mul3A_47 = arith.muli %scan3A_10, %mul3A_46 : i32
      %add3A_48 = arith.constant 96 : i32
      %add3A_49 = arith.addi %mul3A_47, %add3A_48 : i32
      %get3A_50 = arith.index_cast %add3A_49 : i32 to index
      %get3A_51 = tpu.vector_load %arg5[%get3A_50] {strides = array<i32>} : memref<5120xi32, #tpu.memory_space<vmem>>, vector<16xi32>,
      tpu.vector_store_idx %arg6[%get3A_51], %broadcast_in_dim3A_5 {add = true} : memref<10240xf32, #tpu.memory_space<vmem>>[vector<16xi32>], vector<16xf32>,
      %mul3A_52 = arith.constant 128 : i32
      %mul3A_53 = arith.muli %scan3A_10, %mul3A_52 : i32
      %add3A_54 = arith.constant 112 : i32
      %add3A_55 = arith.addi %mul3A_53, %add3A_54 : i32
      %get3A_56 = arith.index_cast %add3A_55 : i32 to index
      %get3A_57 = tpu.vector_load %arg5[%get3A_56] {strides = array<i32>} : memref<5120xi32, #tpu.memory_space<vmem>>, vector<16xi32>,
      tpu.vector_store_idx %arg6[%get3A_57], %broadcast_in_dim3A_5 {add = true} : memref<10240xf32, #tpu.memory_space<vmem>>[vector<16xi32>], vector<16xf32>,
    }
    %scan3A_9 = arith.constant 40 : i32
    "tpu.region"() ({
      %run_scoped3A = tpu.sem_alloc : memref<!tpu.dma_semaphore, #tpu.memory_space<semaphore_mem>>
      %dma_start3A = arith.constant 0 : i32
      %dma_start3A_10 = tpu.memref_slice %arg4[%add3A, %dma_start3A] : memref<32x10240xf32, #tpu.memory_space<hbm>> -> memref<1x10240xf32, #tpu.memory_space<hbm>>
      %dma_start3A_11 = tpu.memref_squeeze %dma_start3A_10 : memref<1x10240xf32, #tpu.memory_space<hbm>> -> memref<10240xf32, #tpu.memory_space<hbm>>
      %dma_start3A_12 = arith.constant 0 : i32
      %dma_start3A_13 = tpu.memref_slice %arg4[%add3A, %dma_start3A_12] : memref<32x10240xf32, #tpu.memory_space<hbm>> -> memref<1x10240xf32, #tpu.memory_space<hbm>>
      %dma_start3A_14 = tpu.memref_squeeze %dma_start3A_13 : memref<1x10240xf32, #tpu.memory_space<hbm>> -> memref<10240xf32, #tpu.memory_space<hbm>>
      tpu.enqueue_dma source(%arg6 : memref<10240xf32, #tpu.memory_space<vmem>>) target(%dma_start3A_14 : memref<10240xf32, #tpu.memory_space<hbm>>) target_semaphore(%run_scoped3A : memref<!tpu.dma_semaphore, #tpu.memory_space<semaphore_mem>>)
      %dma_wait3A = arith.constant 0 : i32
      %dma_wait3A_15 = tpu.memref_slice %arg4[%add3A, %dma_wait3A] : memref<32x10240xf32, #tpu.memory_space<hbm>> -> memref<1x10240xf32, #tpu.memory_space<hbm>>
      %dma_wait3A_16 = tpu.memref_squeeze %dma_wait3A_15 : memref<1x10240xf32, #tpu.memory_space<hbm>> -> memref<10240xf32, #tpu.memory_space<hbm>>
      %dma_wait3A_17 = arith.constant 0 : i32
      %dma_wait3A_18 = tpu.memref_slice %arg4[%add3A, %dma_wait3A_17] : memref<32x10240xf32, #tpu.memory_space<hbm>> -> memref<1x10240xf32, #tpu.memory_space<hbm>>
      %dma_wait3A_19 = tpu.memref_squeeze %dma_wait3A_18 : memref<1x10240xf32, #tpu.memory_space<hbm>> -> memref<10240xf32, #tpu.memory_space<hbm>>
      tpu.wait_dma2 semaphore(%run_scoped3A : memref<!tpu.dma_semaphore, #tpu.memory_space<semaphore_mem>>) src(%arg6 : memref<10240xf32, #tpu.memory_space<vmem>>) dst(%dma_wait3A_19 : memref<10240xf32, #tpu.memory_space<hbm>>)
      tpu.yield
    }) : () -> ()
    return
  }
}

#map = affine_map<(d0, d1) -> (0, 0)>
#map1 = affine_map<(d0, d1) -> (0)>
module attributes {stable_mosaic.version = 14 : i64} {
  func.func @agg_kernel(%arg0: i32, %arg1: i32, %arg2: memref<20480x128xf32, #tpu.memory_space<hbm>>, %arg3: memref<163840xi32, #tpu.memory_space<hbm>>, %arg4: memref<1280x128xi32, #tpu.memory_space<hbm>>, %arg5: memref<20480x128xf32, #tpu.memory_space<hbm>>, %arg6: memref<10240xi32, #tpu.memory_space<vmem>>, %arg7: memref<128x128xf32, #tpu.memory_space<vmem>>, %arg8: memref<128x128xf32, #tpu.memory_space<vmem>>, %arg9: memref<128xi32, #tpu.memory_space<vmem>>, %arg10: memref<128xi32, #tpu.memory_space<vmem>>, %arg11: memref<128xi32, #tpu.memory_space<vmem>>, %arg12: memref<128xi32, #tpu.memory_space<vmem>>, %arg13: memref<10240x128xf32, #tpu.memory_space<vmem_shared>>, %arg14: memref<!tpu.dma_semaphore, #tpu.memory_space<semaphore_mem>>, %arg15: memref<!tpu.dma_semaphore, #tpu.memory_space<semaphore_mem>>) attributes {dimension_semantics = [#tpu.dimension_semantics<core_parallel>, #tpu.dimension_semantics<subcore_parallel>], iteration_bounds = array<i64: 2, 16>, scalar_prefetch = 0 : i64, scratch_operands = 10 : i64, tpu.core_type = #tpu.core_type<sc_vector_subcore>, window_params = [{transform_indices = #map}, {transform_indices = #map1}, {transform_indices = #map}, {transform_indices = #map}]} {
    %mul3A = arith.constant 10240 : i32
    %mul3A_0 = arith.muli %arg0, %mul3A : i32
    %mul3A_1 = arith.constant 10240 : i32
    %mul3A_2 = arith.muli %arg1, %mul3A_1 : i32
    "tpu.region"() ({
      %run_scoped3A = tpu.sem_alloc : memref<!tpu.dma_semaphore, #tpu.memory_space<semaphore_mem>>
      %dma_start3A_203 = tpu.memref_slice %arg3[%mul3A_2] : memref<163840xi32, #tpu.memory_space<hbm>> -> memref<10240xi32, #tpu.memory_space<hbm>>
      %dma_start3A_204 = tpu.memref_slice %arg3[%mul3A_2] : memref<163840xi32, #tpu.memory_space<hbm>> -> memref<10240xi32, #tpu.memory_space<hbm>>
      tpu.enqueue_dma source(%dma_start3A_204 : memref<10240xi32, #tpu.memory_space<hbm>>) target(%arg6 : memref<10240xi32, #tpu.memory_space<vmem>>) target_semaphore(%run_scoped3A : memref<!tpu.dma_semaphore, #tpu.memory_space<semaphore_mem>>)
      %dma_wait3A_205 = tpu.memref_slice %arg3[%mul3A_2] : memref<163840xi32, #tpu.memory_space<hbm>> -> memref<10240xi32, #tpu.memory_space<hbm>>
      %dma_wait3A_206 = tpu.memref_slice %arg3[%mul3A_2] : memref<163840xi32, #tpu.memory_space<hbm>> -> memref<10240xi32, #tpu.memory_space<hbm>>
      tpu.wait_dma2 semaphore(%run_scoped3A : memref<!tpu.dma_semaphore, #tpu.memory_space<semaphore_mem>>) src(%dma_wait3A_206 : memref<10240xi32, #tpu.memory_space<hbm>>) dst(%arg6 : memref<10240xi32, #tpu.memory_space<vmem>>)
      tpu.yield
    }) : () -> ()
    %mul3A_3 = arith.constant 640 : i32
    %mul3A_4 = arith.muli %arg1, %mul3A_3 : i32
    %add3A = arith.addi %mul3A_0, %mul3A_4 : i32
    %mul3A_5 = arith.constant 640 : i32
    %mul3A_6 = arith.muli %arg1, %mul3A_5 : i32
    "tpu.region"() ({
      %run_scoped3A = tpu.sem_alloc : memref<!tpu.dma_semaphore, #tpu.memory_space<semaphore_mem>>
      %dma_start3A_203 = arith.constant 0 : i32
      %dma_start3A_204 = tpu.memref_slice %arg13[%mul3A_6, %dma_start3A_203] : memref<10240x128xf32, #tpu.memory_space<vmem_shared>> -> memref<640x128xf32, #tpu.memory_space<vmem_shared>>
      %dma_start3A_205 = arith.constant 0 : i32
      %dma_start3A_206 = tpu.memref_slice %arg2[%add3A, %dma_start3A_205] : memref<20480x128xf32, #tpu.memory_space<hbm>> -> memref<640x128xf32, #tpu.memory_space<hbm>>
      tpu.enqueue_dma source(%dma_start3A_206 : memref<640x128xf32, #tpu.memory_space<hbm>>) target(%dma_start3A_204 : memref<640x128xf32, #tpu.memory_space<vmem_shared>>) target_semaphore(%run_scoped3A : memref<!tpu.dma_semaphore, #tpu.memory_space<semaphore_mem>>)
      %dma_wait3A_207 = arith.constant 0 : i32
      %dma_wait3A_208 = tpu.memref_slice %arg13[%mul3A_6, %dma_wait3A_207] : memref<10240x128xf32, #tpu.memory_space<vmem_shared>> -> memref<640x128xf32, #tpu.memory_space<vmem_shared>>
      %dma_wait3A_209 = arith.constant 0 : i32
      %dma_wait3A_210 = tpu.memref_slice %arg2[%add3A, %dma_wait3A_209] : memref<20480x128xf32, #tpu.memory_space<hbm>> -> memref<640x128xf32, #tpu.memory_space<hbm>>
      tpu.wait_dma2 semaphore(%run_scoped3A : memref<!tpu.dma_semaphore, #tpu.memory_space<semaphore_mem>>) src(%dma_wait3A_210 : memref<640x128xf32, #tpu.memory_space<hbm>>) dst(%dma_wait3A_208 : memref<640x128xf32, #tpu.memory_space<vmem_shared>>)
      tpu.yield
    }) : () -> ()
    %barrier3A = arith.constant 0 : index
    tpu.barrier barrier_id(%barrier3A)
    %get3A = arith.constant 0 : index
    %get3A_7 = tpu.vector_load %arg6[%get3A] {strides = array<i32>} : memref<10240xi32, #tpu.memory_space<vmem>>, vector<16xi32>,
    %get3A_8 = vector.shape_cast %get3A_7 : vector<16xi32> to vector<16xi32>
    %add3A_9 = vector.broadcast %mul3A_0 : i32 to vector<16xi32>
    %add3A_10 = arith.addi %get3A_8, %add3A_9 : vector<16xi32>
    %swap3A = arith.constant 0 : index
    %swap3A_11 = tpu.vector_load %arg9[%swap3A] {strides = array<i32>} : memref<128xi32, #tpu.memory_space<vmem>>, vector<16xi32>,
    %swap3A_12 = vector.shape_cast %swap3A_11 : vector<16xi32> to vector<16xi32>
    %swap3A_13 = vector.shape_cast %add3A_10 : vector<16xi32> to vector<16xi32>
    tpu.vector_store %arg9[%swap3A], %swap3A_13 {strides = array<i32>} : memref<128xi32, #tpu.memory_space<vmem>>, vector<16xi32>,
    %get3A_14 = arith.constant 16 : index
    %get3A_15 = tpu.vector_load %arg6[%get3A_14] {strides = array<i32>} : memref<10240xi32, #tpu.memory_space<vmem>>, vector<16xi32>,
    %get3A_16 = vector.shape_cast %get3A_15 : vector<16xi32> to vector<16xi32>
    %add3A_17 = vector.broadcast %mul3A_0 : i32 to vector<16xi32>
    %add3A_18 = arith.addi %get3A_16, %add3A_17 : vector<16xi32>
    %swap3A_19 = arith.constant 16 : index
    %swap3A_20 = tpu.vector_load %arg9[%swap3A_19] {strides = array<i32>} : memref<128xi32, #tpu.memory_space<vmem>>, vector<16xi32>,
    %swap3A_21 = vector.shape_cast %swap3A_20 : vector<16xi32> to vector<16xi32>
    %swap3A_22 = vector.shape_cast %add3A_18 : vector<16xi32> to vector<16xi32>
    tpu.vector_store %arg9[%swap3A_19], %swap3A_22 {strides = array<i32>} : memref<128xi32, #tpu.memory_space<vmem>>, vector<16xi32>,
    %get3A_23 = arith.constant 32 : index
    %get3A_24 = tpu.vector_load %arg6[%get3A_23] {strides = array<i32>} : memref<10240xi32, #tpu.memory_space<vmem>>, vector<16xi32>,
    %get3A_25 = vector.shape_cast %get3A_24 : vector<16xi32> to vector<16xi32>
    %add3A_26 = vector.broadcast %mul3A_0 : i32 to vector<16xi32>
    %add3A_27 = arith.addi %get3A_25, %add3A_26 : vector<16xi32>
    %swap3A_28 = arith.constant 32 : index
    %swap3A_29 = tpu.vector_load %arg9[%swap3A_28] {strides = array<i32>} : memref<128xi32, #tpu.memory_space<vmem>>, vector<16xi32>,
    %swap3A_30 = vector.shape_cast %swap3A_29 : vector<16xi32> to vector<16xi32>
    %swap3A_31 = vector.shape_cast %add3A_27 : vector<16xi32> to vector<16xi32>
    tpu.vector_store %arg9[%swap3A_28], %swap3A_31 {strides = array<i32>} : memref<128xi32, #tpu.memory_space<vmem>>, vector<16xi32>,
    %get3A_32 = arith.constant 48 : index
    %get3A_33 = tpu.vector_load %arg6[%get3A_32] {strides = array<i32>} : memref<10240xi32, #tpu.memory_space<vmem>>, vector<16xi32>,
    %get3A_34 = vector.shape_cast %get3A_33 : vector<16xi32> to vector<16xi32>
    %add3A_35 = vector.broadcast %mul3A_0 : i32 to vector<16xi32>
    %add3A_36 = arith.addi %get3A_34, %add3A_35 : vector<16xi32>
    %swap3A_37 = arith.constant 48 : index
    %swap3A_38 = tpu.vector_load %arg9[%swap3A_37] {strides = array<i32>} : memref<128xi32, #tpu.memory_space<vmem>>, vector<16xi32>,
    %swap3A_39 = vector.shape_cast %swap3A_38 : vector<16xi32> to vector<16xi32>
    %swap3A_40 = vector.shape_cast %add3A_36 : vector<16xi32> to vector<16xi32>
    tpu.vector_store %arg9[%swap3A_37], %swap3A_40 {strides = array<i32>} : memref<128xi32, #tpu.memory_space<vmem>>, vector<16xi32>,
    %get3A_41 = arith.constant 64 : index
    %get3A_42 = tpu.vector_load %arg6[%get3A_41] {strides = array<i32>} : memref<10240xi32, #tpu.memory_space<vmem>>, vector<16xi32>,
    %get3A_43 = vector.shape_cast %get3A_42 : vector<16xi32> to vector<16xi32>
    %add3A_44 = vector.broadcast %mul3A_0 : i32 to vector<16xi32>
    %add3A_45 = arith.addi %get3A_43, %add3A_44 : vector<16xi32>
    %swap3A_46 = arith.constant 64 : index
    %swap3A_47 = tpu.vector_load %arg9[%swap3A_46] {strides = array<i32>} : memref<128xi32, #tpu.memory_space<vmem>>, vector<16xi32>,
    %swap3A_48 = vector.shape_cast %swap3A_47 : vector<16xi32> to vector<16xi32>
    %swap3A_49 = vector.shape_cast %add3A_45 : vector<16xi32> to vector<16xi32>
    tpu.vector_store %arg9[%swap3A_46], %swap3A_49 {strides = array<i32>} : memref<128xi32, #tpu.memory_space<vmem>>, vector<16xi32>,
    %get3A_50 = arith.constant 80 : index
    %get3A_51 = tpu.vector_load %arg6[%get3A_50] {strides = array<i32>} : memref<10240xi32, #tpu.memory_space<vmem>>, vector<16xi32>,
    %get3A_52 = vector.shape_cast %get3A_51 : vector<16xi32> to vector<16xi32>
    %add3A_53 = vector.broadcast %mul3A_0 : i32 to vector<16xi32>
    %add3A_54 = arith.addi %get3A_52, %add3A_53 : vector<16xi32>
    %swap3A_55 = arith.constant 80 : index
    %swap3A_56 = tpu.vector_load %arg9[%swap3A_55] {strides = array<i32>} : memref<128xi32, #tpu.memory_space<vmem>>, vector<16xi32>,
    %swap3A_57 = vector.shape_cast %swap3A_56 : vector<16xi32> to vector<16xi32>
    %swap3A_58 = vector.shape_cast %add3A_54 : vector<16xi32> to vector<16xi32>
    tpu.vector_store %arg9[%swap3A_55], %swap3A_58 {strides = array<i32>} : memref<128xi32, #tpu.memory_space<vmem>>, vector<16xi32>,
    %get3A_59 = arith.constant 96 : index
    %get3A_60 = tpu.vector_load %arg6[%get3A_59] {strides = array<i32>} : memref<10240xi32, #tpu.memory_space<vmem>>, vector<16xi32>,
    %get3A_61 = vector.shape_cast %get3A_60 : vector<16xi32> to vector<16xi32>
    %add3A_62 = vector.broadcast %mul3A_0 : i32 to vector<16xi32>
    %add3A_63 = arith.addi %get3A_61, %add3A_62 : vector<16xi32>
    %swap3A_64 = arith.constant 96 : index
    %swap3A_65 = tpu.vector_load %arg9[%swap3A_64] {strides = array<i32>} : memref<128xi32, #tpu.memory_space<vmem>>, vector<16xi32>,
    %swap3A_66 = vector.shape_cast %swap3A_65 : vector<16xi32> to vector<16xi32>
    %swap3A_67 = vector.shape_cast %add3A_63 : vector<16xi32> to vector<16xi32>
    tpu.vector_store %arg9[%swap3A_64], %swap3A_67 {strides = array<i32>} : memref<128xi32, #tpu.memory_space<vmem>>, vector<16xi32>,
    %get3A_68 = arith.constant 112 : index
    %get3A_69 = tpu.vector_load %arg6[%get3A_68] {strides = array<i32>} : memref<10240xi32, #tpu.memory_space<vmem>>, vector<16xi32>,
    %get3A_70 = vector.shape_cast %get3A_69 : vector<16xi32> to vector<16xi32>
    %add3A_71 = vector.broadcast %mul3A_0 : i32 to vector<16xi32>
    %add3A_72 = arith.addi %get3A_70, %add3A_71 : vector<16xi32>
    %swap3A_73 = arith.constant 112 : index
    %swap3A_74 = tpu.vector_load %arg9[%swap3A_73] {strides = array<i32>} : memref<128xi32, #tpu.memory_space<vmem>>, vector<16xi32>,
    %swap3A_75 = vector.shape_cast %swap3A_74 : vector<16xi32> to vector<16xi32>
    %swap3A_76 = vector.shape_cast %add3A_72 : vector<16xi32> to vector<16xi32>
    tpu.vector_store %arg9[%swap3A_73], %swap3A_76 {strides = array<i32>} : memref<128xi32, #tpu.memory_space<vmem>>, vector<16xi32>,
    %dma_start3A = arith.constant 0 : i32
    %dma_start3A_77 = arith.constant 0 : i32
    %dma_start3A_78 = tpu.memref_slice %arg2[%dma_start3A, %dma_start3A_77] : memref<20480x128xf32, #tpu.memory_space<hbm>> -> memref<20480x128xf32, #tpu.memory_space<hbm>>
    tpu.enqueue_indirect_dma source(%dma_start3A_78 : memref<20480x128xf32, #tpu.memory_space<hbm>>) target(%arg7 : memref<128x128xf32, #tpu.memory_space<vmem>>) offsets(%arg9 : memref<128xi32, #tpu.memory_space<vmem>>) semaphore(%arg14 : memref<!tpu.dma_semaphore, #tpu.memory_space<semaphore_mem>>)
    %mul3A_79 = arith.constant 80 : i32
    %mul3A_80 = arith.muli %arg1, %mul3A_79 : i32
    %add3A_81 = arith.constant 0 : i32
    %add3A_82 = arith.addi %mul3A_80, %add3A_81 : i32
    %dma_start3A_83 = arith.constant 0 : i32
    %dma_start3A_84 = tpu.memref_slice %arg4[%add3A_82, %dma_start3A_83] : memref<1280x128xi32, #tpu.memory_space<hbm>> -> memref<1x128xi32, #tpu.memory_space<hbm>>
    %dma_start3A_85 = tpu.memref_squeeze %dma_start3A_84 : memref<1x128xi32, #tpu.memory_space<hbm>> -> memref<128xi32, #tpu.memory_space<hbm>>
    %dma_start3A_86 = arith.constant 0 : i32
    %dma_start3A_87 = tpu.memref_slice %arg4[%add3A_82, %dma_start3A_86] : memref<1280x128xi32, #tpu.memory_space<hbm>> -> memref<1x128xi32, #tpu.memory_space<hbm>>
    %dma_start3A_88 = tpu.memref_squeeze %dma_start3A_87 : memref<1x128xi32, #tpu.memory_space<hbm>> -> memref<128xi32, #tpu.memory_space<hbm>>
    tpu.enqueue_dma source(%dma_start3A_88 : memref<128xi32, #tpu.memory_space<hbm>>) target(%arg11 : memref<128xi32, #tpu.memory_space<vmem>>) target_semaphore(%arg14 : memref<!tpu.dma_semaphore, #tpu.memory_space<semaphore_mem>>)
    %scan3A = arith.constant 0 : i32
    %scan3A_89 = arith.constant 39 : i32
    %scan3A_90 = arith.addi %scan3A, %scan3A_89 : i32
    %scan3A_91 = arith.constant 1 : i32
    scf.for %scan3A_203 = %scan3A to %scan3A_90 step %scan3A_91  : i32 {
      %mul3A_204 = arith.constant 2 : i32
      %mul3A_205 = arith.muli %mul3A_204, %scan3A_203 : i32
      %add3A_206 = arith.constant 1 : i32
      %add3A_207 = arith.addi %mul3A_205, %add3A_206 : i32
      %mul3A_208 = arith.constant 128 : i32
      %mul3A_209 = arith.muli %add3A_207, %mul3A_208 : i32
      %add3A_210 = arith.constant 0 : i32
      %add3A_211 = arith.addi %mul3A_209, %add3A_210 : i32
      %get3A_212 = arith.index_cast %add3A_211 : i32 to index
      %get3A_213 = tpu.vector_load %arg6[%get3A_212] {strides = array<i32>} : memref<10240xi32, #tpu.memory_space<vmem>>, vector<16xi32>,
      %get3A_214 = vector.shape_cast %get3A_213 : vector<16xi32> to vector<16xi32>
      %add3A_215 = vector.broadcast %mul3A_0 : i32 to vector<16xi32>
      %add3A_216 = arith.addi %get3A_214, %add3A_215 : vector<16xi32>
      %swap3A_217 = arith.constant 0 : index
      %swap3A_218 = tpu.vector_load %arg10[%swap3A_217] {strides = array<i32>} : memref<128xi32, #tpu.memory_space<vmem>>, vector<16xi32>,
      %swap3A_219 = vector.shape_cast %swap3A_218 : vector<16xi32> to vector<16xi32>
      %swap3A_220 = vector.shape_cast %add3A_216 : vector<16xi32> to vector<16xi32>
      tpu.vector_store %arg10[%swap3A_217], %swap3A_220 {strides = array<i32>} : memref<128xi32, #tpu.memory_space<vmem>>, vector<16xi32>,
      %mul3A_221 = arith.constant 128 : i32
      %mul3A_222 = arith.muli %add3A_207, %mul3A_221 : i32
      %add3A_223 = arith.constant 16 : i32
      %add3A_224 = arith.addi %mul3A_222, %add3A_223 : i32
      %get3A_225 = arith.index_cast %add3A_224 : i32 to index
      %get3A_226 = tpu.vector_load %arg6[%get3A_225] {strides = array<i32>} : memref<10240xi32, #tpu.memory_space<vmem>>, vector<16xi32>,
      %get3A_227 = vector.shape_cast %get3A_226 : vector<16xi32> to vector<16xi32>
      %add3A_228 = vector.broadcast %mul3A_0 : i32 to vector<16xi32>
      %add3A_229 = arith.addi %get3A_227, %add3A_228 : vector<16xi32>
      %swap3A_230 = arith.constant 16 : index
      %swap3A_231 = tpu.vector_load %arg10[%swap3A_230] {strides = array<i32>} : memref<128xi32, #tpu.memory_space<vmem>>, vector<16xi32>,
      %swap3A_232 = vector.shape_cast %swap3A_231 : vector<16xi32> to vector<16xi32>
      %swap3A_233 = vector.shape_cast %add3A_229 : vector<16xi32> to vector<16xi32>
      tpu.vector_store %arg10[%swap3A_230], %swap3A_233 {strides = array<i32>} : memref<128xi32, #tpu.memory_space<vmem>>, vector<16xi32>,
      %mul3A_234 = arith.constant 128 : i32
      %mul3A_235 = arith.muli %add3A_207, %mul3A_234 : i32
      %add3A_236 = arith.constant 32 : i32
      %add3A_237 = arith.addi %mul3A_235, %add3A_236 : i32
      %get3A_238 = arith.index_cast %add3A_237 : i32 to index
      %get3A_239 = tpu.vector_load %arg6[%get3A_238] {strides = array<i32>} : memref<10240xi32, #tpu.memory_space<vmem>>, vector<16xi32>,
      %get3A_240 = vector.shape_cast %get3A_239 : vector<16xi32> to vector<16xi32>
      %add3A_241 = vector.broadcast %mul3A_0 : i32 to vector<16xi32>
      %add3A_242 = arith.addi %get3A_240, %add3A_241 : vector<16xi32>
      %swap3A_243 = arith.constant 32 : index
      %swap3A_244 = tpu.vector_load %arg10[%swap3A_243] {strides = array<i32>} : memref<128xi32, #tpu.memory_space<vmem>>, vector<16xi32>,
      %swap3A_245 = vector.shape_cast %swap3A_244 : vector<16xi32> to vector<16xi32>
      %swap3A_246 = vector.shape_cast %add3A_242 : vector<16xi32> to vector<16xi32>
      tpu.vector_store %arg10[%swap3A_243], %swap3A_246 {strides = array<i32>} : memref<128xi32, #tpu.memory_space<vmem>>, vector<16xi32>,
      %mul3A_247 = arith.constant 128 : i32
      %mul3A_248 = arith.muli %add3A_207, %mul3A_247 : i32
      %add3A_249 = arith.constant 48 : i32
      %add3A_250 = arith.addi %mul3A_248, %add3A_249 : i32
      %get3A_251 = arith.index_cast %add3A_250 : i32 to index
      %get3A_252 = tpu.vector_load %arg6[%get3A_251] {strides = array<i32>} : memref<10240xi32, #tpu.memory_space<vmem>>, vector<16xi32>,
      %get3A_253 = vector.shape_cast %get3A_252 : vector<16xi32> to vector<16xi32>
      %add3A_254 = vector.broadcast %mul3A_0 : i32 to vector<16xi32>
      %add3A_255 = arith.addi %get3A_253, %add3A_254 : vector<16xi32>
      %swap3A_256 = arith.constant 48 : index
      %swap3A_257 = tpu.vector_load %arg10[%swap3A_256] {strides = array<i32>} : memref<128xi32, #tpu.memory_space<vmem>>, vector<16xi32>,
      %swap3A_258 = vector.shape_cast %swap3A_257 : vector<16xi32> to vector<16xi32>
      %swap3A_259 = vector.shape_cast %add3A_255 : vector<16xi32> to vector<16xi32>
      tpu.vector_store %arg10[%swap3A_256], %swap3A_259 {strides = array<i32>} : memref<128xi32, #tpu.memory_space<vmem>>, vector<16xi32>,
      %mul3A_260 = arith.constant 128 : i32
      %mul3A_261 = arith.muli %add3A_207, %mul3A_260 : i32
      %add3A_262 = arith.constant 64 : i32
      %add3A_263 = arith.addi %mul3A_261, %add3A_262 : i32
      %get3A_264 = arith.index_cast %add3A_263 : i32 to index
      %get3A_265 = tpu.vector_load %arg6[%get3A_264] {strides = array<i32>} : memref<10240xi32, #tpu.memory_space<vmem>>, vector<16xi32>,
      %get3A_266 = vector.shape_cast %get3A_265 : vector<16xi32> to vector<16xi32>
      %add3A_267 = vector.broadcast %mul3A_0 : i32 to vector<16xi32>
      %add3A_268 = arith.addi %get3A_266, %add3A_267 : vector<16xi32>
      %swap3A_269 = arith.constant 64 : index
      %swap3A_270 = tpu.vector_load %arg10[%swap3A_269] {strides = array<i32>} : memref<128xi32, #tpu.memory_space<vmem>>, vector<16xi32>,
      %swap3A_271 = vector.shape_cast %swap3A_270 : vector<16xi32> to vector<16xi32>
      %swap3A_272 = vector.shape_cast %add3A_268 : vector<16xi32> to vector<16xi32>
      tpu.vector_store %arg10[%swap3A_269], %swap3A_272 {strides = array<i32>} : memref<128xi32, #tpu.memory_space<vmem>>, vector<16xi32>,
      %mul3A_273 = arith.constant 128 : i32
      %mul3A_274 = arith.muli %add3A_207, %mul3A_273 : i32
      %add3A_275 = arith.constant 80 : i32
      %add3A_276 = arith.addi %mul3A_274, %add3A_275 : i32
      %get3A_277 = arith.index_cast %add3A_276 : i32 to index
      %get3A_278 = tpu.vector_load %arg6[%get3A_277] {strides = array<i32>} : memref<10240xi32, #tpu.memory_space<vmem>>, vector<16xi32>,
      %get3A_279 = vector.shape_cast %get3A_278 : vector<16xi32> to vector<16xi32>
      %add3A_280 = vector.broadcast %mul3A_0 : i32 to vector<16xi32>
      %add3A_281 = arith.addi %get3A_279, %add3A_280 : vector<16xi32>
      %swap3A_282 = arith.constant 80 : index
      %swap3A_283 = tpu.vector_load %arg10[%swap3A_282] {strides = array<i32>} : memref<128xi32, #tpu.memory_space<vmem>>, vector<16xi32>,
      %swap3A_284 = vector.shape_cast %swap3A_283 : vector<16xi32> to vector<16xi32>
      %swap3A_285 = vector.shape_cast %add3A_281 : vector<16xi32> to vector<16xi32>
      tpu.vector_store %arg10[%swap3A_282], %swap3A_285 {strides = array<i32>} : memref<128xi32, #tpu.memory_space<vmem>>, vector<16xi32>,
      %mul3A_286 = arith.constant 128 : i32
      %mul3A_287 = arith.muli %add3A_207, %mul3A_286 : i32
      %add3A_288 = arith.constant 96 : i32
      %add3A_289 = arith.addi %mul3A_287, %add3A_288 : i32
      %get3A_290 = arith.index_cast %add3A_289 : i32 to index
      %get3A_291 = tpu.vector_load %arg6[%get3A_290] {strides = array<i32>} : memref<10240xi32, #tpu.memory_space<vmem>>, vector<16xi32>,
      %get3A_292 = vector.shape_cast %get3A_291 : vector<16xi32> to vector<16xi32>
      %add3A_293 = vector.broadcast %mul3A_0 : i32 to vector<16xi32>
      %add3A_294 = arith.addi %get3A_292, %add3A_293 : vector<16xi32>
      %swap3A_295 = arith.constant 96 : index
      %swap3A_296 = tpu.vector_load %arg10[%swap3A_295] {strides = array<i32>} : memref<128xi32, #tpu.memory_space<vmem>>, vector<16xi32>,
      %swap3A_297 = vector.shape_cast %swap3A_296 : vector<16xi32> to vector<16xi32>
      %swap3A_298 = vector.shape_cast %add3A_294 : vector<16xi32> to vector<16xi32>
      tpu.vector_store %arg10[%swap3A_295], %swap3A_298 {strides = array<i32>} : memref<128xi32, #tpu.memory_space<vmem>>, vector<16xi32>,
      %mul3A_299 = arith.constant 128 : i32
      %mul3A_300 = arith.muli %add3A_207, %mul3A_299 : i32
      %add3A_301 = arith.constant 112 : i32
      %add3A_302 = arith.addi %mul3A_300, %add3A_301 : i32
      %get3A_303 = arith.index_cast %add3A_302 : i32 to index
      %get3A_304 = tpu.vector_load %arg6[%get3A_303] {strides = array<i32>} : memref<10240xi32, #tpu.memory_space<vmem>>, vector<16xi32>,
      %get3A_305 = vector.shape_cast %get3A_304 : vector<16xi32> to vector<16xi32>
      %add3A_306 = vector.broadcast %mul3A_0 : i32 to vector<16xi32>
      %add3A_307 = arith.addi %get3A_305, %add3A_306 : vector<16xi32>
      %swap3A_308 = arith.constant 112 : index
      %swap3A_309 = tpu.vector_load %arg10[%swap3A_308] {strides = array<i32>} : memref<128xi32, #tpu.memory_space<vmem>>, vector<16xi32>,
      %swap3A_310 = vector.shape_cast %swap3A_309 : vector<16xi32> to vector<16xi32>
      %swap3A_311 = vector.shape_cast %add3A_307 : vector<16xi32> to vector<16xi32>
      tpu.vector_store %arg10[%swap3A_308], %swap3A_311 {strides = array<i32>} : memref<128xi32, #tpu.memory_space<vmem>>, vector<16xi32>,
      %dma_start3A_312 = arith.constant 0 : i32
      %dma_start3A_313 = arith.constant 0 : i32
      %dma_start3A_314 = tpu.memref_slice %arg2[%dma_start3A_312, %dma_start3A_313] : memref<20480x128xf32, #tpu.memory_space<hbm>> -> memref<20480x128xf32, #tpu.memory_space<hbm>>
      tpu.enqueue_indirect_dma source(%dma_start3A_314 : memref<20480x128xf32, #tpu.memory_space<hbm>>) target(%arg8 : memref<128x128xf32, #tpu.memory_space<vmem>>) offsets(%arg10 : memref<128xi32, #tpu.memory_space<vmem>>) semaphore(%arg15 : memref<!tpu.dma_semaphore, #tpu.memory_space<semaphore_mem>>)
      %mul3A_315 = arith.constant 80 : i32
      %mul3A_316 = arith.muli %arg1, %mul3A_315 : i32
      %add3A_317 = arith.addi %mul3A_316, %add3A_207 : i32
      %dma_start3A_318 = arith.constant 0 : i32
      %dma_start3A_319 = tpu.memref_slice %arg4[%add3A_317, %dma_start3A_318] : memref<1280x128xi32, #tpu.memory_space<hbm>> -> memref<1x128xi32, #tpu.memory_space<hbm>>
      %dma_start3A_320 = tpu.memref_squeeze %dma_start3A_319 : memref<1x128xi32, #tpu.memory_space<hbm>> -> memref<128xi32, #tpu.memory_space<hbm>>
      %dma_start3A_321 = arith.constant 0 : i32
      %dma_start3A_322 = tpu.memref_slice %arg4[%add3A_317, %dma_start3A_321] : memref<1280x128xi32, #tpu.memory_space<hbm>> -> memref<1x128xi32, #tpu.memory_space<hbm>>
      %dma_start3A_323 = tpu.memref_squeeze %dma_start3A_322 : memref<1x128xi32, #tpu.memory_space<hbm>> -> memref<128xi32, #tpu.memory_space<hbm>>
      tpu.enqueue_dma source(%dma_start3A_323 : memref<128xi32, #tpu.memory_space<hbm>>) target(%arg12 : memref<128xi32, #tpu.memory_space<vmem>>) target_semaphore(%arg15 : memref<!tpu.dma_semaphore, #tpu.memory_space<semaphore_mem>>)
      %dma_wait3A_324 = arith.constant 0 : i32
      %dma_wait3A_325 = arith.constant 0 : i32
      %dma_wait3A_326 = tpu.memref_slice %arg2[%dma_wait3A_324, %dma_wait3A_325] : memref<20480x128xf32, #tpu.memory_space<hbm>> -> memref<20480x128xf32, #tpu.memory_space<hbm>>
      tpu.wait_indirect_dma semaphore(%arg14 : memref<!tpu.dma_semaphore, #tpu.memory_space<semaphore_mem>>) src(%dma_wait3A_326 : memref<20480x128xf32, #tpu.memory_space<hbm>>) dst(%arg7 : memref<128x128xf32, #tpu.memory_space<vmem>>)
      %dma_wait3A_327 = arith.constant 0 : i32
      %dma_wait3A_328 = arith.constant 0 : i32
      %dma_wait3A_329 = tpu.memref_slice %arg4[%dma_wait3A_327, %dma_wait3A_328] : memref<1280x128xi32, #tpu.memory_space<hbm>> -> memref<1x128xi32, #tpu.memory_space<hbm>>
      %dma_wait3A_330 = tpu.memref_squeeze %dma_wait3A_329 : memref<1x128xi32, #tpu.memory_space<hbm>> -> memref<128xi32, #tpu.memory_space<hbm>>
      %dma_wait3A_331 = arith.constant 0 : i32
      %dma_wait3A_332 = tpu.memref_slice %arg4[%dma_wait3A_327, %dma_wait3A_331] : memref<1280x128xi32, #tpu.memory_space<hbm>> -> memref<1x128xi32, #tpu.memory_space<hbm>>
      %dma_wait3A_333 = tpu.memref_squeeze %dma_wait3A_332 : memref<1x128xi32, #tpu.memory_space<hbm>> -> memref<128xi32, #tpu.memory_space<hbm>>
      tpu.wait_dma2 semaphore(%arg14 : memref<!tpu.dma_semaphore, #tpu.memory_space<semaphore_mem>>) src(%dma_wait3A_333 : memref<128xi32, #tpu.memory_space<hbm>>) dst(%arg11 : memref<128xi32, #tpu.memory_space<vmem>>)
      "tpu.region"() ({
        %run_scoped3A = tpu.sem_alloc : memref<!tpu.dma_semaphore, #tpu.memory_space<semaphore_mem>>
        %dma_start3A_462 = arith.constant 0 : i32
        %dma_start3A_463 = arith.constant 0 : i32
        %dma_start3A_464 = tpu.memref_slice %arg13[%dma_start3A_462, %dma_start3A_463] : memref<10240x128xf32, #tpu.memory_space<vmem_shared>> -> memref<10240x128xf32, #tpu.memory_space<vmem_shared>>
        tpu.enqueue_indirect_dma source(%arg7 : memref<128x128xf32, #tpu.memory_space<vmem>>) target(%dma_start3A_464 : memref<10240x128xf32, #tpu.memory_space<vmem_shared>>) offsets(%arg11 : memref<128xi32, #tpu.memory_space<vmem>>) semaphore(%run_scoped3A : memref<!tpu.dma_semaphore, #tpu.memory_space<semaphore_mem>>) {add = true}
        %dma_wait3A_465 = arith.constant 0 : i32
        %dma_wait3A_466 = arith.constant 0 : i32
        %dma_wait3A_467 = tpu.memref_slice %arg13[%dma_wait3A_465, %dma_wait3A_466] : memref<10240x128xf32, #tpu.memory_space<vmem_shared>> -> memref<10240x128xf32, #tpu.memory_space<vmem_shared>>
        tpu.wait_indirect_dma semaphore(%run_scoped3A : memref<!tpu.dma_semaphore, #tpu.memory_space<semaphore_mem>>) src(%arg7 : memref<128x128xf32, #tpu.memory_space<vmem>>) dst(%dma_wait3A_467 : memref<10240x128xf32, #tpu.memory_space<vmem_shared>>)
        tpu.yield
      }) : () -> ()
      %add3A_334 = arith.constant 2 : i32
      %add3A_335 = arith.addi %mul3A_205, %add3A_334 : i32
      %mul3A_336 = arith.constant 128 : i32
      %mul3A_337 = arith.muli %add3A_335, %mul3A_336 : i32
      %add3A_338 = arith.constant 0 : i32
      %add3A_339 = arith.addi %mul3A_337, %add3A_338 : i32
      %get3A_340 = arith.index_cast %add3A_339 : i32 to index
      %get3A_341 = tpu.vector_load %arg6[%get3A_340] {strides = array<i32>} : memref<10240xi32, #tpu.memory_space<vmem>>, vector<16xi32>,
      %get3A_342 = vector.shape_cast %get3A_341 : vector<16xi32> to vector<16xi32>
      %add3A_343 = vector.broadcast %mul3A_0 : i32 to vector<16xi32>
      %add3A_344 = arith.addi %get3A_342, %add3A_343 : vector<16xi32>
      %swap3A_345 = arith.constant 0 : index
      %swap3A_346 = tpu.vector_load %arg9[%swap3A_345] {strides = array<i32>} : memref<128xi32, #tpu.memory_space<vmem>>, vector<16xi32>,
      %swap3A_347 = vector.shape_cast %swap3A_346 : vector<16xi32> to vector<16xi32>
      %swap3A_348 = vector.shape_cast %add3A_344 : vector<16xi32> to vector<16xi32>
      tpu.vector_store %arg9[%swap3A_345], %swap3A_348 {strides = array<i32>} : memref<128xi32, #tpu.memory_space<vmem>>, vector<16xi32>,
      %mul3A_349 = arith.constant 128 : i32
      %mul3A_350 = arith.muli %add3A_335, %mul3A_349 : i32
      %add3A_351 = arith.constant 16 : i32
      %add3A_352 = arith.addi %mul3A_350, %add3A_351 : i32
      %get3A_353 = arith.index_cast %add3A_352 : i32 to index
      %get3A_354 = tpu.vector_load %arg6[%get3A_353] {strides = array<i32>} : memref<10240xi32, #tpu.memory_space<vmem>>, vector<16xi32>,
      %get3A_355 = vector.shape_cast %get3A_354 : vector<16xi32> to vector<16xi32>
      %add3A_356 = vector.broadcast %mul3A_0 : i32 to vector<16xi32>
      %add3A_357 = arith.addi %get3A_355, %add3A_356 : vector<16xi32>
      %swap3A_358 = arith.constant 16 : index
      %swap3A_359 = tpu.vector_load %arg9[%swap3A_358] {strides = array<i32>} : memref<128xi32, #tpu.memory_space<vmem>>, vector<16xi32>,
      %swap3A_360 = vector.shape_cast %swap3A_359 : vector<16xi32> to vector<16xi32>
      %swap3A_361 = vector.shape_cast %add3A_357 : vector<16xi32> to vector<16xi32>
      tpu.vector_store %arg9[%swap3A_358], %swap3A_361 {strides = array<i32>} : memref<128xi32, #tpu.memory_space<vmem>>, vector<16xi32>,
      %mul3A_362 = arith.constant 128 : i32
      %mul3A_363 = arith.muli %add3A_335, %mul3A_362 : i32
      %add3A_364 = arith.constant 32 : i32
      %add3A_365 = arith.addi %mul3A_363, %add3A_364 : i32
      %get3A_366 = arith.index_cast %add3A_365 : i32 to index
      %get3A_367 = tpu.vector_load %arg6[%get3A_366] {strides = array<i32>} : memref<10240xi32, #tpu.memory_space<vmem>>, vector<16xi32>,
      %get3A_368 = vector.shape_cast %get3A_367 : vector<16xi32> to vector<16xi32>
      %add3A_369 = vector.broadcast %mul3A_0 : i32 to vector<16xi32>
      %add3A_370 = arith.addi %get3A_368, %add3A_369 : vector<16xi32>
      %swap3A_371 = arith.constant 32 : index
      %swap3A_372 = tpu.vector_load %arg9[%swap3A_371] {strides = array<i32>} : memref<128xi32, #tpu.memory_space<vmem>>, vector<16xi32>,
      %swap3A_373 = vector.shape_cast %swap3A_372 : vector<16xi32> to vector<16xi32>
      %swap3A_374 = vector.shape_cast %add3A_370 : vector<16xi32> to vector<16xi32>
      tpu.vector_store %arg9[%swap3A_371], %swap3A_374 {strides = array<i32>} : memref<128xi32, #tpu.memory_space<vmem>>, vector<16xi32>,
      %mul3A_375 = arith.constant 128 : i32
      %mul3A_376 = arith.muli %add3A_335, %mul3A_375 : i32
      %add3A_377 = arith.constant 48 : i32
      %add3A_378 = arith.addi %mul3A_376, %add3A_377 : i32
      %get3A_379 = arith.index_cast %add3A_378 : i32 to index
      %get3A_380 = tpu.vector_load %arg6[%get3A_379] {strides = array<i32>} : memref<10240xi32, #tpu.memory_space<vmem>>, vector<16xi32>,
      %get3A_381 = vector.shape_cast %get3A_380 : vector<16xi32> to vector<16xi32>
      %add3A_382 = vector.broadcast %mul3A_0 : i32 to vector<16xi32>
      %add3A_383 = arith.addi %get3A_381, %add3A_382 : vector<16xi32>
      %swap3A_384 = arith.constant 48 : index
      %swap3A_385 = tpu.vector_load %arg9[%swap3A_384] {strides = array<i32>} : memref<128xi32, #tpu.memory_space<vmem>>, vector<16xi32>,
      %swap3A_386 = vector.shape_cast %swap3A_385 : vector<16xi32> to vector<16xi32>
      %swap3A_387 = vector.shape_cast %add3A_383 : vector<16xi32> to vector<16xi32>
      tpu.vector_store %arg9[%swap3A_384], %swap3A_387 {strides = array<i32>} : memref<128xi32, #tpu.memory_space<vmem>>, vector<16xi32>,
      %mul3A_388 = arith.constant 128 : i32
      %mul3A_389 = arith.muli %add3A_335, %mul3A_388 : i32
      %add3A_390 = arith.constant 64 : i32
      %add3A_391 = arith.addi %mul3A_389, %add3A_390 : i32
      %get3A_392 = arith.index_cast %add3A_391 : i32 to index
      %get3A_393 = tpu.vector_load %arg6[%get3A_392] {strides = array<i32>} : memref<10240xi32, #tpu.memory_space<vmem>>, vector<16xi32>,
      %get3A_394 = vector.shape_cast %get3A_393 : vector<16xi32> to vector<16xi32>
      %add3A_395 = vector.broadcast %mul3A_0 : i32 to vector<16xi32>
      %add3A_396 = arith.addi %get3A_394, %add3A_395 : vector<16xi32>
      %swap3A_397 = arith.constant 64 : index
      %swap3A_398 = tpu.vector_load %arg9[%swap3A_397] {strides = array<i32>} : memref<128xi32, #tpu.memory_space<vmem>>, vector<16xi32>,
      %swap3A_399 = vector.shape_cast %swap3A_398 : vector<16xi32> to vector<16xi32>
      %swap3A_400 = vector.shape_cast %add3A_396 : vector<16xi32> to vector<16xi32>
      tpu.vector_store %arg9[%swap3A_397], %swap3A_400 {strides = array<i32>} : memref<128xi32, #tpu.memory_space<vmem>>, vector<16xi32>,
      %mul3A_401 = arith.constant 128 : i32
      %mul3A_402 = arith.muli %add3A_335, %mul3A_401 : i32
      %add3A_403 = arith.constant 80 : i32
      %add3A_404 = arith.addi %mul3A_402, %add3A_403 : i32
      %get3A_405 = arith.index_cast %add3A_404 : i32 to index
      %get3A_406 = tpu.vector_load %arg6[%get3A_405] {strides = array<i32>} : memref<10240xi32, #tpu.memory_space<vmem>>, vector<16xi32>,
      %get3A_407 = vector.shape_cast %get3A_406 : vector<16xi32> to vector<16xi32>
      %add3A_408 = vector.broadcast %mul3A_0 : i32 to vector<16xi32>
      %add3A_409 = arith.addi %get3A_407, %add3A_408 : vector<16xi32>
      %swap3A_410 = arith.constant 80 : index
      %swap3A_411 = tpu.vector_load %arg9[%swap3A_410] {strides = array<i32>} : memref<128xi32, #tpu.memory_space<vmem>>, vector<16xi32>,
      %swap3A_412 = vector.shape_cast %swap3A_411 : vector<16xi32> to vector<16xi32>
      %swap3A_413 = vector.shape_cast %add3A_409 : vector<16xi32> to vector<16xi32>
      tpu.vector_store %arg9[%swap3A_410], %swap3A_413 {strides = array<i32>} : memref<128xi32, #tpu.memory_space<vmem>>, vector<16xi32>,
      %mul3A_414 = arith.constant 128 : i32
      %mul3A_415 = arith.muli %add3A_335, %mul3A_414 : i32
      %add3A_416 = arith.constant 96 : i32
      %add3A_417 = arith.addi %mul3A_415, %add3A_416 : i32
      %get3A_418 = arith.index_cast %add3A_417 : i32 to index
      %get3A_419 = tpu.vector_load %arg6[%get3A_418] {strides = array<i32>} : memref<10240xi32, #tpu.memory_space<vmem>>, vector<16xi32>,
      %get3A_420 = vector.shape_cast %get3A_419 : vector<16xi32> to vector<16xi32>
      %add3A_421 = vector.broadcast %mul3A_0 : i32 to vector<16xi32>
      %add3A_422 = arith.addi %get3A_420, %add3A_421 : vector<16xi32>
      %swap3A_423 = arith.constant 96 : index
      %swap3A_424 = tpu.vector_load %arg9[%swap3A_423] {strides = array<i32>} : memref<128xi32, #tpu.memory_space<vmem>>, vector<16xi32>,
      %swap3A_425 = vector.shape_cast %swap3A_424 : vector<16xi32> to vector<16xi32>
      %swap3A_426 = vector.shape_cast %add3A_422 : vector<16xi32> to vector<16xi32>
      tpu.vector_store %arg9[%swap3A_423], %swap3A_426 {strides = array<i32>} : memref<128xi32, #tpu.memory_space<vmem>>, vector<16xi32>,
      %mul3A_427 = arith.constant 128 : i32
      %mul3A_428 = arith.muli %add3A_335, %mul3A_427 : i32
      %add3A_429 = arith.constant 112 : i32
      %add3A_430 = arith.addi %mul3A_428, %add3A_429 : i32
      %get3A_431 = arith.index_cast %add3A_430 : i32 to index
      %get3A_432 = tpu.vector_load %arg6[%get3A_431] {strides = array<i32>} : memref<10240xi32, #tpu.memory_space<vmem>>, vector<16xi32>,
      %get3A_433 = vector.shape_cast %get3A_432 : vector<16xi32> to vector<16xi32>
      %add3A_434 = vector.broadcast %mul3A_0 : i32 to vector<16xi32>
      %add3A_435 = arith.addi %get3A_433, %add3A_434 : vector<16xi32>
      %swap3A_436 = arith.constant 112 : index
      %swap3A_437 = tpu.vector_load %arg9[%swap3A_436] {strides = array<i32>} : memref<128xi32, #tpu.memory_space<vmem>>, vector<16xi32>,
      %swap3A_438 = vector.shape_cast %swap3A_437 : vector<16xi32> to vector<16xi32>
      %swap3A_439 = vector.shape_cast %add3A_435 : vector<16xi32> to vector<16xi32>
      tpu.vector_store %arg9[%swap3A_436], %swap3A_439 {strides = array<i32>} : memref<128xi32, #tpu.memory_space<vmem>>, vector<16xi32>,
      %dma_start3A_440 = arith.constant 0 : i32
      %dma_start3A_441 = arith.constant 0 : i32
      %dma_start3A_442 = tpu.memref_slice %arg2[%dma_start3A_440, %dma_start3A_441] : memref<20480x128xf32, #tpu.memory_space<hbm>> -> memref<20480x128xf32, #tpu.memory_space<hbm>>
      tpu.enqueue_indirect_dma source(%dma_start3A_442 : memref<20480x128xf32, #tpu.memory_space<hbm>>) target(%arg7 : memref<128x128xf32, #tpu.memory_space<vmem>>) offsets(%arg9 : memref<128xi32, #tpu.memory_space<vmem>>) semaphore(%arg14 : memref<!tpu.dma_semaphore, #tpu.memory_space<semaphore_mem>>)
      %mul3A_443 = arith.constant 80 : i32
      %mul3A_444 = arith.muli %arg1, %mul3A_443 : i32
      %add3A_445 = arith.addi %mul3A_444, %add3A_335 : i32
      %dma_start3A_446 = arith.constant 0 : i32
      %dma_start3A_447 = tpu.memref_slice %arg4[%add3A_445, %dma_start3A_446] : memref<1280x128xi32, #tpu.memory_space<hbm>> -> memref<1x128xi32, #tpu.memory_space<hbm>>
      %dma_start3A_448 = tpu.memref_squeeze %dma_start3A_447 : memref<1x128xi32, #tpu.memory_space<hbm>> -> memref<128xi32, #tpu.memory_space<hbm>>
      %dma_start3A_449 = arith.constant 0 : i32
      %dma_start3A_450 = tpu.memref_slice %arg4[%add3A_445, %dma_start3A_449] : memref<1280x128xi32, #tpu.memory_space<hbm>> -> memref<1x128xi32, #tpu.memory_space<hbm>>
      %dma_start3A_451 = tpu.memref_squeeze %dma_start3A_450 : memref<1x128xi32, #tpu.memory_space<hbm>> -> memref<128xi32, #tpu.memory_space<hbm>>
      tpu.enqueue_dma source(%dma_start3A_451 : memref<128xi32, #tpu.memory_space<hbm>>) target(%arg11 : memref<128xi32, #tpu.memory_space<vmem>>) target_semaphore(%arg14 : memref<!tpu.dma_semaphore, #tpu.memory_space<semaphore_mem>>)
      %dma_wait3A_452 = arith.constant 0 : i32
      %dma_wait3A_453 = arith.constant 0 : i32
      %dma_wait3A_454 = tpu.memref_slice %arg2[%dma_wait3A_452, %dma_wait3A_453] : memref<20480x128xf32, #tpu.memory_space<hbm>> -> memref<20480x128xf32, #tpu.memory_space<hbm>>
      tpu.wait_indirect_dma semaphore(%arg15 : memref<!tpu.dma_semaphore, #tpu.memory_space<semaphore_mem>>) src(%dma_wait3A_454 : memref<20480x128xf32, #tpu.memory_space<hbm>>) dst(%arg8 : memref<128x128xf32, #tpu.memory_space<vmem>>)
      %dma_wait3A_455 = arith.constant 0 : i32
      %dma_wait3A_456 = arith.constant 0 : i32
      %dma_wait3A_457 = tpu.memref_slice %arg4[%dma_wait3A_455, %dma_wait3A_456] : memref<1280x128xi32, #tpu.memory_space<hbm>> -> memref<1x128xi32, #tpu.memory_space<hbm>>
      %dma_wait3A_458 = tpu.memref_squeeze %dma_wait3A_457 : memref<1x128xi32, #tpu.memory_space<hbm>> -> memref<128xi32, #tpu.memory_space<hbm>>
      %dma_wait3A_459 = arith.constant 0 : i32
      %dma_wait3A_460 = tpu.memref_slice %arg4[%dma_wait3A_455, %dma_wait3A_459] : memref<1280x128xi32, #tpu.memory_space<hbm>> -> memref<1x128xi32, #tpu.memory_space<hbm>>
      %dma_wait3A_461 = tpu.memref_squeeze %dma_wait3A_460 : memref<1x128xi32, #tpu.memory_space<hbm>> -> memref<128xi32, #tpu.memory_space<hbm>>
      tpu.wait_dma2 semaphore(%arg15 : memref<!tpu.dma_semaphore, #tpu.memory_space<semaphore_mem>>) src(%dma_wait3A_461 : memref<128xi32, #tpu.memory_space<hbm>>) dst(%arg12 : memref<128xi32, #tpu.memory_space<vmem>>)
      "tpu.region"() ({
        %run_scoped3A = tpu.sem_alloc : memref<!tpu.dma_semaphore, #tpu.memory_space<semaphore_mem>>
        %dma_start3A_462 = arith.constant 0 : i32
        %dma_start3A_463 = arith.constant 0 : i32
        %dma_start3A_464 = tpu.memref_slice %arg13[%dma_start3A_462, %dma_start3A_463] : memref<10240x128xf32, #tpu.memory_space<vmem_shared>> -> memref<10240x128xf32, #tpu.memory_space<vmem_shared>>
        tpu.enqueue_indirect_dma source(%arg8 : memref<128x128xf32, #tpu.memory_space<vmem>>) target(%dma_start3A_464 : memref<10240x128xf32, #tpu.memory_space<vmem_shared>>) offsets(%arg12 : memref<128xi32, #tpu.memory_space<vmem>>) semaphore(%run_scoped3A : memref<!tpu.dma_semaphore, #tpu.memory_space<semaphore_mem>>) {add = true}
        %dma_wait3A_465 = arith.constant 0 : i32
        %dma_wait3A_466 = arith.constant 0 : i32
        %dma_wait3A_467 = tpu.memref_slice %arg13[%dma_wait3A_465, %dma_wait3A_466] : memref<10240x128xf32, #tpu.memory_space<vmem_shared>> -> memref<10240x128xf32, #tpu.memory_space<vmem_shared>>
        tpu.wait_indirect_dma semaphore(%run_scoped3A : memref<!tpu.dma_semaphore, #tpu.memory_space<semaphore_mem>>) src(%arg8 : memref<128x128xf32, #tpu.memory_space<vmem>>) dst(%dma_wait3A_467 : memref<10240x128xf32, #tpu.memory_space<vmem_shared>>)
        tpu.yield
      }) : () -> ()
    }
    %scan3A_92 = arith.constant 39 : i32
    %get3A_93 = arith.constant 10112 : index
    %get3A_94 = tpu.vector_load %arg6[%get3A_93] {strides = array<i32>} : memref<10240xi32, #tpu.memory_space<vmem>>, vector<16xi32>,
    %get3A_95 = vector.shape_cast %get3A_94 : vector<16xi32> to vector<16xi32>
    %add3A_96 = vector.broadcast %mul3A_0 : i32 to vector<16xi32>
    %add3A_97 = arith.addi %get3A_95, %add3A_96 : vector<16xi32>
    %swap3A_98 = arith.constant 0 : index
    %swap3A_99 = tpu.vector_load %arg10[%swap3A_98] {strides = array<i32>} : memref<128xi32, #tpu.memory_space<vmem>>, vector<16xi32>,
    %swap3A_100 = vector.shape_cast %swap3A_99 : vector<16xi32> to vector<16xi32>
    %swap3A_101 = vector.shape_cast %add3A_97 : vector<16xi32> to vector<16xi32>
    tpu.vector_store %arg10[%swap3A_98], %swap3A_101 {strides = array<i32>} : memref<128xi32, #tpu.memory_space<vmem>>, vector<16xi32>,
    %get3A_102 = arith.constant 10128 : index
    %get3A_103 = tpu.vector_load %arg6[%get3A_102] {strides = array<i32>} : memref<10240xi32, #tpu.memory_space<vmem>>, vector<16xi32>,
    %get3A_104 = vector.shape_cast %get3A_103 : vector<16xi32> to vector<16xi32>
    %add3A_105 = vector.broadcast %mul3A_0 : i32 to vector<16xi32>
    %add3A_106 = arith.addi %get3A_104, %add3A_105 : vector<16xi32>
    %swap3A_107 = arith.constant 16 : index
    %swap3A_108 = tpu.vector_load %arg10[%swap3A_107] {strides = array<i32>} : memref<128xi32, #tpu.memory_space<vmem>>, vector<16xi32>,
    %swap3A_109 = vector.shape_cast %swap3A_108 : vector<16xi32> to vector<16xi32>
    %swap3A_110 = vector.shape_cast %add3A_106 : vector<16xi32> to vector<16xi32>
    tpu.vector_store %arg10[%swap3A_107], %swap3A_110 {strides = array<i32>} : memref<128xi32, #tpu.memory_space<vmem>>, vector<16xi32>,
    %get3A_111 = arith.constant 10144 : index
    %get3A_112 = tpu.vector_load %arg6[%get3A_111] {strides = array<i32>} : memref<10240xi32, #tpu.memory_space<vmem>>, vector<16xi32>,
    %get3A_113 = vector.shape_cast %get3A_112 : vector<16xi32> to vector<16xi32>
    %add3A_114 = vector.broadcast %mul3A_0 : i32 to vector<16xi32>
    %add3A_115 = arith.addi %get3A_113, %add3A_114 : vector<16xi32>
    %swap3A_116 = arith.constant 32 : index
    %swap3A_117 = tpu.vector_load %arg10[%swap3A_116] {strides = array<i32>} : memref<128xi32, #tpu.memory_space<vmem>>, vector<16xi32>,
    %swap3A_118 = vector.shape_cast %swap3A_117 : vector<16xi32> to vector<16xi32>
    %swap3A_119 = vector.shape_cast %add3A_115 : vector<16xi32> to vector<16xi32>
    tpu.vector_store %arg10[%swap3A_116], %swap3A_119 {strides = array<i32>} : memref<128xi32, #tpu.memory_space<vmem>>, vector<16xi32>,
    %get3A_120 = arith.constant 10160 : index
    %get3A_121 = tpu.vector_load %arg6[%get3A_120] {strides = array<i32>} : memref<10240xi32, #tpu.memory_space<vmem>>, vector<16xi32>,
    %get3A_122 = vector.shape_cast %get3A_121 : vector<16xi32> to vector<16xi32>
    %add3A_123 = vector.broadcast %mul3A_0 : i32 to vector<16xi32>
    %add3A_124 = arith.addi %get3A_122, %add3A_123 : vector<16xi32>
    %swap3A_125 = arith.constant 48 : index
    %swap3A_126 = tpu.vector_load %arg10[%swap3A_125] {strides = array<i32>} : memref<128xi32, #tpu.memory_space<vmem>>, vector<16xi32>,
    %swap3A_127 = vector.shape_cast %swap3A_126 : vector<16xi32> to vector<16xi32>
    %swap3A_128 = vector.shape_cast %add3A_124 : vector<16xi32> to vector<16xi32>
    tpu.vector_store %arg10[%swap3A_125], %swap3A_128 {strides = array<i32>} : memref<128xi32, #tpu.memory_space<vmem>>, vector<16xi32>,
    %get3A_129 = arith.constant 10176 : index
    %get3A_130 = tpu.vector_load %arg6[%get3A_129] {strides = array<i32>} : memref<10240xi32, #tpu.memory_space<vmem>>, vector<16xi32>,
    %get3A_131 = vector.shape_cast %get3A_130 : vector<16xi32> to vector<16xi32>
    %add3A_132 = vector.broadcast %mul3A_0 : i32 to vector<16xi32>
    %add3A_133 = arith.addi %get3A_131, %add3A_132 : vector<16xi32>
    %swap3A_134 = arith.constant 64 : index
    %swap3A_135 = tpu.vector_load %arg10[%swap3A_134] {strides = array<i32>} : memref<128xi32, #tpu.memory_space<vmem>>, vector<16xi32>,
    %swap3A_136 = vector.shape_cast %swap3A_135 : vector<16xi32> to vector<16xi32>
    %swap3A_137 = vector.shape_cast %add3A_133 : vector<16xi32> to vector<16xi32>
    tpu.vector_store %arg10[%swap3A_134], %swap3A_137 {strides = array<i32>} : memref<128xi32, #tpu.memory_space<vmem>>, vector<16xi32>,
    %get3A_138 = arith.constant 10192 : index
    %get3A_139 = tpu.vector_load %arg6[%get3A_138] {strides = array<i32>} : memref<10240xi32, #tpu.memory_space<vmem>>, vector<16xi32>,
    %get3A_140 = vector.shape_cast %get3A_139 : vector<16xi32> to vector<16xi32>
    %add3A_141 = vector.broadcast %mul3A_0 : i32 to vector<16xi32>
    %add3A_142 = arith.addi %get3A_140, %add3A_141 : vector<16xi32>
    %swap3A_143 = arith.constant 80 : index
    %swap3A_144 = tpu.vector_load %arg10[%swap3A_143] {strides = array<i32>} : memref<128xi32, #tpu.memory_space<vmem>>, vector<16xi32>,
    %swap3A_145 = vector.shape_cast %swap3A_144 : vector<16xi32> to vector<16xi32>
    %swap3A_146 = vector.shape_cast %add3A_142 : vector<16xi32> to vector<16xi32>
    tpu.vector_store %arg10[%swap3A_143], %swap3A_146 {strides = array<i32>} : memref<128xi32, #tpu.memory_space<vmem>>, vector<16xi32>,
    %get3A_147 = arith.constant 10208 : index
    %get3A_148 = tpu.vector_load %arg6[%get3A_147] {strides = array<i32>} : memref<10240xi32, #tpu.memory_space<vmem>>, vector<16xi32>,
    %get3A_149 = vector.shape_cast %get3A_148 : vector<16xi32> to vector<16xi32>
    %add3A_150 = vector.broadcast %mul3A_0 : i32 to vector<16xi32>
    %add3A_151 = arith.addi %get3A_149, %add3A_150 : vector<16xi32>
    %swap3A_152 = arith.constant 96 : index
    %swap3A_153 = tpu.vector_load %arg10[%swap3A_152] {strides = array<i32>} : memref<128xi32, #tpu.memory_space<vmem>>, vector<16xi32>,
    %swap3A_154 = vector.shape_cast %swap3A_153 : vector<16xi32> to vector<16xi32>
    %swap3A_155 = vector.shape_cast %add3A_151 : vector<16xi32> to vector<16xi32>
    tpu.vector_store %arg10[%swap3A_152], %swap3A_155 {strides = array<i32>} : memref<128xi32, #tpu.memory_space<vmem>>, vector<16xi32>,
    %get3A_156 = arith.constant 10224 : index
    %get3A_157 = tpu.vector_load %arg6[%get3A_156] {strides = array<i32>} : memref<10240xi32, #tpu.memory_space<vmem>>, vector<16xi32>,
    %get3A_158 = vector.shape_cast %get3A_157 : vector<16xi32> to vector<16xi32>
    %add3A_159 = vector.broadcast %mul3A_0 : i32 to vector<16xi32>
    %add3A_160 = arith.addi %get3A_158, %add3A_159 : vector<16xi32>
    %swap3A_161 = arith.constant 112 : index
    %swap3A_162 = tpu.vector_load %arg10[%swap3A_161] {strides = array<i32>} : memref<128xi32, #tpu.memory_space<vmem>>, vector<16xi32>,
    %swap3A_163 = vector.shape_cast %swap3A_162 : vector<16xi32> to vector<16xi32>
    %swap3A_164 = vector.shape_cast %add3A_160 : vector<16xi32> to vector<16xi32>
    tpu.vector_store %arg10[%swap3A_161], %swap3A_164 {strides = array<i32>} : memref<128xi32, #tpu.memory_space<vmem>>, vector<16xi32>,
    %dma_start3A_165 = arith.constant 0 : i32
    %dma_start3A_166 = arith.constant 0 : i32
    %dma_start3A_167 = tpu.memref_slice %arg2[%dma_start3A_165, %dma_start3A_166] : memref<20480x128xf32, #tpu.memory_space<hbm>> -> memref<20480x128xf32, #tpu.memory_space<hbm>>
    tpu.enqueue_indirect_dma source(%dma_start3A_167 : memref<20480x128xf32, #tpu.memory_space<hbm>>) target(%arg8 : memref<128x128xf32, #tpu.memory_space<vmem>>) offsets(%arg10 : memref<128xi32, #tpu.memory_space<vmem>>) semaphore(%arg15 : memref<!tpu.dma_semaphore, #tpu.memory_space<semaphore_mem>>)
    %mul3A_168 = arith.constant 80 : i32
    %mul3A_169 = arith.muli %arg1, %mul3A_168 : i32
    %add3A_170 = arith.constant 79 : i32
    %add3A_171 = arith.addi %mul3A_169, %add3A_170 : i32
    %dma_start3A_172 = arith.constant 0 : i32
    %dma_start3A_173 = tpu.memref_slice %arg4[%add3A_171, %dma_start3A_172] : memref<1280x128xi32, #tpu.memory_space<hbm>> -> memref<1x128xi32, #tpu.memory_space<hbm>>
    %dma_start3A_174 = tpu.memref_squeeze %dma_start3A_173 : memref<1x128xi32, #tpu.memory_space<hbm>> -> memref<128xi32, #tpu.memory_space<hbm>>
    %dma_start3A_175 = arith.constant 0 : i32
    %dma_start3A_176 = tpu.memref_slice %arg4[%add3A_171, %dma_start3A_175] : memref<1280x128xi32, #tpu.memory_space<hbm>> -> memref<1x128xi32, #tpu.memory_space<hbm>>
    %dma_start3A_177 = tpu.memref_squeeze %dma_start3A_176 : memref<1x128xi32, #tpu.memory_space<hbm>> -> memref<128xi32, #tpu.memory_space<hbm>>
    tpu.enqueue_dma source(%dma_start3A_177 : memref<128xi32, #tpu.memory_space<hbm>>) target(%arg12 : memref<128xi32, #tpu.memory_space<vmem>>) target_semaphore(%arg15 : memref<!tpu.dma_semaphore, #tpu.memory_space<semaphore_mem>>)
    %dma_wait3A = arith.constant 0 : i32
    %dma_wait3A_178 = arith.constant 0 : i32
    %dma_wait3A_179 = tpu.memref_slice %arg2[%dma_wait3A, %dma_wait3A_178] : memref<20480x128xf32, #tpu.memory_space<hbm>> -> memref<20480x128xf32, #tpu.memory_space<hbm>>
    tpu.wait_indirect_dma semaphore(%arg14 : memref<!tpu.dma_semaphore, #tpu.memory_space<semaphore_mem>>) src(%dma_wait3A_179 : memref<20480x128xf32, #tpu.memory_space<hbm>>) dst(%arg7 : memref<128x128xf32, #tpu.memory_space<vmem>>)
    %dma_wait3A_180 = arith.constant 0 : i32
    %dma_wait3A_181 = arith.constant 0 : i32
    %dma_wait3A_182 = tpu.memref_slice %arg4[%dma_wait3A_180, %dma_wait3A_181] : memref<1280x128xi32, #tpu.memory_space<hbm>> -> memref<1x128xi32, #tpu.memory_space<hbm>>
    %dma_wait3A_183 = tpu.memref_squeeze %dma_wait3A_182 : memref<1x128xi32, #tpu.memory_space<hbm>> -> memref<128xi32, #tpu.memory_space<hbm>>
    %dma_wait3A_184 = arith.constant 0 : i32
    %dma_wait3A_185 = tpu.memref_slice %arg4[%dma_wait3A_180, %dma_wait3A_184] : memref<1280x128xi32, #tpu.memory_space<hbm>> -> memref<1x128xi32, #tpu.memory_space<hbm>>
    %dma_wait3A_186 = tpu.memref_squeeze %dma_wait3A_185 : memref<1x128xi32, #tpu.memory_space<hbm>> -> memref<128xi32, #tpu.memory_space<hbm>>
    tpu.wait_dma2 semaphore(%arg14 : memref<!tpu.dma_semaphore, #tpu.memory_space<semaphore_mem>>) src(%dma_wait3A_186 : memref<128xi32, #tpu.memory_space<hbm>>) dst(%arg11 : memref<128xi32, #tpu.memory_space<vmem>>)
    "tpu.region"() ({
      %run_scoped3A = tpu.sem_alloc : memref<!tpu.dma_semaphore, #tpu.memory_space<semaphore_mem>>
      %dma_start3A_203 = arith.constant 0 : i32
      %dma_start3A_204 = arith.constant 0 : i32
      %dma_start3A_205 = tpu.memref_slice %arg13[%dma_start3A_203, %dma_start3A_204] : memref<10240x128xf32, #tpu.memory_space<vmem_shared>> -> memref<10240x128xf32, #tpu.memory_space<vmem_shared>>
      tpu.enqueue_indirect_dma source(%arg7 : memref<128x128xf32, #tpu.memory_space<vmem>>) target(%dma_start3A_205 : memref<10240x128xf32, #tpu.memory_space<vmem_shared>>) offsets(%arg11 : memref<128xi32, #tpu.memory_space<vmem>>) semaphore(%run_scoped3A : memref<!tpu.dma_semaphore, #tpu.memory_space<semaphore_mem>>) {add = true}
      %dma_wait3A_206 = arith.constant 0 : i32
      %dma_wait3A_207 = arith.constant 0 : i32
      %dma_wait3A_208 = tpu.memref_slice %arg13[%dma_wait3A_206, %dma_wait3A_207] : memref<10240x128xf32, #tpu.memory_space<vmem_shared>> -> memref<10240x128xf32, #tpu.memory_space<vmem_shared>>
      tpu.wait_indirect_dma semaphore(%run_scoped3A : memref<!tpu.dma_semaphore, #tpu.memory_space<semaphore_mem>>) src(%arg7 : memref<128x128xf32, #tpu.memory_space<vmem>>) dst(%dma_wait3A_208 : memref<10240x128xf32, #tpu.memory_space<vmem_shared>>)
      tpu.yield
    }) : () -> ()
    %dma_wait3A_187 = arith.constant 0 : i32
    %dma_wait3A_188 = arith.constant 0 : i32
    %dma_wait3A_189 = tpu.memref_slice %arg2[%dma_wait3A_187, %dma_wait3A_188] : memref<20480x128xf32, #tpu.memory_space<hbm>> -> memref<20480x128xf32, #tpu.memory_space<hbm>>
    tpu.wait_indirect_dma semaphore(%arg15 : memref<!tpu.dma_semaphore, #tpu.memory_space<semaphore_mem>>) src(%dma_wait3A_189 : memref<20480x128xf32, #tpu.memory_space<hbm>>) dst(%arg8 : memref<128x128xf32, #tpu.memory_space<vmem>>)
    %dma_wait3A_190 = arith.constant 0 : i32
    %dma_wait3A_191 = arith.constant 0 : i32
    %dma_wait3A_192 = tpu.memref_slice %arg4[%dma_wait3A_190, %dma_wait3A_191] : memref<1280x128xi32, #tpu.memory_space<hbm>> -> memref<1x128xi32, #tpu.memory_space<hbm>>
    %dma_wait3A_193 = tpu.memref_squeeze %dma_wait3A_192 : memref<1x128xi32, #tpu.memory_space<hbm>> -> memref<128xi32, #tpu.memory_space<hbm>>
    %dma_wait3A_194 = arith.constant 0 : i32
    %dma_wait3A_195 = tpu.memref_slice %arg4[%dma_wait3A_190, %dma_wait3A_194] : memref<1280x128xi32, #tpu.memory_space<hbm>> -> memref<1x128xi32, #tpu.memory_space<hbm>>
    %dma_wait3A_196 = tpu.memref_squeeze %dma_wait3A_195 : memref<1x128xi32, #tpu.memory_space<hbm>> -> memref<128xi32, #tpu.memory_space<hbm>>
    tpu.wait_dma2 semaphore(%arg15 : memref<!tpu.dma_semaphore, #tpu.memory_space<semaphore_mem>>) src(%dma_wait3A_196 : memref<128xi32, #tpu.memory_space<hbm>>) dst(%arg12 : memref<128xi32, #tpu.memory_space<vmem>>)
    "tpu.region"() ({
      %run_scoped3A = tpu.sem_alloc : memref<!tpu.dma_semaphore, #tpu.memory_space<semaphore_mem>>
      %dma_start3A_203 = arith.constant 0 : i32
      %dma_start3A_204 = arith.constant 0 : i32
      %dma_start3A_205 = tpu.memref_slice %arg13[%dma_start3A_203, %dma_start3A_204] : memref<10240x128xf32, #tpu.memory_space<vmem_shared>> -> memref<10240x128xf32, #tpu.memory_space<vmem_shared>>
      tpu.enqueue_indirect_dma source(%arg8 : memref<128x128xf32, #tpu.memory_space<vmem>>) target(%dma_start3A_205 : memref<10240x128xf32, #tpu.memory_space<vmem_shared>>) offsets(%arg12 : memref<128xi32, #tpu.memory_space<vmem>>) semaphore(%run_scoped3A : memref<!tpu.dma_semaphore, #tpu.memory_space<semaphore_mem>>) {add = true}
      %dma_wait3A_206 = arith.constant 0 : i32
      %dma_wait3A_207 = arith.constant 0 : i32
      %dma_wait3A_208 = tpu.memref_slice %arg13[%dma_wait3A_206, %dma_wait3A_207] : memref<10240x128xf32, #tpu.memory_space<vmem_shared>> -> memref<10240x128xf32, #tpu.memory_space<vmem_shared>>
      tpu.wait_indirect_dma semaphore(%run_scoped3A : memref<!tpu.dma_semaphore, #tpu.memory_space<semaphore_mem>>) src(%arg8 : memref<128x128xf32, #tpu.memory_space<vmem>>) dst(%dma_wait3A_208 : memref<10240x128xf32, #tpu.memory_space<vmem_shared>>)
      tpu.yield
    }) : () -> ()
    %barrier3A_197 = arith.constant 0 : index
    tpu.barrier barrier_id(%barrier3A_197)
    %mul3A_198 = arith.constant 640 : i32
    %mul3A_199 = arith.muli %arg1, %mul3A_198 : i32
    %mul3A_200 = arith.constant 640 : i32
    %mul3A_201 = arith.muli %arg1, %mul3A_200 : i32
    %add3A_202 = arith.addi %mul3A_0, %mul3A_201 : i32
    "tpu.region"() ({
      %run_scoped3A = tpu.sem_alloc : memref<!tpu.dma_semaphore, #tpu.memory_space<semaphore_mem>>
      %dma_start3A_203 = arith.constant 0 : i32
      %dma_start3A_204 = tpu.memref_slice %arg5[%add3A_202, %dma_start3A_203] : memref<20480x128xf32, #tpu.memory_space<hbm>> -> memref<640x128xf32, #tpu.memory_space<hbm>>
      %dma_start3A_205 = arith.constant 0 : i32
      %dma_start3A_206 = tpu.memref_slice %arg13[%mul3A_199, %dma_start3A_205] : memref<10240x128xf32, #tpu.memory_space<vmem_shared>> -> memref<640x128xf32, #tpu.memory_space<vmem_shared>>
      tpu.enqueue_dma source(%dma_start3A_206 : memref<640x128xf32, #tpu.memory_space<vmem_shared>>) target(%dma_start3A_204 : memref<640x128xf32, #tpu.memory_space<hbm>>) target_semaphore(%run_scoped3A : memref<!tpu.dma_semaphore, #tpu.memory_space<semaphore_mem>>)
      %dma_wait3A_207 = arith.constant 0 : i32
      %dma_wait3A_208 = tpu.memref_slice %arg5[%add3A_202, %dma_wait3A_207] : memref<20480x128xf32, #tpu.memory_space<hbm>> -> memref<640x128xf32, #tpu.memory_space<hbm>>
      %dma_wait3A_209 = arith.constant 0 : i32
      %dma_wait3A_210 = tpu.memref_slice %arg13[%mul3A_199, %dma_wait3A_209] : memref<10240x128xf32, #tpu.memory_space<vmem_shared>> -> memref<640x128xf32, #tpu.memory_space<vmem_shared>>
      tpu.wait_dma2 semaphore(%run_scoped3A : memref<!tpu.dma_semaphore, #tpu.memory_space<semaphore_mem>>) src(%dma_wait3A_210 : memref<640x128xf32, #tpu.memory_space<vmem_shared>>) dst(%dma_wait3A_208 : memref<640x128xf32, #tpu.memory_space<hbm>>)
      tpu.yield
    }) : () -> ()
    return
  }
}

module attributes {stable_mosaic.version = 14 : i64} {
  func.func @_prescale_body(%arg0: i32, %arg1: memref<32x512xf32, #tpu.memory_space<vmem>>, %arg2: memref<512x256xf32, #tpu.memory_space<vmem>>, %arg3: memref<2x512x128xf32, #tpu.memory_space<vmem>>, %arg4: memref<512x1xf32, #tpu.memory_space<vmem>>) attributes {dimension_semantics = [#tpu.dimension_semantics<arbitrary>], iteration_bounds = array<i64: 20>, scalar_prefetch = 0 : i64, scratch_operands = 0 : i64, tpu.core_type = #tpu.core_type<tc>, window_params = [{transform_indices = @transform_0, window_bounds = array<i64: 32, 512>}, {transform_indices = @transform_1, window_bounds = array<i64: 512, 256>}, {transform_indices = @transform_2, window_bounds = array<i64: 2, 512, 128>}, {transform_indices = @transform_3, window_bounds = array<i64: 512, 1>}]} {
    %get3A = arith.constant 0 : index
    %get3A_0 = arith.constant 0 : index
    %get3A_1 = vector.load %arg1[%get3A, %get3A_0] : memref<32x512xf32, #tpu.memory_space<vmem>>, vector<32x512xf32>
    %reduce_sum3A = arith.constant dense<0.000000e+00> : vector<512xf32>
    %reduce_sum3A_2 = vector.multi_reduction <add>, %get3A_1, %reduce_sum3A [0] : vector<32x512xf32> to vector<512xf32>
    %add3A = arith.constant 1.000000e+00 : f32
    %add3A_3 = vector.broadcast %add3A : f32 to vector<512xf32>
    %add3A_4 = arith.addf %reduce_sum3A_2, %add3A_3 : vector<512xf32>
    %rsqrt3A = math.rsqrt %add3A_4 : vector<512xf32>
    %reshape3A = vector.shape_cast %rsqrt3A : vector<512xf32> to vector<512x1xf32>
    %swap3A = arith.constant 0 : index
    %swap3A_5 = arith.constant 0 : index
    %swap3A_6 = vector.load %arg4[%swap3A, %swap3A_5] : memref<512x1xf32, #tpu.memory_space<vmem>>, vector<512x1xf32>
    tpu.vector_store %arg4[%swap3A, %swap3A_5], %reshape3A {strides = array<i32>} : memref<512x1xf32, #tpu.memory_space<vmem>>, vector<512x1xf32>,
    %get3A_7 = arith.constant 0 : index
    %get3A_8 = arith.constant 0 : index
    %get3A_9 = vector.load %arg2[%get3A_7, %get3A_8] : memref<512x256xf32, #tpu.memory_space<vmem>>, vector<512x256xf32>
    %broadcast_in_dim3A = vector.shape_cast %rsqrt3A : vector<512xf32> to vector<512x1xf32>
    %mul3A = vector.broadcast %broadcast_in_dim3A : vector<512x1xf32> to vector<512x256xf32>
    %mul3A_10 = arith.mulf %get3A_9, %mul3A : vector<512x256xf32>
    %slice3A = vector.extract_strided_slice %mul3A_10 {offsets = [0, 0], sizes = [512, 128], strides = [1, 1]} : vector<512x256xf32> to vector<512x128xf32>
    %swap3A_11 = arith.constant 0 : index
    %swap3A_12 = arith.constant 0 : index
    %swap3A_13 = arith.constant 0 : index
    %swap3A_14 = vector.load %arg3[%swap3A_11, %swap3A_12, %swap3A_13] : memref<2x512x128xf32, #tpu.memory_space<vmem>>, vector<1x512x128xf32>
    %swap3A_15 = vector.shape_cast %swap3A_14 : vector<1x512x128xf32> to vector<512x128xf32>
    %swap3A_16 = vector.shape_cast %slice3A : vector<512x128xf32> to vector<1x512x128xf32>
    tpu.vector_store %arg3[%swap3A_11, %swap3A_12, %swap3A_13], %swap3A_16 {strides = array<i32>} : memref<2x512x128xf32, #tpu.memory_space<vmem>>, vector<1x512x128xf32>,
    %slice3A_17 = vector.extract_strided_slice %mul3A_10 {offsets = [0, 128], sizes = [512, 128], strides = [1, 1]} : vector<512x256xf32> to vector<512x128xf32>
    %swap3A_18 = arith.constant 1 : index
    %swap3A_19 = arith.constant 0 : index
    %swap3A_20 = arith.constant 0 : index
    %swap3A_21 = vector.load %arg3[%swap3A_18, %swap3A_19, %swap3A_20] : memref<2x512x128xf32, #tpu.memory_space<vmem>>, vector<1x512x128xf32>
    %swap3A_22 = vector.shape_cast %swap3A_21 : vector<1x512x128xf32> to vector<512x128xf32>
    %swap3A_23 = vector.shape_cast %slice3A_17 : vector<512x128xf32> to vector<1x512x128xf32>
    tpu.vector_store %arg3[%swap3A_18, %swap3A_19, %swap3A_20], %swap3A_23 {strides = array<i32>} : memref<2x512x128xf32, #tpu.memory_space<vmem>>, vector<1x512x128xf32>,
    return
  }
  func.func @transform_0(%arg0: i32) -> (i32, i32) {
    %c0_i32 = arith.constant 0 : i32
    %c0_i32_0 = arith.constant 0 : i32
    return %c0_i32, %arg0 : i32, i32
  }
  func.func @transform_1(%arg0: i32) -> (i32, i32) {
    %c0_i32 = arith.constant 0 : i32
    %c0_i32_0 = arith.constant 0 : i32
    return %arg0, %c0_i32 : i32, i32
  }
  func.func @transform_2(%arg0: i32) -> (i32, i32, i32) {
    %c0_i32 = arith.constant 0 : i32
    %c0_i32_0 = arith.constant 0 : i32
    %c0_i32_1 = arith.constant 0 : i32
    return %c0_i32, %arg0, %c0_i32_0 : i32, i32, i32
  }
  func.func @transform_3(%arg0: i32) -> (i32, i32) {
    %c0_i32 = arith.constant 0 : i32
    %c0_i32_0 = arith.constant 0 : i32
    return %arg0, %c0_i32 : i32, i32
  }
}

module attributes {stable_mosaic.version = 14 : i64} {
  func.func @_mlp_body(%arg0: i32, %arg1: memref<2x512x128xf32, #tpu.memory_space<vmem>>, %arg2: memref<512x1xf32, #tpu.memory_space<vmem>>, %arg3: memref<256x512xf32, #tpu.memory_space<vmem>>, %arg4: memref<1x512xf32, #tpu.memory_space<vmem>>, %arg5: memref<512x256xf32, #tpu.memory_space<vmem>>, %arg6: memref<2x512x128xf32, #tpu.memory_space<vmem>>) attributes {dimension_semantics = [#tpu.dimension_semantics<arbitrary>], iteration_bounds = array<i64: 20>, scalar_prefetch = 0 : i64, scratch_operands = 0 : i64, tpu.core_type = #tpu.core_type<tc>, window_params = [{transform_indices = @transform_0, window_bounds = array<i64: 2, 512, 128>}, {transform_indices = @transform_1, window_bounds = array<i64: 512, 1>}, {pipeline_mode = #tpu.pipeline_mode<synchronous>, transform_indices = @transform_2, window_bounds = array<i64: 256, 512>}, {pipeline_mode = #tpu.pipeline_mode<synchronous>, transform_indices = @transform_3, window_bounds = array<i64: 1, 512>}, {pipeline_mode = #tpu.pipeline_mode<synchronous>, transform_indices = @transform_4, window_bounds = array<i64: 512, 256>}, {transform_indices = @transform_5, window_bounds = array<i64: 2, 512, 128>}]} {
    %get3A = arith.constant 0 : index
    %get3A_0 = arith.constant 0 : index
    %get3A_1 = vector.load %arg2[%get3A, %get3A_0] : memref<512x1xf32, #tpu.memory_space<vmem>>, vector<512x1xf32>
    %get3A_2 = arith.constant 0 : index
    %get3A_3 = arith.constant 0 : index
    %get3A_4 = vector.load %arg3[%get3A_2, %get3A_3] : memref<256x512xf32, #tpu.memory_space<vmem>>, vector<256x512xf32>
    %get3A_5 = arith.constant 0 : index
    %get3A_6 = arith.constant 0 : index
    %get3A_7 = arith.constant 0 : index
    %get3A_8 = vector.load %arg1[%get3A_5, %get3A_6, %get3A_7] : memref<2x512x128xf32, #tpu.memory_space<vmem>>, vector<1x512x128xf32>
    %get3A_9 = vector.shape_cast %get3A_8 : vector<1x512x128xf32> to vector<512x128xf32>
    %mul3A = vector.broadcast %get3A_1 : vector<512x1xf32> to vector<512x128xf32>
    %mul3A_10 = arith.mulf %get3A_9, %mul3A : vector<512x128xf32>
    %get3A_11 = arith.constant 1 : index
    %get3A_12 = arith.constant 0 : index
    %get3A_13 = arith.constant 0 : index
    %get3A_14 = vector.load %arg1[%get3A_11, %get3A_12, %get3A_13] : memref<2x512x128xf32, #tpu.memory_space<vmem>>, vector<1x512x128xf32>
    %get3A_15 = vector.shape_cast %get3A_14 : vector<1x512x128xf32> to vector<512x128xf32>
    %mul3A_16 = vector.broadcast %get3A_1 : vector<512x1xf32> to vector<512x128xf32>
    %mul3A_17 = arith.mulf %get3A_15, %mul3A_16 : vector<512x128xf32>
    %slice3A = vector.extract_strided_slice %get3A_4 {offsets = [0, 0], sizes = [128, 512], strides = [1, 1]} : vector<256x512xf32> to vector<128x512xf32>
    %dot_general3A = arith.constant dense<0.000000e+00> : vector<512x512xf32>
    %dot_general3A_18 = tpu.matmul %mul3A_10, %slice3A, %dot_general3A {dimension_numbers = #tpu.dot_dimension_numbers<[1], [0], [0], [1], [0, 0, 1, 1], [], []>, transpose_lhs_hint = false} : vector<512x128xf32>, vector<128x512xf32>, vector<512x512xf32> -> vector<512x512xf32>
    %slice3A_19 = vector.extract_strided_slice %get3A_4 {offsets = [128, 0], sizes = [128, 512], strides = [1, 1]} : vector<256x512xf32> to vector<128x512xf32>
    %dot_general3A_20 = arith.constant dense<0.000000e+00> : vector<512x512xf32>
    %dot_general3A_21 = tpu.matmul %mul3A_17, %slice3A_19, %dot_general3A_20 {dimension_numbers = #tpu.dot_dimension_numbers<[1], [0], [0], [1], [0, 0, 1, 1], [], []>, transpose_lhs_hint = false} : vector<512x128xf32>, vector<128x512xf32>, vector<512x512xf32> -> vector<512x512xf32>
    %add3A = arith.addf %dot_general3A_18, %dot_general3A_21 : vector<512x512xf32>
    %get3A_22 = arith.constant 0 : index
    %get3A_23 = arith.constant 0 : index
    %get3A_24 = vector.load %arg4[%get3A_22, %get3A_23] : memref<1x512xf32, #tpu.memory_space<vmem>>, vector<1x512xf32>
    %add3A_25 = vector.broadcast %get3A_24 : vector<1x512xf32> to vector<512x512xf32>
    %add3A_26 = arith.addf %add3A, %add3A_25 : vector<512x512xf32>
    %max3A = arith.constant 0.000000e+00 : f32
    %max3A_27 = vector.broadcast %max3A : f32 to vector<512x512xf32>
    %max3A_28 = arith.maximumf %add3A_26, %max3A_27 : vector<512x512xf32>
    %get3A_29 = arith.constant 0 : index
    %get3A_30 = arith.constant 0 : index
    %get3A_31 = vector.load %arg5[%get3A_29, %get3A_30] : memref<512x256xf32, #tpu.memory_space<vmem>>, vector<512x256xf32>
    %dot_general3A_32 = arith.constant dense<0.000000e+00> : vector<512x256xf32>
    %dot_general3A_33 = tpu.matmul %max3A_28, %get3A_31, %dot_general3A_32 {dimension_numbers = #tpu.dot_dimension_numbers<[1], [0], [0], [1], [0, 0, 1, 1], [], []>, transpose_lhs_hint = false} : vector<512x512xf32>, vector<512x256xf32>, vector<512x256xf32> -> vector<512x256xf32>
    %mul3A_34 = vector.broadcast %get3A_1 : vector<512x1xf32> to vector<512x256xf32>
    %mul3A_35 = arith.mulf %dot_general3A_33, %mul3A_34 : vector<512x256xf32>
    %slice3A_36 = vector.extract_strided_slice %mul3A_35 {offsets = [0, 0], sizes = [512, 128], strides = [1, 1]} : vector<512x256xf32> to vector<512x128xf32>
    %swap3A = arith.constant 0 : index
    %swap3A_37 = arith.constant 0 : index
    %swap3A_38 = arith.constant 0 : index
    %swap3A_39 = vector.load %arg6[%swap3A, %swap3A_37, %swap3A_38] : memref<2x512x128xf32, #tpu.memory_space<vmem>>, vector<1x512x128xf32>
    %swap3A_40 = vector.shape_cast %swap3A_39 : vector<1x512x128xf32> to vector<512x128xf32>
    %swap3A_41 = vector.shape_cast %slice3A_36 : vector<512x128xf32> to vector<1x512x128xf32>
    tpu.vector_store %arg6[%swap3A, %swap3A_37, %swap3A_38], %swap3A_41 {strides = array<i32>} : memref<2x512x128xf32, #tpu.memory_space<vmem>>, vector<1x512x128xf32>,
    %slice3A_42 = vector.extract_strided_slice %mul3A_35 {offsets = [0, 128], sizes = [512, 128], strides = [1, 1]} : vector<512x256xf32> to vector<512x128xf32>
    %swap3A_43 = arith.constant 1 : index
    %swap3A_44 = arith.constant 0 : index
    %swap3A_45 = arith.constant 0 : index
    %swap3A_46 = vector.load %arg6[%swap3A_43, %swap3A_44, %swap3A_45] : memref<2x512x128xf32, #tpu.memory_space<vmem>>, vector<1x512x128xf32>
    %swap3A_47 = vector.shape_cast %swap3A_46 : vector<1x512x128xf32> to vector<512x128xf32>
    %swap3A_48 = vector.shape_cast %slice3A_42 : vector<512x128xf32> to vector<1x512x128xf32>
    tpu.vector_store %arg6[%swap3A_43, %swap3A_44, %swap3A_45], %swap3A_48 {strides = array<i32>} : memref<2x512x128xf32, #tpu.memory_space<vmem>>, vector<1x512x128xf32>,
    return
  }
  func.func @transform_0(%arg0: i32) -> (i32, i32, i32) {
    %c0_i32 = arith.constant 0 : i32
    %c0_i32_0 = arith.constant 0 : i32
    %c0_i32_1 = arith.constant 0 : i32
    return %c0_i32, %arg0, %c0_i32_0 : i32, i32, i32
  }
  func.func @transform_1(%arg0: i32) -> (i32, i32) {
    %c0_i32 = arith.constant 0 : i32
    %c0_i32_0 = arith.constant 0 : i32
    return %arg0, %c0_i32 : i32, i32
  }
  func.func @transform_2(%arg0: i32) -> (i32, i32) {
    %c0_i32 = arith.constant 0 : i32
    %c0_i32_0 = arith.constant 0 : i32
    %c0_i32_1 = arith.constant 0 : i32
    return %c0_i32, %c0_i32_0 : i32, i32
  }
  func.func @transform_3(%arg0: i32) -> (i32, i32) {
    %c0_i32 = arith.constant 0 : i32
    %c0_i32_0 = arith.constant 0 : i32
    %c0_i32_1 = arith.constant 0 : i32
    return %c0_i32, %c0_i32_0 : i32, i32
  }
  func.func @transform_4(%arg0: i32) -> (i32, i32) {
    %c0_i32 = arith.constant 0 : i32
    %c0_i32_0 = arith.constant 0 : i32
    %c0_i32_1 = arith.constant 0 : i32
    return %c0_i32, %c0_i32_0 : i32, i32
  }
  func.func @transform_5(%arg0: i32) -> (i32, i32, i32) {
    %c0_i32 = arith.constant 0 : i32
    %c0_i32_0 = arith.constant 0 : i32
    %c0_i32_1 = arith.constant 0 : i32
    return %c0_i32, %arg0, %c0_i32_0 : i32, i32, i32
  }
}

module attributes {stable_mosaic.version = 14 : i64} {
  func.func @_final_body(%arg0: i32, %arg1: memref<2x512x128xf32, #tpu.memory_space<vmem>>, %arg2: memref<512x1xf32, #tpu.memory_space<vmem>>, %arg3: memref<1x256xf32, #tpu.memory_space<vmem>>, %arg4: memref<512x256xf32, #tpu.memory_space<vmem>>) attributes {dimension_semantics = [#tpu.dimension_semantics<arbitrary>], iteration_bounds = array<i64: 20>, scalar_prefetch = 0 : i64, scratch_operands = 0 : i64, tpu.core_type = #tpu.core_type<tc>, window_params = [{transform_indices = @transform_0, window_bounds = array<i64: 2, 512, 128>}, {transform_indices = @transform_1, window_bounds = array<i64: 512, 1>}, {pipeline_mode = #tpu.pipeline_mode<synchronous>, transform_indices = @transform_2, window_bounds = array<i64: 1, 256>}, {transform_indices = @transform_3, window_bounds = array<i64: 512, 256>}]} {
    %get3A = arith.constant 0 : index
    %get3A_0 = arith.constant 0 : index
    %get3A_1 = vector.load %arg2[%get3A, %get3A_0] : memref<512x1xf32, #tpu.memory_space<vmem>>, vector<512x1xf32>
    %get3A_2 = arith.constant 0 : index
    %get3A_3 = arith.constant 0 : index
    %get3A_4 = arith.constant 0 : index
    %get3A_5 = vector.load %arg1[%get3A_2, %get3A_3, %get3A_4] : memref<2x512x128xf32, #tpu.memory_space<vmem>>, vector<1x512x128xf32>
    %get3A_6 = vector.shape_cast %get3A_5 : vector<1x512x128xf32> to vector<512x128xf32>
    %get3A_7 = arith.constant 1 : index
    %get3A_8 = arith.constant 0 : index
    %get3A_9 = arith.constant 0 : index
    %get3A_10 = vector.load %arg1[%get3A_7, %get3A_8, %get3A_9] : memref<2x512x128xf32, #tpu.memory_space<vmem>>, vector<1x512x128xf32>
    %get3A_11 = vector.shape_cast %get3A_10 : vector<1x512x128xf32> to vector<512x128xf32>
    %concatenate3A = tpu.concatenate %get3A_6, %get3A_11 in 1 : vector<512x128xf32>, vector<512x128xf32> -> vector<512x256xf32>
    %mul3A = vector.broadcast %get3A_1 : vector<512x1xf32> to vector<512x256xf32>
    %mul3A_12 = arith.mulf %concatenate3A, %mul3A : vector<512x256xf32>
    %get3A_13 = arith.constant 0 : index
    %get3A_14 = arith.constant 0 : index
    %get3A_15 = vector.load %arg3[%get3A_13, %get3A_14] : memref<1x256xf32, #tpu.memory_space<vmem>>, vector<1x256xf32>
    %add3A = vector.broadcast %get3A_15 : vector<1x256xf32> to vector<512x256xf32>
    %add3A_16 = arith.addf %mul3A_12, %add3A : vector<512x256xf32>
    %swap3A = arith.constant 0 : index
    %swap3A_17 = arith.constant 0 : index
    %swap3A_18 = vector.load %arg4[%swap3A, %swap3A_17] : memref<512x256xf32, #tpu.memory_space<vmem>>, vector<512x256xf32>
    tpu.vector_store %arg4[%swap3A, %swap3A_17], %add3A_16 {strides = array<i32>} : memref<512x256xf32, #tpu.memory_space<vmem>>, vector<512x256xf32>,
    return
  }
  func.func @transform_0(%arg0: i32) -> (i32, i32, i32) {
    %c0_i32 = arith.constant 0 : i32
    %c0_i32_0 = arith.constant 0 : i32
    %c0_i32_1 = arith.constant 0 : i32
    return %c0_i32, %arg0, %c0_i32_0 : i32, i32, i32
  }
  func.func @transform_1(%arg0: i32) -> (i32, i32) {
    %c0_i32 = arith.constant 0 : i32
    %c0_i32_0 = arith.constant 0 : i32
    return %arg0, %c0_i32 : i32, i32
  }
  func.func @transform_2(%arg0: i32) -> (i32, i32) {
    %c0_i32 = arith.constant 0 : i32
    %c0_i32_0 = arith.constant 0 : i32
    %c0_i32_1 = arith.constant 0 : i32
    return %c0_i32, %c0_i32_0 : i32, i32
  }
  func.func @transform_3(%arg0: i32) -> (i32, i32) {
    %c0_i32 = arith.constant 0 : i32
    %c0_i32_0 = arith.constant 0 : i32
    return %arg0, %c0_i32 : i32, i32
  }
}

</mosaic_0001>

<sc_bundles>
// kernel: kernel.11.cloned.1.call-start
scs
__scs_entry_jumppad:
0x0: {  	(pc) =	sbr.rel $0x88, $3  }
0x1: {  	(tag) =	ssettag $0x0;
	lr =	simm.s32 $0x1  }
0x2: {  	[smem:$0x3F9B] =	sst lr;
	_ =	strace $0xD0000000  }
0x3: {  	_ = 	snop  }
0x4: {  	_ = 	snop  }
0x5: {  	_ = 	snop  }
0x6: {  	_ = 	snop  }
0x7: {  	_ = 	snop  }
__scs_overlays_trampoline_lowered:
0x8: {  	[smem:$0x3FAA] =	sst s0  }
0x9: {  	[smem:$0x3FAB] =	sst s1  }
0xa: {  	[smem:$0x3FAC] =	sst s2  }
0xb: {  	[smem:$0x3FAD] =	sst s3  }
0xc: {  	[smem:$0x3FAE] =	sst s4  }
0xd: {  	[smem:$0x3FAF] =	sst s5  }
0xe: {  	[smem:$0x3FB0] =	sst s6  }
0xf: {  	[smem:$0x3FB1] =	sst s7  }
0x10: {  	[smem:$0x3FB2] =	sst s8  }
0x11: {  	[smem:$0x3FB3] =	sst s9;
	s0 =	simm.s32 @!p0 $0x0  }
0x12: {  	s1 =	sld [smem:$0x3F99];
	s0 =	simm.s32 @p0 $0x1  }
0x13: {  	[smem:$0x3FB4] =	sst s0;
	s0 =	simm.s32 @!p1 $0x0  }
0x14: {  	s2 =	sld [smem:$0x3F98];
	s0 =	simm.s32 @p1 $0x1  }
0x15: {  	[smem:$0x3FB5] =	sst s0;
	s0 =	simm.s32 @!p2 $0x0  }
0x16: {  	s3 =	sld [smem:$0x3FDB];
	s0 =	simm.s32 @p2 $0x1  }
0x17: {  	s4 =	simm.s32 $0x1BF5;
	[smem:$0x3FB7] =	sst s0  }
0x18: {  	s0 =	sld [smem:$0x3F9A];
	_ =	swait.ge [sflag:s4], $0x0  }
0x19: {  	s7 =	sld [smem:$0x3F9B]  }
0x1a: {  	s8 =	sadd.s32 $0xFFFFE003, lr  }
0x1b: {  	s9 =	sadd.s32 $0xFFFFFEF7, lr;
	s5 =	simm.s32 $0xFFFFFFFF;
	p2 =	slt.u32 s8, $0xFFFFF086  }
0x1c: {  	p1 =	slt.u32 s9, $0xF7A;
	s5 =	simm.s32 @!p2 $0x0  }
0x1d: {  	s5 =	simm.s32 @p1 $0x1;
	p0 =	seq.s32 s7, s2  }
0x1e: {  	s7 =	smul.u32 @!p0 $0xF7A, s2;
	p2 =	seq.s32 @!p0 s5, $0x0  }
0x1f: {  	s9 =	smul.u32 $0xF7A, s1;
	s8 =	simm.s32 @!p0 $0x1BF5;
	p2 =	por !p2, p0  }
0x20: {  	[sflag:s8] =	ssyncset.s32 @!p0 $0xFFFFF086;
	s6 =	sadd.s32 @!p0 s3, s7;
	s7 =	simm.s32 @!p0 $0x108  }
0x21: {  	s3 =	sadd.s32 s3, s9;
	s6 =	sadd.s32 @!p0 $0x88, s6;
	s7 =	simm.s32 @p2 $0x1082  }
0x22: {  	[simem:s7], [sflag:s8] =	dma.local @!p0 [hbm:s6], $0xF7A  }
0x23: {  	s9 =	sor.u32 $0xD0000000, s2;
	s6 =	simm.s32 $0x108;
	_ =	swait.ge @!p0 [sflag:s8], $0x0  }
0x24: {  	s3 =	sadd.s32 $0x88, s3;
	s6 =	simm.s32 @!p1 $0x1082;
	[sflag:s4] =	ssyncset.s32 $0xFFFFF086  }
0x25: {  	[simem:s6], [sflag:s4] =	dma.local [hbm:s3], $0xF7A  }
0x26: {  	[smem:$0x3F9B] =	sst s1;
	(tag) =	ssettag s2;
	_ =	strace s9  }
0x27: {  	s1 =	sld [smem:$0x3FAB]  }
0x28: {  	s2 =	sld [smem:$0x3FAC]  }
0x29: {  	s4 =	sld [smem:$0x3FAE]  }
0x2a: {  	p0 =	seq.s32 s5, $0x0;
	s5 =	sld [smem:$0x3FAF]  }
0x2b: {  	s6 =	sld [smem:$0x3FB0]  }
0x2c: {  	s7 =	sld [smem:$0x3FB1]  }
0x2d: {  	s3 =	simm.s32 $0x108;
	s8 =	sld [smem:$0x3FB2]  }
0x2e: {  	s3 =	simm.s32 @!p0 $0x1082;
	s9 =	sld [smem:$0x3FB3]  }
0x2f: {  	lr =	sadd.s32 s0, s3;
	s0 =	sld [smem:$0x3FAA]  }
0x30: {  	s3 =	sld [smem:$0x3FAD]  }
0x31: {  	[smem:$0x3FB6] =	sst s10  }
0x32: {  	s10 =	sld [smem:$0x3FB4];
	_ =	sdelay $0x3  }
0x33: {  	p0 =	seq.s32 s10, $0x1;
	s10 =	sld [smem:$0x3FB6];
	_ =	sdelay $0x3  }
0x34: {  	[smem:$0x3FB6] =	sst s10  }
0x35: {  	s10 =	sld [smem:$0x3FB5];
	_ =	sdelay $0x3  }
0x36: {  	p1 =	seq.s32 s10, $0x1;
	s10 =	sld [smem:$0x3FB6];
	_ =	sdelay $0x3  }
0x37: {  	[smem:$0x3FB6] =	sst s10  }
0x38: {  	s10 =	sld [smem:$0x3FB7]  }
0x39: {  	_ = 	snop;
	(pc) =	sbr.ind lr, $3  }
0x3a: {  	_ = 	snop  }
0x3b: {  	_ = 	snop  }
0x3c: {  	p2 =	seq.s32 s10, $0x1;
	s10 =	sld [smem:$0x3FB6]  }
0x3d: {  	_ =	shalt  }
0x3e: {  	_ =	shalt  }
0x3f: {  	_ =	shalt  }
0x40: {  	_ =	shalt  }
0x41: {  	_ =	shalt  }
0x42: {  	_ =	shalt  }
0x43: {  	_ =	shalt  }
0x44: {  	_ =	shalt  }
0x45: {  	_ =	shalt  }
0x46: {  	_ =	shalt  }
0x47: {  	_ =	shalt  }
0x48: {  	_ =	shalt  }
0x49: {  	_ =	shalt  }
0x4a: {  	_ =	shalt  }
0x4b: {  	_ =	shalt  }
0x4c: {  	_ =	shalt  }
0x4d: {  	_ =	shalt  }
0x4e: {  	_ =	shalt  }
0x4f: {  	_ =	shalt  }
0x50: {  	_ =	shalt  }
0x51: {  	_ =	shalt  }
0x52: {  	_ =	shalt  }
0x53: {  	_ =	shalt  }
0x54: {  	_ =	shalt  }
0x55: {  	_ =	shalt  }
0x56: {  	_ =	shalt  }
0x57: {  	_ =	shalt  }
0x58: {  	_ =	shalt  }
0x59: {  	_ =	shalt  }
0x5a: {  	_ =	shalt  }
0x5b: {  	_ =	shalt  }
0x5c: {  	_ =	shalt  }
0x5d: {  	_ =	shalt  }
0x5e: {  	_ =	shalt  }
0x5f: {  	_ =	shalt  }
0x60: {  	_ =	shalt  }
0x61: {  	_ =	shalt  }
0x62: {  	_ =	shalt  }
0x63: {  	_ =	shalt  }
0x64: {  	_ =	shalt  }
0x65: {  	_ =	shalt  }
0x66: {  	_ =	shalt  }
0x67: {  	_ =	shalt  }
0x68: {  	_ =	shalt  }
0x69: {  	_ =	shalt  }
0x6a: {  	_ =	shalt  }
0x6b: {  	_ =	shalt  }
0x6c: {  	_ =	shalt  }
0x6d: {  	_ =	shalt  }
0x6e: {  	_ =	shalt  }
0x6f: {  	_ =	shalt  }
0x70: {  	_ =	shalt  }
0x71: {  	_ =	shalt  }
0x72: {  	_ =	shalt  }
0x73: {  	_ =	shalt  }
0x74: {  	_ =	shalt  }
0x75: {  	_ =	shalt  }
0x76: {  	_ =	shalt  }
0x77: {  	_ =	shalt  }
0x78: {  	_ =	shalt  }
0x79: {  	_ =	shalt  }
0x7a: {  	_ =	shalt  }
0x7b: {  	_ =	shalt  }
0x7c: {  	_ =	shalt  }
0x7d: {  	_ =	shalt  }
0x7e: {  	_ =	shalt  }
0x7f: {  	_ =	shalt  }
0x80: {  	_ =	shalt  }
0x81: {  	_ =	shalt  }
0x82: {  	_ =	shalt  }
0x83: {  	_ =	shalt  }
0x84: {  	_ =	shalt  }
0x85: {  	_ =	shalt  }
0x86: {  	_ =	shalt  }
0x87: {  	_ =	shalt  }
.Lfunc_end0:
.L_simem_size_0:
called_computation.1_lowered:
.L_overlay_start_0:
0x88: {  	s2 =	sld [smem:$0x3FD9]  }
0x89: {  	s3 =	sld [smem:$0x3FFE];
	_ =	sdelay $0x1  }
0x8a: {  	s1 =	srdreg.scid  }
0x8b: {  	s0 =	sand.u32 $0x1, s1  }
0x8c: {  	s16 =	sshll.u32 s0, $0xA;
	s2 =	sadd.s32 s3, s2  }
0x8d: {  	s2 =	sadd.s32 s2, s16  }
0x8e: {  	[smem:$0x3FC2] =	sst s2  }
0x8f: {  	_ = 	snop  }
0x90: {  	(tm) =	ssettm $0x1  }
0x91: {  	s17 =	sld [smem:$0x3FFB];
	_ =	sdelay $0x3  }
0x92: {  	_ =	strace s17  }
0x93: {  	s2 =	sld [smem:$0x3FFC];
	_ =	sdelay $0x3  }
0x94: {  	_ =	strace s2  }
0x95: {  	s2 =	sld [smem:$0x3FFD];
	_ =	sdelay $0x3  }
0x96: {  	_ =	strace s2  }
0x97: {  	_ =	strace $0x8FFFFFFF  }
0x98: {  	s18 =	sld [smem:$0x3FDB];
	_ =	sdelay $0x1  }
0x99: {  	s19 =	simm.s32 $_scs_section_size  }
0x9a: {  	s4 =	simm.s32 $_size__tile_overlayer_lowered;
	s5 =	simm.s32 $_tile_overlayer_lowered  }
0x9b: {  	s22 =	simm.s32 $0x1BFF;
	s21 =	sshll.u32 s5, $0x1;
	s2 =	sadd.s32 s19, s18  }
0x9c: {  	s6 =	simm.s32 $0x0;
	s20 =	sshll.u32 s4, $0x1;
	s4 =	sadd.s32 s21, s2  }
0x9d: {  	[timem:s6], [sflag:s22] =	dma.local [hbm:s4], s20  }
0x9e: {  	_ =	swait.ge [sflag:s22], s20  }
0x9f: {  	s3 =	ssub.s32 $0x0, s20;
	[sflag:s22] =	ssyncset.done $0x0  }
0xa0: {  	[sflag:s22] =	ssyncadd.s32 s3;
	_ =	sdelay $0x1  }
0xa1: {  	s23 =	simm.s32 $0x1B8B  }
0xa2: {  	_ =	swait.ge [sflag:s23], $0x1  }
0xa3: {  	[sflag:s23] =	ssyncset.done $0x0  }
0xa4: {  	s25 =	simm.s32 $0x1B8E;
	s24 =	sld [smem:$0x3FFE];
	[sflag:s23] =	ssyncadd.s32 $0xFFFFFFFF  }
0xa5: {  	s26 =	simm.s32 $execute0_lowered;
	[smem:$0x3FD2] =	sst s25  }
0xa6: {  	s4 =	sshll.u32 s26, $0x1;
	_ =	strace $0x80000049;
	[dreg:$0x1] =	wrdreg $0xFFFFFFFF  }
0xa7: {  	s28 =	simm.s32 $_size_execute0_lowered;
	s2 =	sadd.s32 s2, s4;
	[dreg:$0x0] =	wrdreg $0x0  }
0xa8: {  	s4 =	sshll.u32 s28, $0x1;
	[dreg:$0x2] =	wrdreg s2  }
0xa9: {  	[dreg:$0x3] =	wrdreg s4  }
0xaa: {  	[dreg:$0x4] =	wrdreg $0xC0  }
0xab: {  	_ =	task [dreg:s6], $0x5FFFF  }
0xac: {  	[dreg:$0x1] =	wrdreg $0xFFFFFFFF  }
0xad: {  	[dreg:$0x0] =	wrdreg $0x60  }
0xae: {  	[dreg:$0x2] =	wrdreg s24  }
0xaf: {  	[dreg:$0x3] =	wrdreg $0xAA000  }
0xb0: {  	[dreg:$0x4] =	wrdreg $0x9  }
0xb1: {  	_ =	task.clear_ibuf [dreg:s6], $0x5FFFF;
	_ =	strace $0x90000049  }
0xb2: {  	s29 =	simm.s32 $0x9;
	_ =	strace $0x8000004B  }
0xb3: {  	_ =	swait.ge [sflag:s29], $0x1  }
0xb4: {  	[sflag:s29] =	ssyncadd.s32 $0xFFFFFFFF  }
0xb5: {  	_ =	strace $0x9000004B  }
0xb6: {  	_ =	sfence  }
0xb7: {  	s30 =	sld [smem:$0x0];
	_ =	sdelay $0x2  }
0xb8: {  	s31 =	sshll.u32 s1, $0xD;
	s1 =	sshrl.u32 s1, $0x2  }
0xb9: {  	s3 =	sand.u32 $0x4000, s31;
	s1 =	sadd.s32 s1, s30  }
0xba: {  	s0 =	sor.u32 s3, s0;
	s1 =	sshll.u32 s1, $0x11  }
0xbb: {  	s0 =	sor.u32 s1, s0  }
0xbc: {  	s0 =	sadd.s32 $0x8F2B, s0  }
0xbd: {  	[sflag:s0] =	ssyncadd.remote.s32 $0x1  }
0xbe: {  	_ =	sfence.sel $0xFFFF  }
0xbf: {  	[dreg:$0x0] =	wrdreg $0xFFFFFFFF;
	(pc) =	sbr.abs _section_cstart, $3  }
0xc0: {  	[dreg:$0x1] =	wrdreg $0xFFFFFFFF  }
0xc1: {  	_ =	task.clear_ibuf [dreg:s6], $0x2FFFF;
	_ =	strace $0x9FFFFFFF  }
0xc2: {  	(tm) =	ssettm $0x7FFFFFFF  }
0xc3: {  	_ =	shalt  }
tec
execute0_lowered:
.L_overlay_start_1:
0x0: {  	(tag) =	ssettag $0x1  }
0x1: {  	s7 =	rddreg [dreg:$0x0];
	s0 =	stileid.u32  }
0x2: {  	s1 =	srdreg.scid;
	s2 =	rddreg [dreg:$0x1]  }
0x3: {  	s4 =	simm.s32 $0x0;
	s16 =	simm.s32 $0x80;
	s17 =	simm.s32 $0xA800  }
0x4: {  	s18 =	simm.s32 $0x2800;
	s19 =	simm.s32 $0xA900;
	s20 =	simm.s32 $0xA880  }
0x5: {  	s21 =	simm.s32 $0x6800;
	s22 =	simm.s32 $0xA980;
	s3 =	smul.u32 $0x500, s0  }
0x6: {  	s24 =	simm.s32 $0x2;
	s25 =	simm.s32 $0x0;
	s8 =	smul.u32 $0x280, s0  }
0x7: {  	s6 =	sand.u32 $0x1, s1;
	[smem:$0x7FF] =	sst s4;
	s11 =	smul.u32 $0x50000, s0  }
0x8: {  	s5 =	sadd.s32 $0xBA00, s7;
	s13 =	smul.u32 $0x2800, s0;
	s31 =	sshll.u32 s0, $0x6  }
0x9: {  	s23 =	smul.u32 $0x2800, s6;
	_ =	strace $0x8000004A;
	s10 =	ssub.s32 $0x2, s6  }
0xa: {  	s6 =	sadd.s32 $0x6A00, s7;
	s9 =	sadd.s32 s3, s7;
	s12 =	sshrl.u32 s10, $0x1  }
0xb: {  	s29 =	sshrl.u32 s11, $0x2;
	s30 =	sshrl.u32 s13, $0x3;
	s13 =	simm.s32 $0x3  }
0xc: {  	s8 =	sadd.s32 s8, s23;
	s12 =	ssub.s32 s10, s12;
	s15 =	sadd.s32 s29, s2  }
0xd: {  	s10 =	sadd.s32 s6, s30;
	v0 =	vmov s23;
	s23 =	simm.s32 $0x1;
	s8 =	sshll.u32 s8, $0x4  }
0xe: {  	s10 =	sadd.s32 $0x4F0, s10;
	s12 =	smax.u32 s12, $0x1;
	s15 =	sshrl.u32 s15, $0x3  }
0xf: {  	s14 =	sadd.s32 s8, s7;
	s7 =	sadd.s32 $0x5C000, s9;
	s8 =	sadd.s32 s5, s8  }
0x10: {  	s9 =	sadd.s32 s6, s3;
	s11 =	sadd.s32 $0x61000, s14;
	s14 =	sor.u32 $0x1C03, s31  }
.LBB2_1:
0x11: {  	[tilespmem:s4], [sflag:$0x3] =	stream.linear.gather [hbm4b:s7+s4], $0x2800, $0x38;
	[tilespmem:$0x1EA00] =	vst v63  }
0x12: {  	_ =	swait.ge [sflag:s13], $0x2800  }
0x13: {  	[sflag:s13] =	ssyncset.done $0x0  }
0x14: {  	[sflag:s13] =	ssyncadd.s32 $0xFFFFD800  }
0x15: {  	[spmem:s15], [sflag:s14] =	dma.local [hbm:s8], $0x2800  }
0x16: {  	_ =	swait.ge [sflag:s13], $0x2800  }
0x17: {  	[sflag:s13] =	ssyncset.done $0x0  }
0x18: {  	[sflag:s13] =	ssyncadd.s32 $0xFFFFD800  }
0x19: {  	[bflag:$0x0] =	sbarrier.arrive $0xFFFF  }
0x1a: {  	v1 =	vld [tilespmem:$0x0]  }
0x1b: {  	v2 =	vld [tilespmem:$0x10]  }
0x1c: {  	v3 =	vld [tilespmem:$0x20]  }
0x1d: {  	v4 =	vld [tilespmem:$0x30]  }
0x1e: {  	v5 =	vld [tilespmem:$0x40]  }
0x1f: {  	v6 =	vld [tilespmem:$0x50];
	v1 =	vadd.s32 v0, v1  }
0x20: {  	[tilespmem:$0xA800] =	vst v1;
	v1 =	vadd.s32 v0, v2;
	v2 =	vld [tilespmem:$0x60]  }
0x21: {  	[tilespmem:$0xA810] =	vst v1;
	v1 =	vadd.s32 v0, v3;
	v3 =	vld [tilespmem:$0x70]  }
0x22: {  	[tilespmem:$0xA820] =	vst v1;
	v1 =	vadd.s32 v0, v4  }
0x23: {  	[tilespmem:$0xA830] =	vst v1;
	v1 =	vadd.s32 v0, v5  }
0x24: {  	[tilespmem:$0xA840] =	vst v1;
	v1 =	vadd.s32 v0, v6  }
0x25: {  	[tilespmem:$0xA850] =	vst v1;
	v1 =	vadd.s32 v0, v2  }
0x26: {  	[tilespmem:$0xA860] =	vst v1;
	v1 =	vadd.s32 v0, v3  }
0x27: {  	[tilespmem:$0xA870] =	vst v1  }
0x28: {  	[tilespmem:s18], [sflag:$0x1] =	stream.indirect.gather [hbm4b:s5+s16], $0x80, s17, s16, $0xb8;
	[tilespmem:$0x1EA00] =	vst v63  }
0x29: {  	s26 =	simm.s32 $0xC0  }
0x2a: {  	[tilespmem:s19], [sflag:$0x1] =	stream.linear.gather [hbm4b:s9+s4], $0x80, $0x38;
	[tilespmem:$0x1EA00] =	vst v63  }
0x2b: {  	v1 =	vld [tilespmem:s26+$0xFFFFFFC0];
	_ =	sdelay $0x4  }
0x2c: {  	v1 =	vadd.s32 v0, v1  }
0x2d: {  	[tilespmem:$0xA880] =	vst v1  }
0x2e: {  	v1 =	vld [tilespmem:s26+$0xFFFFFFD0];
	_ =	sdelay $0x4  }
0x2f: {  	v1 =	vadd.s32 v0, v1  }
0x30: {  	[tilespmem:$0xA890] =	vst v1  }
0x31: {  	v1 =	vld [tilespmem:s26+$0xFFFFFFE0];
	_ =	sdelay $0x4  }
0x32: {  	v1 =	vadd.s32 v0, v1  }
0x33: {  	[tilespmem:$0xA8A0] =	vst v1  }
0x34: {  	v1 =	vld [tilespmem:s26+$0xFFFFFFF0];
	_ =	sdelay $0x4  }
0x35: {  	v1 =	vadd.s32 v0, v1  }
0x36: {  	[tilespmem:$0xA8B0] =	vst v1  }
0x37: {  	v1 =	vld [tilespmem:s26+$0x0];
	_ =	sdelay $0x4  }
0x38: {  	v1 =	vadd.s32 v0, v1  }
0x39: {  	[tilespmem:$0xA8C0] =	vst v1  }
0x3a: {  	v1 =	vld [tilespmem:s26+$0x10];
	_ =	sdelay $0x4  }
0x3b: {  	v1 =	vadd.s32 v0, v1  }
0x3c: {  	[tilespmem:$0xA8D0] =	vst v1  }
0x3d: {  	v1 =	vld [tilespmem:s26+$0x20];
	_ =	sdelay $0x4  }
0x3e: {  	v1 =	vadd.s32 v0, v1  }
0x3f: {  	[tilespmem:$0xA8E0] =	vst v1  }
0x40: {  	v1 =	vld [tilespmem:s26+$0x30];
	_ =	sdelay $0x3  }
0x41: {  	s28 =	simm.s32 $0x10  }
0x42: {  	s29 =	sadd.s32 $0x0, s3;
	s28 =	sand.u32 $0x70, s28;
	v1 =	vadd.s32 v0, v1  }
0x43: {  	s30 =	sand.u32 $0xFF80, s29;
	s28 =	sadd.s32 s6, s28;
	[tilespmem:$0xA8F0] =	vst v1  }
0x44: {  	[tilespmem:s21], [sflag:$0x2] =	stream.indirect.gather [hbm4b:s5+s16], $0x80, s20, s16, $0xb8;
	[tilespmem:$0x1EA00] =	vst v63  }
0x45: {  	s28 =	sadd.s32 s30, s28  }
0x46: {  	[tilespmem:s22], [sflag:$0x2] =	stream.linear.gather [hbm4b:s28+s4], $0x80, $0x38;
	[tilespmem:$0x1EA00] =	vst v63  }
0x47: {  	_ =	swait.ge [sflag:s23], $0x4000  }
0x48: {  	[sflag:s23] =	ssyncset.done $0x0  }
0x49: {  	[sflag:s23] =	ssyncadd.s32 $0xFFFFC000  }
0x4a: {  	_ =	swait.ge [sflag:s23], $0x80  }
0x4b: {  	[sflag:s23] =	ssyncset.done $0x0  }
0x4c: {  	[sflag:s23] =	ssyncadd.s32 $0xFFFFFF80  }
0x4d: {  	[spmem:s2] =	stream.indirect.scatter.add.f32 [tilespmem:s18], [sflag:$0x3], $0x80, s19, s16, $0xb8;
	[tilespmem:$0x1EA00] =	vst v63  }
0x4e: {  	_ =	swait.ge [sflag:s13], $0x4000  }
0x4f: {  	[sflag:s13] =	ssyncset.done $0x0  }
0x50: {  	[sflag:s13] =	ssyncadd.s32 $0xFFFFC000  }
0x51: {  	v1 =	vld [tilespmem:s26+$0x40];
	_ =	sdelay $0x4  }
0x52: {  	v1 =	vadd.s32 v0, v1  }
0x53: {  	[tilespmem:$0xA800] =	vst v1  }
0x54: {  	v1 =	vld [tilespmem:s26+$0x50];
	_ =	sdelay $0x4  }
0x55: {  	v1 =	vadd.s32 v0, v1  }
0x56: {  	[tilespmem:$0xA810] =	vst v1  }
0x57: {  	v1 =	vld [tilespmem:s26+$0x60];
	_ =	sdelay $0x4  }
0x58: {  	v1 =	vadd.s32 v0, v1  }
0x59: {  	[tilespmem:$0xA820] =	vst v1  }
0x5a: {  	v1 =	vld [tilespmem:s26+$0x70];
	_ =	sdelay $0x4  }
0x5b: {  	v1 =	vadd.s32 v0, v1  }
0x5c: {  	[tilespmem:$0xA830] =	vst v1  }
0x5d: {  	v1 =	vld [tilespmem:s26+$0x80];
	_ =	sdelay $0x4  }
0x5e: {  	v1 =	vadd.s32 v0, v1  }
0x5f: {  	[tilespmem:$0xA840] =	vst v1  }
0x60: {  	v1 =	vld [tilespmem:s26+$0x90];
	_ =	sdelay $0x4  }
0x61: {  	v1 =	vadd.s32 v0, v1  }
0x62: {  	[tilespmem:$0xA850] =	vst v1  }
0x63: {  	v1 =	vld [tilespmem:s26+$0xA0];
	_ =	sdelay $0x4  }
0x64: {  	v1 =	vadd.s32 v0, v1  }
0x65: {  	[tilespmem:$0xA860] =	vst v1  }
0x66: {  	v1 =	vld [tilespmem:s26+$0xB0];
	_ =	sdelay $0x3  }
0x67: {  	s31 =	simm.s32 $0x20  }
0x68: {  	s29 =	sadd.s32 $0x20, s29;
	s30 =	sand.u32 $0x60, s31;
	v1 =	vadd.s32 v0, v1  }
0x69: {  	s29 =	sand.u32 $0xFF80, s29;
	s28 =	sadd.s32 s6, s30;
	[tilespmem:$0xA870] =	vst v1  }
0x6a: {  	[tilespmem:s18], [sflag:$0x1] =	stream.indirect.gather [hbm4b:s5+s16], $0x80, s17, s16, $0xb8;
	[tilespmem:$0x1EA00] =	vst v63  }
0x6b: {  	s28 =	sadd.s32 s29, s28  }
0x6c: {  	[tilespmem:s19], [sflag:$0x1] =	stream.linear.gather [hbm4b:s28+s4], $0x80, $0x38;
	[tilespmem:$0x1EA00] =	vst v63  }
0x6d: {  	_ =	swait.ge [sflag:s24], $0x4000  }
0x6e: {  	[sflag:s24] =	ssyncset.done $0x0  }
0x6f: {  	[sflag:s24] =	ssyncadd.s32 $0xFFFFC000  }
0x70: {  	_ =	swait.ge [sflag:s24], $0x80  }
0x71: {  	[sflag:s24] =	ssyncset.done $0x0  }
0x72: {  	[sflag:s24] =	ssyncadd.s32 $0xFFFFFF80  }
0x73: {  	[spmem:s2] =	stream.indirect.scatter.add.f32 [tilespmem:s21], [sflag:$0x3], $0x80, s22, s16, $0xb8;
	[tilespmem:$0x1EA00] =	vst v63  }
0x74: {  	_ =	swait.ge [sflag:s13], $0x4000  }
.LBB2_2:
0x75: {  	[sflag:s13] =	ssyncset.done $0x0  }
0x76: {  	s26 =	sadd.s32 $0x100, s26;
	s30 =	smov.u32 s31;
	s28 =	sadd.s32 $0x20, s31  }
0x77: {  	p0 =	sne.s32 s31, $0x4C0;
	s29 =	sand.u32 $0x60, s28;
	[sflag:s13] =	ssyncadd.s32 $0xFFFFC000  }
0x78: {  	v1 =	vld [tilespmem:s26+$0xFFFFFFC0];
	_ =	sdelay $0x4  }
0x79: {  	v1 =	vadd.s32 v0, v1  }
0x7a: {  	[tilespmem:$0xA880] =	vst v1  }
0x7b: {  	v1 =	vld [tilespmem:s26+$0xFFFFFFD0];
	_ =	sdelay $0x4  }
0x7c: {  	v1 =	vadd.s32 v0, v1  }
0x7d: {  	[tilespmem:$0xA890] =	vst v1  }
0x7e: {  	v1 =	vld [tilespmem:s26+$0xFFFFFFE0];
	_ =	sdelay $0x4  }
0x7f: {  	v1 =	vadd.s32 v0, v1  }
0x80: {  	[tilespmem:$0xA8A0] =	vst v1  }
0x81: {  	v1 =	vld [tilespmem:s26+$0xFFFFFFF0];
	_ =	sdelay $0x4  }
0x82: {  	v1 =	vadd.s32 v0, v1  }
0x83: {  	[tilespmem:$0xA8B0] =	vst v1  }
0x84: {  	v1 =	vld [tilespmem:s26+$0x0];
	_ =	sdelay $0x4  }
0x85: {  	v1 =	vadd.s32 v0, v1  }
0x86: {  	[tilespmem:$0xA8C0] =	vst v1  }
0x87: {  	v1 =	vld [tilespmem:s26+$0x10];
	_ =	sdelay $0x4  }
0x88: {  	v1 =	vadd.s32 v0, v1  }
0x89: {  	[tilespmem:$0xA8D0] =	vst v1  }
0x8a: {  	v1 =	vld [tilespmem:s26+$0x20];
	_ =	sdelay $0x4  }
0x8b: {  	v1 =	vadd.s32 v0, v1  }
0x8c: {  	[tilespmem:$0xA8E0] =	vst v1  }
0x8d: {  	v1 =	vld [tilespmem:s26+$0x30];
	_ =	sdelay $0x3  }
0x8e: {  	s31 =	sadd.s32 $0x10, s30  }
0x8f: {  	s30 =	sadd.s32 s30, s3;
	s31 =	sand.u32 $0x70, s31;
	v1 =	vadd.s32 v0, v1  }
0x90: {  	s1 =	sand.u32 $0xFF80, s30;
	s30 =	sadd.s32 $0x20, s30;
	s31 =	sadd.s32 s6, s31;
	[tilespmem:$0xA8F0] =	vst v1  }
0x91: {  	[tilespmem:s21], [sflag:$0x2] =	stream.indirect.gather [hbm4b:s5+s16], $0x80, s20, s16, $0xb8;
	[tilespmem:$0x1EA00] =	vst v63  }
0x92: {  	s30 =	sand.u32 $0xFF80, s30;
	s1 =	sadd.s32 s1, s31  }
0x93: {  	[tilespmem:s22], [sflag:$0x2] =	stream.linear.gather [hbm4b:s1+s4], $0x80, $0x38;
	[tilespmem:$0x1EA00] =	vst v63  }
0x94: {  	_ =	swait.ge [sflag:s23], $0x4000  }
0x95: {  	[sflag:s23] =	ssyncset.done $0x0  }
0x96: {  	[sflag:s23] =	ssyncadd.s32 $0xFFFFC000  }
0x97: {  	_ =	swait.ge [sflag:s23], $0x80  }
0x98: {  	[sflag:s23] =	ssyncset.done $0x0  }
0x99: {  	[sflag:s23] =	ssyncadd.s32 $0xFFFFFF80  }
0x9a: {  	[spmem:s2] =	stream.indirect.scatter.add.f32 [tilespmem:s18], [sflag:$0x3], $0x80, s19, s16, $0xb8;
	[tilespmem:$0x1EA00] =	vst v63  }
0x9b: {  	_ =	swait.ge [sflag:s13], $0x4000  }
0x9c: {  	[sflag:s13] =	ssyncset.done $0x0  }
0x9d: {  	[sflag:s13] =	ssyncadd.s32 $0xFFFFC000  }
0x9e: {  	v1 =	vld [tilespmem:s26+$0x40];
	_ =	sdelay $0x4  }
0x9f: {  	v1 =	vadd.s32 v0, v1  }
0xa0: {  	[tilespmem:$0xA800] =	vst v1  }
0xa1: {  	v1 =	vld [tilespmem:s26+$0x50];
	_ =	sdelay $0x4  }
0xa2: {  	v1 =	vadd.s32 v0, v1  }
0xa3: {  	[tilespmem:$0xA810] =	vst v1  }
0xa4: {  	v1 =	vld [tilespmem:s26+$0x60];
	_ =	sdelay $0x4  }
0xa5: {  	v1 =	vadd.s32 v0, v1  }
0xa6: {  	[tilespmem:$0xA820] =	vst v1  }
0xa7: {  	v1 =	vld [tilespmem:s26+$0x70];
	_ =	sdelay $0x4  }
0xa8: {  	v1 =	vadd.s32 v0, v1  }
0xa9: {  	[tilespmem:$0xA830] =	vst v1  }
0xaa: {  	v1 =	vld [tilespmem:s26+$0x80];
	_ =	sdelay $0x4  }
0xab: {  	v1 =	vadd.s32 v0, v1  }
0xac: {  	[tilespmem:$0xA840] =	vst v1  }
0xad: {  	v1 =	vld [tilespmem:s26+$0x90];
	_ =	sdelay $0x4  }
0xae: {  	v1 =	vadd.s32 v0, v1  }
0xaf: {  	[tilespmem:$0xA850] =	vst v1  }
0xb0: {  	v1 =	vld [tilespmem:s26+$0xA0];
	_ =	sdelay $0x4  }
0xb1: {  	v1 =	vadd.s32 v0, v1  }
0xb2: {  	[tilespmem:$0xA860] =	vst v1  }
0xb3: {  	v1 =	vld [tilespmem:s26+$0xB0];
	_ =	sdelay $0x4  }
0xb4: {  	s1 =	sadd.s32 s6, s29;
	v1 =	vadd.s32 v0, v1  }
0xb5: {  	s1 =	sadd.s32 s30, s1;
	[tilespmem:$0xA870] =	vst v1  }
0xb6: {  	[tilespmem:s18], [sflag:$0x1] =	stream.indirect.gather [hbm4b:s5+s16], $0x80, s17, s16, $0xb8;
	[tilespmem:$0x1EA00] =	vst v63  }
0xb7: {  	_ = 	snop  }
0xb8: {  	[tilespmem:s19], [sflag:$0x1] =	stream.linear.gather [hbm4b:s1+s4], $0x80, $0x38;
	[tilespmem:$0x1EA00] =	vst v63  }
0xb9: {  	_ =	swait.ge [sflag:s24], $0x4000  }
0xba: {  	[sflag:s24] =	ssyncset.done $0x0  }
0xbb: {  	[sflag:s24] =	ssyncadd.s32 $0xFFFFC000  }
.Ltmp0:
0xbc: {  	_ =	swait.ge [sflag:s24], $0x80;
	(pc) =	sbr.rel @p0 .LBB2_2-.Ltmp0, $4  }
0xbd: {  	[sflag:s24] =	ssyncset.done $0x0  }
0xbe: {  	[sflag:s24] =	ssyncadd.s32 $0xFFFFFF80  }
0xbf: {  	[spmem:s2] =	stream.indirect.scatter.add.f32 [tilespmem:s21], [sflag:$0x3], $0x80, s22, s16, $0xb8;
	[tilespmem:$0x1EA00] =	vst v63  }
0xc0: {  	s31 =	smov.u32 s28;
	_ =	swait.ge [sflag:s13], $0x4000  }
0xc1: {  	[sflag:s13] =	ssyncset.done $0x0  }
0xc2: {  	[sflag:s13] =	ssyncadd.s32 $0xFFFFC000  }
0xc3: {  	v1 =	vld [tilespmem:$0x2780]  }
0xc4: {  	v2 =	vld [tilespmem:$0x2790]  }
0xc5: {  	v3 =	vld [tilespmem:$0x27A0]  }
0xc6: {  	v4 =	vld [tilespmem:$0x27B0]  }
0xc7: {  	v5 =	vld [tilespmem:$0x27C0]  }
0xc8: {  	v6 =	vld [tilespmem:$0x27D0];
	v1 =	vadd.s32 v0, v1  }
0xc9: {  	[tilespmem:$0xA880] =	vst v1;
	v1 =	vadd.s32 v0, v2;
	v2 =	vld [tilespmem:$0x27E0]  }
0xca: {  	[tilespmem:$0xA890] =	vst v1;
	v1 =	vadd.s32 v0, v3;
	v3 =	vld [tilespmem:$0x27F0]  }
0xcb: {  	[tilespmem:$0xA8A0] =	vst v1;
	v1 =	vadd.s32 v0, v4  }
0xcc: {  	[tilespmem:$0xA8B0] =	vst v1;
	v1 =	vadd.s32 v0, v5  }
0xcd: {  	[tilespmem:$0xA8C0] =	vst v1;
	v1 =	vadd.s32 v0, v6  }
0xce: {  	[tilespmem:$0xA8D0] =	vst v1;
	v1 =	vadd.s32 v0, v2  }
0xcf: {  	[tilespmem:$0xA8E0] =	vst v1;
	v1 =	vadd.s32 v0, v3  }
0xd0: {  	[tilespmem:$0xA8F0] =	vst v1  }
0xd1: {  	[tilespmem:s21], [sflag:$0x2] =	stream.indirect.gather [hbm4b:s5+s16], $0x80, s20, s16, $0xb8;
	[tilespmem:$0x1EA00] =	vst v63  }
0xd2: {  	_ = 	snop  }
0xd3: {  	[tilespmem:s22], [sflag:$0x2] =	stream.linear.gather [hbm4b:s10+s4], $0x80, $0x38;
	[tilespmem:$0x1EA00] =	vst v63  }
0xd4: {  	_ =	swait.ge [sflag:s23], $0x4000  }
0xd5: {  	[sflag:s23] =	ssyncset.done $0x0  }
0xd6: {  	[sflag:s23] =	ssyncadd.s32 $0xFFFFC000  }
0xd7: {  	_ =	swait.ge [sflag:s23], $0x80  }
0xd8: {  	[sflag:s23] =	ssyncset.done $0x0  }
0xd9: {  	[sflag:s23] =	ssyncadd.s32 $0xFFFFFF80  }
0xda: {  	[spmem:s2] =	stream.indirect.scatter.add.f32 [tilespmem:s18], [sflag:$0x3], $0x80, s19, s16, $0xb8;
	[tilespmem:$0x1EA00] =	vst v63  }
0xdb: {  	_ =	swait.ge [sflag:s13], $0x4000  }
0xdc: {  	[sflag:s13] =	ssyncset.done $0x0  }
0xdd: {  	[sflag:s13] =	ssyncadd.s32 $0xFFFFC000  }
0xde: {  	_ =	swait.ge [sflag:s24], $0x4000  }
0xdf: {  	[sflag:s24] =	ssyncset.done $0x0  }
0xe0: {  	[sflag:s24] =	ssyncadd.s32 $0xFFFFC000  }
0xe1: {  	_ =	swait.ge [sflag:s24], $0x80  }
0xe2: {  	[sflag:s24] =	ssyncset.done $0x0  }
0xe3: {  	[sflag:s24] =	ssyncadd.s32 $0xFFFFFF80  }
0xe4: {  	[spmem:s2] =	stream.indirect.scatter.add.f32 [tilespmem:s21], [sflag:$0x3], $0x80, s22, s16, $0xb8;
	[tilespmem:$0x1EA00] =	vst v63  }
0xe5: {  	_ =	swait.ge [sflag:s13], $0x4000  }
0xe6: {  	s25 =	sadd.s32 $0x1, s25;
	[sflag:s13] =	ssyncset.done $0x0  }
0xe7: {  	p0 =	sne.s32 s25, s12;
	[sflag:s13] =	ssyncadd.s32 $0xFFFFC000  }
.Ltmp1:
0xe8: {  	[bflag:$0x0] =	sbarrier.arrive $0xFFFF;
	(pc) =	sbr.rel @p0 .LBB2_1-.Ltmp1, $4  }
0xe9: {  	[hbm:s11], [sflag:s14] =	dma.local [spmem:s15], $0x2800  }
0xea: {  	_ =	swait.ge [sflag:s13], $0x2800  }
0xeb: {  	[sflag:s13] =	ssyncset.done $0x0  }
0xec: {  	[sflag:s13] =	ssyncadd.s32 $0xFFFFD800  }
0xed: {  	_ =	sfence.sel $0x180000  }
0xee: {  	[bflag:$0x0] =	sbarrier.arrive $0xFFFF  }
0xef: {  	_ =	strace $0x9000004A  }
0xf0: {  	[bflag:$0x2] =	sbarrier.arrive $0xFFFF  }
0xf1: {  	p0 =	sne.s32 s0, $0x0;
	s0 =	rddreg [dreg:$0x2]  }
0xf2: {  	s0 =	sadd.s32 @!p0 $0x100000, s0  }
0xf3: {  	[sflag:s0] =	ssyncadd.tile.s32 @!p0 $0x1;
	_ =	shalt  }
.Lfunc_end2:
_tile_overlayer_lowered:
.L_overlay_start_2:
0xf4: {  	(tag) =	ssettag $0x2  }
0xf5: {  	s0 =	rddreg [dreg:$0x0];
	s2 =	stileid.u32  }
0xf6: {  	s1 =	rddreg [dreg:$0x1];
	p0 =	sne.s32 s2, $0x0  }
0xf7: {  	s3 =	rddreg [dreg:$0x2];
	[bflag:$0x3] =	sbarrier.arrive $0xFFFF;
	s2 =	simm.s32 @!p0 $0x1C03  }
0xf8: {  	[timem:s3], [sflag:s2] =	dma.local @!p0 [hbm:s0], s1  }
0xf9: {  	s0 =	simm.s32 @!p0 $0x3  }
0xfa: {  	_ =	swait.ge @!p0 [sflag:s0], s1  }
0xfb: {  	s1 =	ssub.s32 @!p0 $0x0, s1;
	[sflag:s0] =	ssyncset.done @!p0 $0x0  }
0xfc: {  	[sflag:s0] =	ssyncadd.s32 @!p0 s1  }
0xfd: {  	[bflag:$0x3] =	sbarrier.arrive $0xFFFF  }
0xfe: {  	_ =	shalt  }

// kernel: kernel.14.cloned.1.call-start
scs
__scs_entry_jumppad:
0x0: {  	(pc) =	sbr.rel $0x88, $3  }
0x1: {  	(tag) =	ssettag $0x0;
	lr =	simm.s32 $0x1  }
0x2: {  	[smem:$0x3F9B] =	sst lr;
	_ =	strace $0xD0000000  }
0x3: {  	_ = 	snop  }
0x4: {  	_ = 	snop  }
0x5: {  	_ = 	snop  }
0x6: {  	_ = 	snop  }
0x7: {  	_ = 	snop  }
__scs_overlays_trampoline_lowered:
0x8: {  	[smem:$0x3FAA] =	sst s0  }
0x9: {  	[smem:$0x3FAB] =	sst s1  }
0xa: {  	[smem:$0x3FAC] =	sst s2  }
0xb: {  	[smem:$0x3FAD] =	sst s3  }
0xc: {  	[smem:$0x3FAE] =	sst s4  }
0xd: {  	[smem:$0x3FAF] =	sst s5  }
0xe: {  	[smem:$0x3FB0] =	sst s6  }
0xf: {  	[smem:$0x3FB1] =	sst s7  }
0x10: {  	[smem:$0x3FB2] =	sst s8  }
0x11: {  	[smem:$0x3FB3] =	sst s9;
	s0 =	simm.s32 @!p0 $0x0  }
0x12: {  	s1 =	sld [smem:$0x3F99];
	s0 =	simm.s32 @p0 $0x1  }
0x13: {  	[smem:$0x3FB4] =	sst s0;
	s0 =	simm.s32 @!p1 $0x0  }
0x14: {  	s2 =	sld [smem:$0x3F98];
	s0 =	simm.s32 @p1 $0x1  }
0x15: {  	[smem:$0x3FB5] =	sst s0;
	s0 =	simm.s32 @!p2 $0x0  }
0x16: {  	s3 =	sld [smem:$0x3FDB];
	s0 =	simm.s32 @p2 $0x1  }
0x17: {  	s4 =	simm.s32 $0x1BF5;
	[smem:$0x3FB7] =	sst s0  }
0x18: {  	s0 =	sld [smem:$0x3F9A];
	_ =	swait.ge [sflag:s4], $0x0  }
0x19: {  	s7 =	sld [smem:$0x3F9B]  }
0x1a: {  	s8 =	sadd.s32 $0xFFFFE003, lr  }
0x1b: {  	s9 =	sadd.s32 $0xFFFFFEF7, lr;
	s5 =	simm.s32 $0xFFFFFFFF;
	p2 =	slt.u32 s8, $0xFFFFF086  }
0x1c: {  	p1 =	slt.u32 s9, $0xF7A;
	s5 =	simm.s32 @!p2 $0x0  }
0x1d: {  	s5 =	simm.s32 @p1 $0x1;
	p0 =	seq.s32 s7, s2  }
0x1e: {  	s7 =	smul.u32 @!p0 $0xF7A, s2;
	p2 =	seq.s32 @!p0 s5, $0x0  }
0x1f: {  	s9 =	smul.u32 $0xF7A, s1;
	s8 =	simm.s32 @!p0 $0x1BF5;
	p2 =	por !p2, p0  }
0x20: {  	[sflag:s8] =	ssyncset.s32 @!p0 $0xFFFFF086;
	s6 =	sadd.s32 @!p0 s3, s7;
	s7 =	simm.s32 @!p0 $0x108  }
0x21: {  	s3 =	sadd.s32 s3, s9;
	s6 =	sadd.s32 @!p0 $0x88, s6;
	s7 =	simm.s32 @p2 $0x1082  }
0x22: {  	[simem:s7], [sflag:s8] =	dma.local @!p0 [hbm:s6], $0xF7A  }
0x23: {  	s9 =	sor.u32 $0xD0000000, s2;
	s6 =	simm.s32 $0x108;
	_ =	swait.ge @!p0 [sflag:s8], $0x0  }
0x24: {  	s3 =	sadd.s32 $0x88, s3;
	s6 =	simm.s32 @!p1 $0x1082;
	[sflag:s4] =	ssyncset.s32 $0xFFFFF086  }
0x25: {  	[simem:s6], [sflag:s4] =	dma.local [hbm:s3], $0xF7A  }
0x26: {  	[smem:$0x3F9B] =	sst s1;
	(tag) =	ssettag s2;
	_ =	strace s9  }
0x27: {  	s1 =	sld [smem:$0x3FAB]  }
0x28: {  	s2 =	sld [smem:$0x3FAC]  }
0x29: {  	s4 =	sld [smem:$0x3FAE]  }
0x2a: {  	p0 =	seq.s32 s5, $0x0;
	s5 =	sld [smem:$0x3FAF]  }
0x2b: {  	s6 =	sld [smem:$0x3FB0]  }
0x2c: {  	s7 =	sld [smem:$0x3FB1]  }
0x2d: {  	s3 =	simm.s32 $0x108;
	s8 =	sld [smem:$0x3FB2]  }
0x2e: {  	s3 =	simm.s32 @!p0 $0x1082;
	s9 =	sld [smem:$0x3FB3]  }
0x2f: {  	lr =	sadd.s32 s0, s3;
	s0 =	sld [smem:$0x3FAA]  }
0x30: {  	s3 =	sld [smem:$0x3FAD]  }
0x31: {  	[smem:$0x3FB6] =	sst s10  }
0x32: {  	s10 =	sld [smem:$0x3FB4];
	_ =	sdelay $0x3  }
0x33: {  	p0 =	seq.s32 s10, $0x1;
	s10 =	sld [smem:$0x3FB6];
	_ =	sdelay $0x3  }
0x34: {  	[smem:$0x3FB6] =	sst s10  }
0x35: {  	s10 =	sld [smem:$0x3FB5];
	_ =	sdelay $0x3  }
0x36: {  	p1 =	seq.s32 s10, $0x1;
	s10 =	sld [smem:$0x3FB6];
	_ =	sdelay $0x3  }
0x37: {  	[smem:$0x3FB6] =	sst s10  }
0x38: {  	s10 =	sld [smem:$0x3FB7]  }
0x39: {  	_ = 	snop;
	(pc) =	sbr.ind lr, $3  }
0x3a: {  	_ = 	snop  }
0x3b: {  	_ = 	snop  }
0x3c: {  	p2 =	seq.s32 s10, $0x1;
	s10 =	sld [smem:$0x3FB6]  }
0x3d: {  	_ =	shalt  }
0x3e: {  	_ =	shalt  }
0x3f: {  	_ =	shalt  }
0x40: {  	_ =	shalt  }
0x41: {  	_ =	shalt  }
0x42: {  	_ =	shalt  }
0x43: {  	_ =	shalt  }
0x44: {  	_ =	shalt  }
0x45: {  	_ =	shalt  }
0x46: {  	_ =	shalt  }
0x47: {  	_ =	shalt  }
0x48: {  	_ =	shalt  }
0x49: {  	_ =	shalt  }
0x4a: {  	_ =	shalt  }
0x4b: {  	_ =	shalt  }
0x4c: {  	_ =	shalt  }
0x4d: {  	_ =	shalt  }
0x4e: {  	_ =	shalt  }
0x4f: {  	_ =	shalt  }
0x50: {  	_ =	shalt  }
0x51: {  	_ =	shalt  }
0x52: {  	_ =	shalt  }
0x53: {  	_ =	shalt  }
0x54: {  	_ =	shalt  }
0x55: {  	_ =	shalt  }
0x56: {  	_ =	shalt  }
0x57: {  	_ =	shalt  }
0x58: {  	_ =	shalt  }
0x59: {  	_ =	shalt  }
0x5a: {  	_ =	shalt  }
0x5b: {  	_ =	shalt  }
0x5c: {  	_ =	shalt  }
0x5d: {  	_ =	shalt  }
0x5e: {  	_ =	shalt  }
0x5f: {  	_ =	shalt  }
0x60: {  	_ =	shalt  }
0x61: {  	_ =	shalt  }
0x62: {  	_ =	shalt  }
0x63: {  	_ =	shalt  }
0x64: {  	_ =	shalt  }
0x65: {  	_ =	shalt  }
0x66: {  	_ =	shalt  }
0x67: {  	_ =	shalt  }
0x68: {  	_ =	shalt  }
0x69: {  	_ =	shalt  }
0x6a: {  	_ =	shalt  }
0x6b: {  	_ =	shalt  }
0x6c: {  	_ =	shalt  }
0x6d: {  	_ =	shalt  }
0x6e: {  	_ =	shalt  }
0x6f: {  	_ =	shalt  }
0x70: {  	_ =	shalt  }
0x71: {  	_ =	shalt  }
0x72: {  	_ =	shalt  }
0x73: {  	_ =	shalt  }
0x74: {  	_ =	shalt  }
0x75: {  	_ =	shalt  }
0x76: {  	_ =	shalt  }
0x77: {  	_ =	shalt  }
0x78: {  	_ =	shalt  }
0x79: {  	_ =	shalt  }
0x7a: {  	_ =	shalt  }
0x7b: {  	_ =	shalt  }
0x7c: {  	_ =	shalt  }
0x7d: {  	_ =	shalt  }
0x7e: {  	_ =	shalt  }
0x7f: {  	_ =	shalt  }
0x80: {  	_ =	shalt  }
0x81: {  	_ =	shalt  }
0x82: {  	_ =	shalt  }
0x83: {  	_ =	shalt  }
0x84: {  	_ =	shalt  }
0x85: {  	_ =	shalt  }
0x86: {  	_ =	shalt  }
0x87: {  	_ =	shalt  }
.Lfunc_end0:
.L_simem_size_0:
called_computation.2_lowered:
.L_overlay_start_0:
0x88: {  	s2 =	sld [smem:$0x3FD9]  }
0x89: {  	s3 =	sld [smem:$0x3FFE];
	_ =	sdelay $0x1  }
0x8a: {  	s1 =	srdreg.scid  }
0x8b: {  	s0 =	sand.u32 $0x1, s1  }
0x8c: {  	s16 =	sshll.u32 s0, $0xA;
	s2 =	sadd.s32 s3, s2  }
0x8d: {  	s2 =	sadd.s32 s2, s16  }
0x8e: {  	[smem:$0x3FC2] =	sst s2  }
0x8f: {  	_ = 	snop  }
0x90: {  	(tm) =	ssettm $0x1  }
0x91: {  	s17 =	sld [smem:$0x3FFB];
	_ =	sdelay $0x3  }
0x92: {  	_ =	strace s17  }
0x93: {  	s2 =	sld [smem:$0x3FFC];
	_ =	sdelay $0x3  }
0x94: {  	_ =	strace s2  }
0x95: {  	s2 =	sld [smem:$0x3FFD];
	_ =	sdelay $0x3  }
0x96: {  	_ =	strace s2  }
0x97: {  	_ =	strace $0x8FFFFFFF  }
0x98: {  	s18 =	sld [smem:$0x3FDB];
	_ =	sdelay $0x1  }
0x99: {  	s19 =	simm.s32 $_scs_section_size  }
0x9a: {  	s4 =	simm.s32 $_size__tile_overlayer_lowered;
	s5 =	simm.s32 $_tile_overlayer_lowered  }
0x9b: {  	s22 =	simm.s32 $0x1BFF;
	s21 =	sshll.u32 s5, $0x1;
	s2 =	sadd.s32 s19, s18  }
0x9c: {  	s6 =	simm.s32 $0x0;
	s20 =	sshll.u32 s4, $0x1;
	s4 =	sadd.s32 s21, s2  }
0x9d: {  	[timem:s6], [sflag:s22] =	dma.local [hbm:s4], s20  }
0x9e: {  	_ =	swait.ge [sflag:s22], s20  }
0x9f: {  	s3 =	ssub.s32 $0x0, s20;
	[sflag:s22] =	ssyncset.done $0x0  }
0xa0: {  	[sflag:s22] =	ssyncadd.s32 s3;
	_ =	sdelay $0x1  }
0xa1: {  	s23 =	simm.s32 $0x1B8B  }
0xa2: {  	_ =	swait.ge [sflag:s23], $0x1  }
0xa3: {  	[sflag:s23] =	ssyncset.done $0x0  }
0xa4: {  	s25 =	simm.s32 $0x1B8E;
	s24 =	sld [smem:$0x3FFE];
	[sflag:s23] =	ssyncadd.s32 $0xFFFFFFFF  }
0xa5: {  	s26 =	simm.s32 $execute0_lowered;
	[smem:$0x3FD2] =	sst s25  }
0xa6: {  	s4 =	sshll.u32 s26, $0x1;
	_ =	strace $0x8000004C;
	[dreg:$0x1] =	wrdreg $0xFFFFFFFF  }
0xa7: {  	s28 =	simm.s32 $_size_execute0_lowered;
	s2 =	sadd.s32 s2, s4;
	[dreg:$0x0] =	wrdreg $0x0  }
0xa8: {  	s4 =	sshll.u32 s28, $0x1;
	[dreg:$0x2] =	wrdreg s2  }
0xa9: {  	[dreg:$0x3] =	wrdreg s4  }
0xaa: {  	[dreg:$0x4] =	wrdreg $0xC0  }
0xab: {  	_ =	task [dreg:s6], $0x5FFFF  }
0xac: {  	[dreg:$0x1] =	wrdreg $0xFFFFFFFF  }
0xad: {  	[dreg:$0x0] =	wrdreg $0x60  }
0xae: {  	[dreg:$0x2] =	wrdreg s24  }
0xaf: {  	[dreg:$0x3] =	wrdreg $0xAA000  }
0xb0: {  	[dreg:$0x4] =	wrdreg $0x9  }
0xb1: {  	_ =	task.clear_ibuf [dreg:s6], $0x5FFFF;
	_ =	strace $0x9000004C  }
0xb2: {  	s29 =	simm.s32 $0x9;
	_ =	strace $0x8000004E  }
0xb3: {  	_ =	swait.ge [sflag:s29], $0x1  }
0xb4: {  	[sflag:s29] =	ssyncadd.s32 $0xFFFFFFFF  }
0xb5: {  	_ =	strace $0x9000004E  }
0xb6: {  	_ =	sfence  }
0xb7: {  	s30 =	sld [smem:$0x0];
	_ =	sdelay $0x2  }
0xb8: {  	s31 =	sshll.u32 s1, $0xD;
	s1 =	sshrl.u32 s1, $0x2  }
0xb9: {  	s3 =	sand.u32 $0x4000, s31;
	s1 =	sadd.s32 s1, s30  }
0xba: {  	s0 =	sor.u32 s3, s0;
	s1 =	sshll.u32 s1, $0x11  }
0xbb: {  	s0 =	sor.u32 s1, s0  }
0xbc: {  	s0 =	sadd.s32 $0x8F2B, s0  }
0xbd: {  	[sflag:s0] =	ssyncadd.remote.s32 $0x1  }
0xbe: {  	_ =	sfence.sel $0xFFFF  }
0xbf: {  	[dreg:$0x0] =	wrdreg $0xFFFFFFFF;
	(pc) =	sbr.abs _section_cstart, $3  }
0xc0: {  	[dreg:$0x1] =	wrdreg $0xFFFFFFFF  }
0xc1: {  	_ =	task.clear_ibuf [dreg:s6], $0x2FFFF;
	_ =	strace $0x9FFFFFFF  }
0xc2: {  	(tm) =	ssettm $0x7FFFFFFF  }
0xc3: {  	_ =	shalt  }
tec
execute0_lowered:
.L_overlay_start_1:
0x0: {  	(tag) =	ssettag $0x1  }
0x1: {  	s7 =	rddreg [dreg:$0x0];
	s0 =	stileid.u32  }
0x2: {  	s1 =	srdreg.scid;
	s2 =	rddreg [dreg:$0x1]  }
0x3: {  	s4 =	simm.s32 $0x0;
	s16 =	simm.s32 $0x80;
	s17 =	simm.s32 $0xA800  }
0x4: {  	s18 =	simm.s32 $0x2800;
	s19 =	simm.s32 $0xA900;
	s20 =	simm.s32 $0xA880  }
0x5: {  	s21 =	simm.s32 $0x6800;
	s22 =	simm.s32 $0xA980;
	s3 =	smul.u32 $0x500, s0  }
0x6: {  	s24 =	simm.s32 $0x2;
	s25 =	simm.s32 $0x0;
	s8 =	smul.u32 $0x280, s0  }
0x7: {  	s6 =	sand.u32 $0x1, s1;
	[smem:$0x7FF] =	sst s4;
	s11 =	smul.u32 $0x50000, s0  }
0x8: {  	s5 =	sadd.s32 $0xBA00, s7;
	s13 =	smul.u32 $0x2800, s0;
	s31 =	sshll.u32 s0, $0x6  }
0x9: {  	s23 =	smul.u32 $0x2800, s6;
	_ =	strace $0x8000004D;
	s10 =	ssub.s32 $0x2, s6  }
0xa: {  	s6 =	sadd.s32 $0x6A00, s7;
	s9 =	sadd.s32 s3, s7;
	s12 =	sshrl.u32 s10, $0x1  }
0xb: {  	s29 =	sshrl.u32 s11, $0x2;
	s30 =	sshrl.u32 s13, $0x3;
	s13 =	simm.s32 $0x3  }
0xc: {  	s8 =	sadd.s32 s8, s23;
	s12 =	ssub.s32 s10, s12;
	s15 =	sadd.s32 s29, s2  }
0xd: {  	s10 =	sadd.s32 s6, s30;
	v0 =	vmov s23;
	s23 =	simm.s32 $0x1;
	s8 =	sshll.u32 s8, $0x4  }
0xe: {  	s10 =	sadd.s32 $0x4F0, s10;
	s12 =	smax.u32 s12, $0x1;
	s15 =	sshrl.u32 s15, $0x3  }
0xf: {  	s14 =	sadd.s32 s8, s7;
	s7 =	sadd.s32 $0x5C000, s9;
	s8 =	sadd.s32 s5, s8  }
0x10: {  	s9 =	sadd.s32 s6, s3;
	s11 =	sadd.s32 $0x61000, s14;
	s14 =	sor.u32 $0x1C03, s31  }
.LBB2_1:
0x11: {  	[tilespmem:s4], [sflag:$0x3] =	stream.linear.gather [hbm4b:s7+s4], $0x2800, $0x38;
	[tilespmem:$0x1EA00] =	vst v63  }
0x12: {  	_ =	swait.ge [sflag:s13], $0x2800  }
0x13: {  	[sflag:s13] =	ssyncset.done $0x0  }
0x14: {  	[sflag:s13] =	ssyncadd.s32 $0xFFFFD800  }
0x15: {  	[spmem:s15], [sflag:s14] =	dma.local [hbm:s8], $0x2800  }
0x16: {  	_ =	swait.ge [sflag:s13], $0x2800  }
0x17: {  	[sflag:s13] =	ssyncset.done $0x0  }
0x18: {  	[sflag:s13] =	ssyncadd.s32 $0xFFFFD800  }
0x19: {  	[bflag:$0x0] =	sbarrier.arrive $0xFFFF  }
0x1a: {  	v1 =	vld [tilespmem:$0x0]  }
0x1b: {  	v2 =	vld [tilespmem:$0x10]  }
0x1c: {  	v3 =	vld [tilespmem:$0x20]  }
0x1d: {  	v4 =	vld [tilespmem:$0x30]  }
0x1e: {  	v5 =	vld [tilespmem:$0x40]  }
0x1f: {  	v6 =	vld [tilespmem:$0x50];
	v1 =	vadd.s32 v0, v1  }
0x20: {  	[tilespmem:$0xA800] =	vst v1;
	v1 =	vadd.s32 v0, v2;
	v2 =	vld [tilespmem:$0x60]  }
0x21: {  	[tilespmem:$0xA810] =	vst v1;
	v1 =	vadd.s32 v0, v3;
	v3 =	vld [tilespmem:$0x70]  }
0x22: {  	[tilespmem:$0xA820] =	vst v1;
	v1 =	vadd.s32 v0, v4  }
0x23: {  	[tilespmem:$0xA830] =	vst v1;
	v1 =	vadd.s32 v0, v5  }
0x24: {  	[tilespmem:$0xA840] =	vst v1;
	v1 =	vadd.s32 v0, v6  }
0x25: {  	[tilespmem:$0xA850] =	vst v1;
	v1 =	vadd.s32 v0, v2  }
0x26: {  	[tilespmem:$0xA860] =	vst v1;
	v1 =	vadd.s32 v0, v3  }
0x27: {  	[tilespmem:$0xA870] =	vst v1  }
0x28: {  	[tilespmem:s18], [sflag:$0x1] =	stream.indirect.gather [hbm4b:s5+s16], $0x80, s17, s16, $0xb8;
	[tilespmem:$0x1EA00] =	vst v63  }
0x29: {  	s26 =	simm.s32 $0xC0  }
0x2a: {  	[tilespmem:s19], [sflag:$0x1] =	stream.linear.gather [hbm4b:s9+s4], $0x80, $0x38;
	[tilespmem:$0x1EA00] =	vst v63  }
0x2b: {  	v1 =	vld [tilespmem:s26+$0xFFFFFFC0];
	_ =	sdelay $0x4  }
0x2c: {  	v1 =	vadd.s32 v0, v1  }
0x2d: {  	[tilespmem:$0xA880] =	vst v1  }
0x2e: {  	v1 =	vld [tilespmem:s26+$0xFFFFFFD0];
	_ =	sdelay $0x4  }
0x2f: {  	v1 =	vadd.s32 v0, v1  }
0x30: {  	[tilespmem:$0xA890] =	vst v1  }
0x31: {  	v1 =	vld [tilespmem:s26+$0xFFFFFFE0];
	_ =	sdelay $0x4  }
0x32: {  	v1 =	vadd.s32 v0, v1  }
0x33: {  	[tilespmem:$0xA8A0] =	vst v1  }
0x34: {  	v1 =	vld [tilespmem:s26+$0xFFFFFFF0];
	_ =	sdelay $0x4  }
0x35: {  	v1 =	vadd.s32 v0, v1  }
0x36: {  	[tilespmem:$0xA8B0] =	vst v1  }
0x37: {  	v1 =	vld [tilespmem:s26+$0x0];
	_ =	sdelay $0x4  }
0x38: {  	v1 =	vadd.s32 v0, v1  }
0x39: {  	[tilespmem:$0xA8C0] =	vst v1  }
0x3a: {  	v1 =	vld [tilespmem:s26+$0x10];
	_ =	sdelay $0x4  }
0x3b: {  	v1 =	vadd.s32 v0, v1  }
0x3c: {  	[tilespmem:$0xA8D0] =	vst v1  }
0x3d: {  	v1 =	vld [tilespmem:s26+$0x20];
	_ =	sdelay $0x4  }
0x3e: {  	v1 =	vadd.s32 v0, v1  }
0x3f: {  	[tilespmem:$0xA8E0] =	vst v1  }
0x40: {  	v1 =	vld [tilespmem:s26+$0x30];
	_ =	sdelay $0x3  }
0x41: {  	s28 =	simm.s32 $0x10  }
0x42: {  	s29 =	sadd.s32 $0x0, s3;
	s28 =	sand.u32 $0x70, s28;
	v1 =	vadd.s32 v0, v1  }
0x43: {  	s30 =	sand.u32 $0xFF80, s29;
	s28 =	sadd.s32 s6, s28;
	[tilespmem:$0xA8F0] =	vst v1  }
0x44: {  	[tilespmem:s21], [sflag:$0x2] =	stream.indirect.gather [hbm4b:s5+s16], $0x80, s20, s16, $0xb8;
	[tilespmem:$0x1EA00] =	vst v63  }
0x45: {  	s28 =	sadd.s32 s30, s28  }
0x46: {  	[tilespmem:s22], [sflag:$0x2] =	stream.linear.gather [hbm4b:s28+s4], $0x80, $0x38;
	[tilespmem:$0x1EA00] =	vst v63  }
0x47: {  	_ =	swait.ge [sflag:s23], $0x4000  }
0x48: {  	[sflag:s23] =	ssyncset.done $0x0  }
0x49: {  	[sflag:s23] =	ssyncadd.s32 $0xFFFFC000  }
0x4a: {  	_ =	swait.ge [sflag:s23], $0x80  }
0x4b: {  	[sflag:s23] =	ssyncset.done $0x0  }
0x4c: {  	[sflag:s23] =	ssyncadd.s32 $0xFFFFFF80  }
0x4d: {  	[spmem:s2] =	stream.indirect.scatter.add.f32 [tilespmem:s18], [sflag:$0x3], $0x80, s19, s16, $0xb8;
	[tilespmem:$0x1EA00] =	vst v63  }
0x4e: {  	_ =	swait.ge [sflag:s13], $0x4000  }
0x4f: {  	[sflag:s13] =	ssyncset.done $0x0  }
0x50: {  	[sflag:s13] =	ssyncadd.s32 $0xFFFFC000  }
0x51: {  	v1 =	vld [tilespmem:s26+$0x40];
	_ =	sdelay $0x4  }
0x52: {  	v1 =	vadd.s32 v0, v1  }
0x53: {  	[tilespmem:$0xA800] =	vst v1  }
0x54: {  	v1 =	vld [tilespmem:s26+$0x50];
	_ =	sdelay $0x4  }
0x55: {  	v1 =	vadd.s32 v0, v1  }
0x56: {  	[tilespmem:$0xA810] =	vst v1  }
0x57: {  	v1 =	vld [tilespmem:s26+$0x60];
	_ =	sdelay $0x4  }
0x58: {  	v1 =	vadd.s32 v0, v1  }
0x59: {  	[tilespmem:$0xA820] =	vst v1  }
0x5a: {  	v1 =	vld [tilespmem:s26+$0x70];
	_ =	sdelay $0x4  }
0x5b: {  	v1 =	vadd.s32 v0, v1  }
0x5c: {  	[tilespmem:$0xA830] =	vst v1  }
0x5d: {  	v1 =	vld [tilespmem:s26+$0x80];
	_ =	sdelay $0x4  }
0x5e: {  	v1 =	vadd.s32 v0, v1  }
0x5f: {  	[tilespmem:$0xA840] =	vst v1  }
0x60: {  	v1 =	vld [tilespmem:s26+$0x90];
	_ =	sdelay $0x4  }
0x61: {  	v1 =	vadd.s32 v0, v1  }
0x62: {  	[tilespmem:$0xA850] =	vst v1  }
0x63: {  	v1 =	vld [tilespmem:s26+$0xA0];
	_ =	sdelay $0x4  }
0x64: {  	v1 =	vadd.s32 v0, v1  }
0x65: {  	[tilespmem:$0xA860] =	vst v1  }
0x66: {  	v1 =	vld [tilespmem:s26+$0xB0];
	_ =	sdelay $0x3  }
0x67: {  	s31 =	simm.s32 $0x20  }
0x68: {  	s29 =	sadd.s32 $0x20, s29;
	s30 =	sand.u32 $0x60, s31;
	v1 =	vadd.s32 v0, v1  }
0x69: {  	s29 =	sand.u32 $0xFF80, s29;
	s28 =	sadd.s32 s6, s30;
	[tilespmem:$0xA870] =	vst v1  }
0x6a: {  	[tilespmem:s18], [sflag:$0x1] =	stream.indirect.gather [hbm4b:s5+s16], $0x80, s17, s16, $0xb8;
	[tilespmem:$0x1EA00] =	vst v63  }
0x6b: {  	s28 =	sadd.s32 s29, s28  }
0x6c: {  	[tilespmem:s19], [sflag:$0x1] =	stream.linear.gather [hbm4b:s28+s4], $0x80, $0x38;
	[tilespmem:$0x1EA00] =	vst v63  }
0x6d: {  	_ =	swait.ge [sflag:s24], $0x4000  }
0x6e: {  	[sflag:s24] =	ssyncset.done $0x0  }
0x6f: {  	[sflag:s24] =	ssyncadd.s32 $0xFFFFC000  }
0x70: {  	_ =	swait.ge [sflag:s24], $0x80  }
0x71: {  	[sflag:s24] =	ssyncset.done $0x0  }
0x72: {  	[sflag:s24] =	ssyncadd.s32 $0xFFFFFF80  }
0x73: {  	[spmem:s2] =	stream.indirect.scatter.add.f32 [tilespmem:s21], [sflag:$0x3], $0x80, s22, s16, $0xb8;
	[tilespmem:$0x1EA00] =	vst v63  }
0x74: {  	_ =	swait.ge [sflag:s13], $0x4000  }
.LBB2_2:
0x75: {  	[sflag:s13] =	ssyncset.done $0x0  }
0x76: {  	s26 =	sadd.s32 $0x100, s26;
	s30 =	smov.u32 s31;
	s28 =	sadd.s32 $0x20, s31  }
0x77: {  	p0 =	sne.s32 s31, $0x4C0;
	s29 =	sand.u32 $0x60, s28;
	[sflag:s13] =	ssyncadd.s32 $0xFFFFC000  }
0x78: {  	v1 =	vld [tilespmem:s26+$0xFFFFFFC0];
	_ =	sdelay $0x4  }
0x79: {  	v1 =	vadd.s32 v0, v1  }
0x7a: {  	[tilespmem:$0xA880] =	vst v1  }
0x7b: {  	v1 =	vld [tilespmem:s26+$0xFFFFFFD0];
	_ =	sdelay $0x4  }
0x7c: {  	v1 =	vadd.s32 v0, v1  }
0x7d: {  	[tilespmem:$0xA890] =	vst v1  }
0x7e: {  	v1 =	vld [tilespmem:s26+$0xFFFFFFE0];
	_ =	sdelay $0x4  }
0x7f: {  	v1 =	vadd.s32 v0, v1  }
0x80: {  	[tilespmem:$0xA8A0] =	vst v1  }
0x81: {  	v1 =	vld [tilespmem:s26+$0xFFFFFFF0];
	_ =	sdelay $0x4  }
0x82: {  	v1 =	vadd.s32 v0, v1  }
0x83: {  	[tilespmem:$0xA8B0] =	vst v1  }
0x84: {  	v1 =	vld [tilespmem:s26+$0x0];
	_ =	sdelay $0x4  }
0x85: {  	v1 =	vadd.s32 v0, v1  }
0x86: {  	[tilespmem:$0xA8C0] =	vst v1  }
0x87: {  	v1 =	vld [tilespmem:s26+$0x10];
	_ =	sdelay $0x4  }
0x88: {  	v1 =	vadd.s32 v0, v1  }
0x89: {  	[tilespmem:$0xA8D0] =	vst v1  }
0x8a: {  	v1 =	vld [tilespmem:s26+$0x20];
	_ =	sdelay $0x4  }
0x8b: {  	v1 =	vadd.s32 v0, v1  }
0x8c: {  	[tilespmem:$0xA8E0] =	vst v1  }
0x8d: {  	v1 =	vld [tilespmem:s26+$0x30];
	_ =	sdelay $0x3  }
0x8e: {  	s31 =	sadd.s32 $0x10, s30  }
0x8f: {  	s30 =	sadd.s32 s30, s3;
	s31 =	sand.u32 $0x70, s31;
	v1 =	vadd.s32 v0, v1  }
0x90: {  	s1 =	sand.u32 $0xFF80, s30;
	s30 =	sadd.s32 $0x20, s30;
	s31 =	sadd.s32 s6, s31;
	[tilespmem:$0xA8F0] =	vst v1  }
0x91: {  	[tilespmem:s21], [sflag:$0x2] =	stream.indirect.gather [hbm4b:s5+s16], $0x80, s20, s16, $0xb8;
	[tilespmem:$0x1EA00] =	vst v63  }
0x92: {  	s30 =	sand.u32 $0xFF80, s30;
	s1 =	sadd.s32 s1, s31  }
0x93: {  	[tilespmem:s22], [sflag:$0x2] =	stream.linear.gather [hbm4b:s1+s4], $0x80, $0x38;
	[tilespmem:$0x1EA00] =	vst v63  }
0x94: {  	_ =	swait.ge [sflag:s23], $0x4000  }
0x95: {  	[sflag:s23] =	ssyncset.done $0x0  }
0x96: {  	[sflag:s23] =	ssyncadd.s32 $0xFFFFC000  }
0x97: {  	_ =	swait.ge [sflag:s23], $0x80  }
0x98: {  	[sflag:s23] =	ssyncset.done $0x0  }
0x99: {  	[sflag:s23] =	ssyncadd.s32 $0xFFFFFF80  }
0x9a: {  	[spmem:s2] =	stream.indirect.scatter.add.f32 [tilespmem:s18], [sflag:$0x3], $0x80, s19, s16, $0xb8;
	[tilespmem:$0x1EA00] =	vst v63  }
0x9b: {  	_ =	swait.ge [sflag:s13], $0x4000  }
0x9c: {  	[sflag:s13] =	ssyncset.done $0x0  }
0x9d: {  	[sflag:s13] =	ssyncadd.s32 $0xFFFFC000  }
0x9e: {  	v1 =	vld [tilespmem:s26+$0x40];
	_ =	sdelay $0x4  }
0x9f: {  	v1 =	vadd.s32 v0, v1  }
0xa0: {  	[tilespmem:$0xA800] =	vst v1  }
0xa1: {  	v1 =	vld [tilespmem:s26+$0x50];
	_ =	sdelay $0x4  }
0xa2: {  	v1 =	vadd.s32 v0, v1  }
0xa3: {  	[tilespmem:$0xA810] =	vst v1  }
0xa4: {  	v1 =	vld [tilespmem:s26+$0x60];
	_ =	sdelay $0x4  }
0xa5: {  	v1 =	vadd.s32 v0, v1  }
0xa6: {  	[tilespmem:$0xA820] =	vst v1  }
0xa7: {  	v1 =	vld [tilespmem:s26+$0x70];
	_ =	sdelay $0x4  }
0xa8: {  	v1 =	vadd.s32 v0, v1  }
0xa9: {  	[tilespmem:$0xA830] =	vst v1  }
0xaa: {  	v1 =	vld [tilespmem:s26+$0x80];
	_ =	sdelay $0x4  }
0xab: {  	v1 =	vadd.s32 v0, v1  }
0xac: {  	[tilespmem:$0xA840] =	vst v1  }
0xad: {  	v1 =	vld [tilespmem:s26+$0x90];
	_ =	sdelay $0x4  }
0xae: {  	v1 =	vadd.s32 v0, v1  }
0xaf: {  	[tilespmem:$0xA850] =	vst v1  }
0xb0: {  	v1 =	vld [tilespmem:s26+$0xA0];
	_ =	sdelay $0x4  }
0xb1: {  	v1 =	vadd.s32 v0, v1  }
0xb2: {  	[tilespmem:$0xA860] =	vst v1  }
0xb3: {  	v1 =	vld [tilespmem:s26+$0xB0];
	_ =	sdelay $0x4  }
0xb4: {  	s1 =	sadd.s32 s6, s29;
	v1 =	vadd.s32 v0, v1  }
0xb5: {  	s1 =	sadd.s32 s30, s1;
	[tilespmem:$0xA870] =	vst v1  }
0xb6: {  	[tilespmem:s18], [sflag:$0x1] =	stream.indirect.gather [hbm4b:s5+s16], $0x80, s17, s16, $0xb8;
	[tilespmem:$0x1EA00] =	vst v63  }
0xb7: {  	_ = 	snop  }
0xb8: {  	[tilespmem:s19], [sflag:$0x1] =	stream.linear.gather [hbm4b:s1+s4], $0x80, $0x38;
	[tilespmem:$0x1EA00] =	vst v63  }
0xb9: {  	_ =	swait.ge [sflag:s24], $0x4000  }
0xba: {  	[sflag:s24] =	ssyncset.done $0x0  }
0xbb: {  	[sflag:s24] =	ssyncadd.s32 $0xFFFFC000  }
.Ltmp0:
0xbc: {  	_ =	swait.ge [sflag:s24], $0x80;
	(pc) =	sbr.rel @p0 .LBB2_2-.Ltmp0, $4  }
0xbd: {  	[sflag:s24] =	ssyncset.done $0x0  }
0xbe: {  	[sflag:s24] =	ssyncadd.s32 $0xFFFFFF80  }
0xbf: {  	[spmem:s2] =	stream.indirect.scatter.add.f32 [tilespmem:s21], [sflag:$0x3], $0x80, s22, s16, $0xb8;
	[tilespmem:$0x1EA00] =	vst v63  }
0xc0: {  	s31 =	smov.u32 s28;
	_ =	swait.ge [sflag:s13], $0x4000  }
0xc1: {  	[sflag:s13] =	ssyncset.done $0x0  }
0xc2: {  	[sflag:s13] =	ssyncadd.s32 $0xFFFFC000  }
0xc3: {  	v1 =	vld [tilespmem:$0x2780]  }
0xc4: {  	v2 =	vld [tilespmem:$0x2790]  }
0xc5: {  	v3 =	vld [tilespmem:$0x27A0]  }
0xc6: {  	v4 =	vld [tilespmem:$0x27B0]  }
0xc7: {  	v5 =	vld [tilespmem:$0x27C0]  }
0xc8: {  	v6 =	vld [tilespmem:$0x27D0];
	v1 =	vadd.s32 v0, v1  }
0xc9: {  	[tilespmem:$0xA880] =	vst v1;
	v1 =	vadd.s32 v0, v2;
	v2 =	vld [tilespmem:$0x27E0]  }
0xca: {  	[tilespmem:$0xA890] =	vst v1;
	v1 =	vadd.s32 v0, v3;
	v3 =	vld [tilespmem:$0x27F0]  }
0xcb: {  	[tilespmem:$0xA8A0] =	vst v1;
	v1 =	vadd.s32 v0, v4  }
0xcc: {  	[tilespmem:$0xA8B0] =	vst v1;
	v1 =	vadd.s32 v0, v5  }
0xcd: {  	[tilespmem:$0xA8C0] =	vst v1;
	v1 =	vadd.s32 v0, v6  }
0xce: {  	[tilespmem:$0xA8D0] =	vst v1;
	v1 =	vadd.s32 v0, v2  }
0xcf: {  	[tilespmem:$0xA8E0] =	vst v1;
	v1 =	vadd.s32 v0, v3  }
0xd0: {  	[tilespmem:$0xA8F0] =	vst v1  }
0xd1: {  	[tilespmem:s21], [sflag:$0x2] =	stream.indirect.gather [hbm4b:s5+s16], $0x80, s20, s16, $0xb8;
	[tilespmem:$0x1EA00] =	vst v63  }
0xd2: {  	_ = 	snop  }
0xd3: {  	[tilespmem:s22], [sflag:$0x2] =	stream.linear.gather [hbm4b:s10+s4], $0x80, $0x38;
	[tilespmem:$0x1EA00] =	vst v63  }
0xd4: {  	_ =	swait.ge [sflag:s23], $0x4000  }
0xd5: {  	[sflag:s23] =	ssyncset.done $0x0  }
0xd6: {  	[sflag:s23] =	ssyncadd.s32 $0xFFFFC000  }
0xd7: {  	_ =	swait.ge [sflag:s23], $0x80  }
0xd8: {  	[sflag:s23] =	ssyncset.done $0x0  }
0xd9: {  	[sflag:s23] =	ssyncadd.s32 $0xFFFFFF80  }
0xda: {  	[spmem:s2] =	stream.indirect.scatter.add.f32 [tilespmem:s18], [sflag:$0x3], $0x80, s19, s16, $0xb8;
	[tilespmem:$0x1EA00] =	vst v63  }
0xdb: {  	_ =	swait.ge [sflag:s13], $0x4000  }
0xdc: {  	[sflag:s13] =	ssyncset.done $0x0  }
0xdd: {  	[sflag:s13] =	ssyncadd.s32 $0xFFFFC000  }
0xde: {  	_ =	swait.ge [sflag:s24], $0x4000  }
0xdf: {  	[sflag:s24] =	ssyncset.done $0x0  }
0xe0: {  	[sflag:s24] =	ssyncadd.s32 $0xFFFFC000  }
0xe1: {  	_ =	swait.ge [sflag:s24], $0x80  }
0xe2: {  	[sflag:s24] =	ssyncset.done $0x0  }
0xe3: {  	[sflag:s24] =	ssyncadd.s32 $0xFFFFFF80  }
0xe4: {  	[spmem:s2] =	stream.indirect.scatter.add.f32 [tilespmem:s21], [sflag:$0x3], $0x80, s22, s16, $0xb8;
	[tilespmem:$0x1EA00] =	vst v63  }
0xe5: {  	_ =	swait.ge [sflag:s13], $0x4000  }
0xe6: {  	s25 =	sadd.s32 $0x1, s25;
	[sflag:s13] =	ssyncset.done $0x0  }
0xe7: {  	p0 =	sne.s32 s25, s12;
	[sflag:s13] =	ssyncadd.s32 $0xFFFFC000  }
.Ltmp1:
0xe8: {  	[bflag:$0x0] =	sbarrier.arrive $0xFFFF;
	(pc) =	sbr.rel @p0 .LBB2_1-.Ltmp1, $4  }
0xe9: {  	[hbm:s11], [sflag:s14] =	dma.local [spmem:s15], $0x2800  }
0xea: {  	_ =	swait.ge [sflag:s13], $0x2800  }
0xeb: {  	[sflag:s13] =	ssyncset.done $0x0  }
0xec: {  	[sflag:s13] =	ssyncadd.s32 $0xFFFFD800  }
0xed: {  	_ =	sfence.sel $0x180000  }
0xee: {  	[bflag:$0x0] =	sbarrier.arrive $0xFFFF  }
0xef: {  	_ =	strace $0x9000004D  }
0xf0: {  	[bflag:$0x2] =	sbarrier.arrive $0xFFFF  }
0xf1: {  	p0 =	sne.s32 s0, $0x0;
	s0 =	rddreg [dreg:$0x2]  }
0xf2: {  	s0 =	sadd.s32 @!p0 $0x100000, s0  }
0xf3: {  	[sflag:s0] =	ssyncadd.tile.s32 @!p0 $0x1;
	_ =	shalt  }
.Lfunc_end2:
_tile_overlayer_lowered:
.L_overlay_start_2:
0xf4: {  	(tag) =	ssettag $0x2  }
0xf5: {  	s0 =	rddreg [dreg:$0x0];
	s2 =	stileid.u32  }
0xf6: {  	s1 =	rddreg [dreg:$0x1];
	p0 =	sne.s32 s2, $0x0  }
0xf7: {  	s3 =	rddreg [dreg:$0x2];
	[bflag:$0x3] =	sbarrier.arrive $0xFFFF;
	s2 =	simm.s32 @!p0 $0x1C03  }
0xf8: {  	[timem:s3], [sflag:s2] =	dma.local @!p0 [hbm:s0], s1  }
0xf9: {  	s0 =	simm.s32 @!p0 $0x3  }
0xfa: {  	_ =	swait.ge @!p0 [sflag:s0], s1  }
0xfb: {  	s1 =	ssub.s32 @!p0 $0x0, s1;
	[sflag:s0] =	ssyncset.done @!p0 $0x0  }
0xfc: {  	[sflag:s0] =	ssyncadd.s32 @!p0 s1  }
0xfd: {  	[bflag:$0x3] =	sbarrier.arrive $0xFFFF  }
0xfe: {  	_ =	shalt  }

// kernel: kernel.8.cloned.1.call-start
scs
__scs_entry_jumppad:
0x0: {  	(pc) =	sbr.rel $0x88, $3  }
0x1: {  	(tag) =	ssettag $0x0;
	lr =	simm.s32 $0x1  }
0x2: {  	[smem:$0x3F9B] =	sst lr;
	_ =	strace $0xD0000000  }
0x3: {  	_ = 	snop  }
0x4: {  	_ = 	snop  }
0x5: {  	_ = 	snop  }
0x6: {  	_ = 	snop  }
0x7: {  	_ = 	snop  }
__scs_overlays_trampoline_lowered:
0x8: {  	[smem:$0x3FAA] =	sst s0  }
0x9: {  	[smem:$0x3FAB] =	sst s1  }
0xa: {  	[smem:$0x3FAC] =	sst s2  }
0xb: {  	[smem:$0x3FAD] =	sst s3  }
0xc: {  	[smem:$0x3FAE] =	sst s4  }
0xd: {  	[smem:$0x3FAF] =	sst s5  }
0xe: {  	[smem:$0x3FB0] =	sst s6  }
0xf: {  	[smem:$0x3FB1] =	sst s7  }
0x10: {  	[smem:$0x3FB2] =	sst s8  }
0x11: {  	[smem:$0x3FB3] =	sst s9;
	s0 =	simm.s32 @!p0 $0x0  }
0x12: {  	s1 =	sld [smem:$0x3F99];
	s0 =	simm.s32 @p0 $0x1  }
0x13: {  	[smem:$0x3FB4] =	sst s0;
	s0 =	simm.s32 @!p1 $0x0  }
0x14: {  	s2 =	sld [smem:$0x3F98];
	s0 =	simm.s32 @p1 $0x1  }
0x15: {  	[smem:$0x3FB5] =	sst s0;
	s0 =	simm.s32 @!p2 $0x0  }
0x16: {  	s3 =	sld [smem:$0x3FDB];
	s0 =	simm.s32 @p2 $0x1  }
0x17: {  	s4 =	simm.s32 $0x1BF5;
	[smem:$0x3FB7] =	sst s0  }
0x18: {  	s0 =	sld [smem:$0x3F9A];
	_ =	swait.ge [sflag:s4], $0x0  }
0x19: {  	s7 =	sld [smem:$0x3F9B]  }
0x1a: {  	s8 =	sadd.s32 $0xFFFFE003, lr  }
0x1b: {  	s9 =	sadd.s32 $0xFFFFFEF7, lr;
	s5 =	simm.s32 $0xFFFFFFFF;
	p2 =	slt.u32 s8, $0xFFFFF086  }
0x1c: {  	p1 =	slt.u32 s9, $0xF7A;
	s5 =	simm.s32 @!p2 $0x0  }
0x1d: {  	s5 =	simm.s32 @p1 $0x1;
	p0 =	seq.s32 s7, s2  }
0x1e: {  	s7 =	smul.u32 @!p0 $0xF7A, s2;
	p2 =	seq.s32 @!p0 s5, $0x0  }
0x1f: {  	s9 =	smul.u32 $0xF7A, s1;
	s8 =	simm.s32 @!p0 $0x1BF5;
	p2 =	por !p2, p0  }
0x20: {  	[sflag:s8] =	ssyncset.s32 @!p0 $0xFFFFF086;
	s6 =	sadd.s32 @!p0 s3, s7;
	s7 =	simm.s32 @!p0 $0x108  }
0x21: {  	s3 =	sadd.s32 s3, s9;
	s6 =	sadd.s32 @!p0 $0x88, s6;
	s7 =	simm.s32 @p2 $0x1082  }
0x22: {  	[simem:s7], [sflag:s8] =	dma.local @!p0 [hbm:s6], $0xF7A  }
0x23: {  	s9 =	sor.u32 $0xD0000000, s2;
	s6 =	simm.s32 $0x108;
	_ =	swait.ge @!p0 [sflag:s8], $0x0  }
0x24: {  	s3 =	sadd.s32 $0x88, s3;
	s6 =	simm.s32 @!p1 $0x1082;
	[sflag:s4] =	ssyncset.s32 $0xFFFFF086  }
0x25: {  	[simem:s6], [sflag:s4] =	dma.local [hbm:s3], $0xF7A  }
0x26: {  	[smem:$0x3F9B] =	sst s1;
	(tag) =	ssettag s2;
	_ =	strace s9  }
0x27: {  	s1 =	sld [smem:$0x3FAB]  }
0x28: {  	s2 =	sld [smem:$0x3FAC]  }
0x29: {  	s4 =	sld [smem:$0x3FAE]  }
0x2a: {  	p0 =	seq.s32 s5, $0x0;
	s5 =	sld [smem:$0x3FAF]  }
0x2b: {  	s6 =	sld [smem:$0x3FB0]  }
0x2c: {  	s7 =	sld [smem:$0x3FB1]  }
0x2d: {  	s3 =	simm.s32 $0x108;
	s8 =	sld [smem:$0x3FB2]  }
0x2e: {  	s3 =	simm.s32 @!p0 $0x1082;
	s9 =	sld [smem:$0x3FB3]  }
0x2f: {  	lr =	sadd.s32 s0, s3;
	s0 =	sld [smem:$0x3FAA]  }
0x30: {  	s3 =	sld [smem:$0x3FAD]  }
0x31: {  	[smem:$0x3FB6] =	sst s10  }
0x32: {  	s10 =	sld [smem:$0x3FB4];
	_ =	sdelay $0x3  }
0x33: {  	p0 =	seq.s32 s10, $0x1;
	s10 =	sld [smem:$0x3FB6];
	_ =	sdelay $0x3  }
0x34: {  	[smem:$0x3FB6] =	sst s10  }
0x35: {  	s10 =	sld [smem:$0x3FB5];
	_ =	sdelay $0x3  }
0x36: {  	p1 =	seq.s32 s10, $0x1;
	s10 =	sld [smem:$0x3FB6];
	_ =	sdelay $0x3  }
0x37: {  	[smem:$0x3FB6] =	sst s10  }
0x38: {  	s10 =	sld [smem:$0x3FB7]  }
0x39: {  	_ = 	snop;
	(pc) =	sbr.ind lr, $3  }
0x3a: {  	_ = 	snop  }
0x3b: {  	_ = 	snop  }
0x3c: {  	p2 =	seq.s32 s10, $0x1;
	s10 =	sld [smem:$0x3FB6]  }
0x3d: {  	_ =	shalt  }
0x3e: {  	_ =	shalt  }
0x3f: {  	_ =	shalt  }
0x40: {  	_ =	shalt  }
0x41: {  	_ =	shalt  }
0x42: {  	_ =	shalt  }
0x43: {  	_ =	shalt  }
0x44: {  	_ =	shalt  }
0x45: {  	_ =	shalt  }
0x46: {  	_ =	shalt  }
0x47: {  	_ =	shalt  }
0x48: {  	_ =	shalt  }
0x49: {  	_ =	shalt  }
0x4a: {  	_ =	shalt  }
0x4b: {  	_ =	shalt  }
0x4c: {  	_ =	shalt  }
0x4d: {  	_ =	shalt  }
0x4e: {  	_ =	shalt  }
0x4f: {  	_ =	shalt  }
0x50: {  	_ =	shalt  }
0x51: {  	_ =	shalt  }
0x52: {  	_ =	shalt  }
0x53: {  	_ =	shalt  }
0x54: {  	_ =	shalt  }
0x55: {  	_ =	shalt  }
0x56: {  	_ =	shalt  }
0x57: {  	_ =	shalt  }
0x58: {  	_ =	shalt  }
0x59: {  	_ =	shalt  }
0x5a: {  	_ =	shalt  }
0x5b: {  	_ =	shalt  }
0x5c: {  	_ =	shalt  }
0x5d: {  	_ =	shalt  }
0x5e: {  	_ =	shalt  }
0x5f: {  	_ =	shalt  }
0x60: {  	_ =	shalt  }
0x61: {  	_ =	shalt  }
0x62: {  	_ =	shalt  }
0x63: {  	_ =	shalt  }
0x64: {  	_ =	shalt  }
0x65: {  	_ =	shalt  }
0x66: {  	_ =	shalt  }
0x67: {  	_ =	shalt  }
0x68: {  	_ =	shalt  }
0x69: {  	_ =	shalt  }
0x6a: {  	_ =	shalt  }
0x6b: {  	_ =	shalt  }
0x6c: {  	_ =	shalt  }
0x6d: {  	_ =	shalt  }
0x6e: {  	_ =	shalt  }
0x6f: {  	_ =	shalt  }
0x70: {  	_ =	shalt  }
0x71: {  	_ =	shalt  }
0x72: {  	_ =	shalt  }
0x73: {  	_ =	shalt  }
0x74: {  	_ =	shalt  }
0x75: {  	_ =	shalt  }
0x76: {  	_ =	shalt  }
0x77: {  	_ =	shalt  }
0x78: {  	_ =	shalt  }
0x79: {  	_ =	shalt  }
0x7a: {  	_ =	shalt  }
0x7b: {  	_ =	shalt  }
0x7c: {  	_ =	shalt  }
0x7d: {  	_ =	shalt  }
0x7e: {  	_ =	shalt  }
0x7f: {  	_ =	shalt  }
0x80: {  	_ =	shalt  }
0x81: {  	_ =	shalt  }
0x82: {  	_ =	shalt  }
0x83: {  	_ =	shalt  }
0x84: {  	_ =	shalt  }
0x85: {  	_ =	shalt  }
0x86: {  	_ =	shalt  }
0x87: {  	_ =	shalt  }
.Lfunc_end0:
.L_simem_size_0:
called_computation_lowered:
.L_overlay_start_0:
0x88: {  	s2 =	sld [smem:$0x3FD9]  }
0x89: {  	s3 =	sld [smem:$0x3FFE];
	_ =	sdelay $0x1  }
0x8a: {  	s1 =	srdreg.scid  }
0x8b: {  	s0 =	sand.u32 $0x1, s1  }
0x8c: {  	s17 =	sshll.u32 s0, $0xA;
	s2 =	sadd.s32 s3, s2  }
0x8d: {  	s2 =	sadd.s32 s2, s17  }
0x8e: {  	[smem:$0x3FC2] =	sst s2  }
0x8f: {  	_ = 	snop  }
0x90: {  	s2 =	sld [smem:$0x3FD0];
	(tm) =	ssettm $0x1  }
0x91: {  	s18 =	sld [smem:$0x3FFB];
	_ =	sdelay $0x3  }
0x92: {  	_ =	strace s18  }
0x93: {  	s3 =	sld [smem:$0x3FFC];
	_ =	sdelay $0x3  }
0x94: {  	_ =	strace s3  }
0x95: {  	s3 =	sld [smem:$0x3FFD];
	_ =	sdelay $0x3  }
0x96: {  	_ =	strace s3  }
0x97: {  	_ =	strace $0x8FFFFFFF  }
0x98: {  	s19 =	sld [smem:$0x3FDB];
	_ =	sdelay $0x1  }
0x99: {  	s4 =	simm.s32 $_scs_section_size  }
0x9a: {  	s5 =	simm.s32 $_size__tile_overlayer_lowered;
	s6 =	simm.s32 $_tile_overlayer_lowered  }
0x9b: {  	s22 =	simm.s32 $0x1BFF;
	s21 =	sshll.u32 s6, $0x1;
	s3 =	sadd.s32 s4, s19  }
0x9c: {  	s7 =	simm.s32 $0x0;
	s20 =	sshll.u32 s5, $0x1;
	s5 =	sadd.s32 s21, s3  }
0x9d: {  	[timem:s7], [sflag:s22] =	dma.local [hbm:s5], s20  }
0x9e: {  	_ =	swait.ge [sflag:s22], s20  }
0x9f: {  	s4 =	ssub.s32 $0x0, s20;
	[sflag:s22] =	ssyncset.done $0x0  }
0xa0: {  	[sflag:s22] =	ssyncadd.s32 s4;
	_ =	sdelay $0x1  }
0xa1: {  	s23 =	simm.s32 $0x1B8B  }
0xa2: {  	_ =	swait.ge [sflag:s23], $0x1  }
0xa3: {  	[sflag:s23] =	ssyncset.done $0x0  }
0xa4: {  	s25 =	simm.s32 $0x1B8E;
	s24 =	sld [smem:$0x3FFE];
	[sflag:s23] =	ssyncadd.s32 $0xFFFFFFFF  }
0xa5: {  	s26 =	simm.s32 $execute0_lowered;
	[smem:$0x3FD2] =	sst s25  }
0xa6: {  	s5 =	sshll.u32 s26, $0x1;
	_ =	strace $0x80000046;
	[dreg:$0x1] =	wrdreg $0xFFFFFFFF  }
0xa7: {  	s28 =	simm.s32 $_size_execute0_lowered;
	s3 =	sadd.s32 s3, s5;
	[dreg:$0x0] =	wrdreg $0x0  }
0xa8: {  	s5 =	sshll.u32 s28, $0x1;
	[dreg:$0x2] =	wrdreg s3  }
0xa9: {  	[dreg:$0x3] =	wrdreg s5  }
0xaa: {  	[dreg:$0x4] =	wrdreg $0xC0  }
0xab: {  	_ =	task [dreg:s7], $0x5FFFF  }
0xac: {  	[dreg:$0x1] =	wrdreg $0xFFFFFFFF  }
0xad: {  	[dreg:$0x0] =	wrdreg $0x60  }
0xae: {  	[dreg:$0x2] =	wrdreg s24  }
0xaf: {  	[dreg:$0x3] =	wrdreg s2  }
0xb0: {  	[dreg:$0x4] =	wrdreg $0x9  }
0xb1: {  	_ =	task.clear_ibuf [dreg:s7], $0x5FFFF;
	_ =	strace $0x90000046  }
0xb2: {  	s29 =	simm.s32 $0x9;
	_ =	strace $0x80000048  }
0xb3: {  	_ =	swait.ge [sflag:s29], $0x1  }
0xb4: {  	[sflag:s29] =	ssyncadd.s32 $0xFFFFFFFF  }
0xb5: {  	_ =	strace $0x90000048  }
0xb6: {  	_ =	sfence  }
0xb7: {  	s30 =	sld [smem:$0x0];
	_ =	sdelay $0x2  }
0xb8: {  	s31 =	sshll.u32 s1, $0xD;
	s1 =	sshrl.u32 s1, $0x2  }
0xb9: {  	s3 =	sand.u32 $0x4000, s31;
	s1 =	sadd.s32 s1, s30  }
0xba: {  	s0 =	sor.u32 s3, s0;
	s1 =	sshll.u32 s1, $0x11  }
0xbb: {  	s0 =	sor.u32 s1, s0  }
0xbc: {  	s0 =	sadd.s32 $0x8F2B, s0  }
0xbd: {  	[sflag:s0] =	ssyncadd.remote.s32 $0x1  }
0xbe: {  	_ =	sfence.sel $0xFFFF  }
0xbf: {  	[dreg:$0x0] =	wrdreg $0xFFFFFFFF;
	(pc) =	sbr.abs _section_cstart, $3  }
0xc0: {  	[dreg:$0x1] =	wrdreg $0xFFFFFFFF  }
0xc1: {  	_ =	task.clear_ibuf [dreg:s7], $0x2FFFF;
	_ =	strace $0x9FFFFFFF  }
0xc2: {  	(tm) =	ssettm $0x7FFFFFFF  }
0xc3: {  	_ =	shalt  }
tec
execute0_lowered:
.L_overlay_start_1:
0x0: {  	(tag) =	ssettag $0x1  }
0x1: {  	s0 =	srdreg.scid;
	s3 =	rddreg [dreg:$0x0]  }
0x2: {  	s5 =	rddreg [dreg:$0x1];
	s1 =	stileid.u32  }
0x3: {  	s9 =	simm.s32 $0x80;
	s10 =	simm.s32 $0x400;
	s4 =	sand.u32 $0x1, s0  }
0x4: {  	s11 =	simm.s32 $0x0;
	s8 =	sshll.u32 s1, $0x7;
	s2 =	sshll.u32 s4, $0x4  }
0x5: {  	s0 =	rddreg [dreg:$0x2];
	s8 =	sand.u32 $0x380, s8;
	s6 =	sor.u32 s1, s2  }
0x6: {  	s2 =	simm.s32 $0x0;
	s7 =	smul.u32 $0x280, s6;
	s6 =	sshrl.u32 s6, $0x3  }
0x7: {  	s4 =	ssub.s32 $0x2, s4;
	[smem:$0x7FF] =	sst s2;
	s6 =	smul.u32 $0x14000, s6  }
0x8: {  	s31 =	sshrl.u32 s4, $0x1;
	_ =	strace $0x80000047;
	s7 =	sadd.s32 s7, s3  }
0x9: {  	s3 =	sadd.s32 $0xBA00, s3;
	s6 =	sor.u32 s8, s6;
	s8 =	ssub.s32 s4, s31  }
0xa: {  	s4 =	sadd.s32 $0x1A00, s7;
	s7 =	simm.s32 $0x1;
	s6 =	sshrl.u32 s6, $0x3  }
0xb: {  	v0 =	vimm.f32 $1.000000000e+00;
	s5 =	sadd.s32 s5, s6;
	s6 =	smax.u32 s8, $0x1;
	s8 =	simm.s32 $0x1400  }
.LBB2_1:
0xc: {  	[tilespmem:s2], [sflag:$0x1] =	stream.linear.gather [hbm4b:s4+s2], $0x1400, $0x38;
	[tilespmem:$0x3C00] =	vst v63  }
0xd: {  	_ =	swait.ge [sflag:s7], $0x1400  }
0xe: {  	[sflag:s7] =	ssyncset.done $0x0  }
0xf: {  	[sflag:s7] =	ssyncadd.s32 $0xFFFFEC00  }
0x10: {  	[tilespmem:s8], [sflag:$0x1] =	stream.linear.gather [hbm4b:s3+s2], $0x2800, $0x38;
	[tilespmem:$0x3C00] =	vst v63  }
0x11: {  	_ =	swait.ge [sflag:s7], $0x2800  }
0x12: {  	[sflag:s7] =	ssyncset.done $0x0  }
0x13: {  	s12 =	simm.s32 $0x0;
	[sflag:s7] =	ssyncadd.s32 $0xFFFFD800  }
.LBB2_2:
0x14: {  	s13 =	sshra.s32 s12, $0x2  }
0x15: {  	v1 =	vld [tilespmem:s13+$0x0];
	_ =	sdelay $0x7  }
0x16: {  	[tilespmem:v1+s8+$0x0] =	vst.idx.add.f32.msk $0xffff, v0  }
0x17: {  	v1 =	vld [tilespmem:s13+$0x10];
	_ =	sdelay $0x7  }
0x18: {  	[tilespmem:v1+s8+$0x0] =	vst.idx.add.f32.msk $0xffff, v0  }
0x19: {  	v1 =	vld [tilespmem:s13+$0x20];
	_ =	sdelay $0x7  }
0x1a: {  	[tilespmem:v1+s8+$0x0] =	vst.idx.add.f32.msk $0xffff, v0  }
0x1b: {  	v1 =	vld [tilespmem:s13+$0x30];
	_ =	sdelay $0x7  }
0x1c: {  	[tilespmem:v1+s8+$0x0] =	vst.idx.add.f32.msk $0xffff, v0  }
0x1d: {  	v1 =	vld [tilespmem:s13+$0x40];
	_ =	sdelay $0x7  }
0x1e: {  	[tilespmem:v1+s8+$0x0] =	vst.idx.add.f32.msk $0xffff, v0  }
0x1f: {  	v1 =	vld [tilespmem:s13+$0x50];
	_ =	sdelay $0x7  }
0x20: {  	[tilespmem:v1+s8+$0x0] =	vst.idx.add.f32.msk $0xffff, v0  }
0x21: {  	v1 =	vld [tilespmem:s13+$0x60];
	_ =	sdelay $0x7  }
0x22: {  	[tilespmem:v1+s8+$0x0] =	vst.idx.add.f32.msk $0xffff, v0  }
0x23: {  	v1 =	vld [tilespmem:s13+$0x70];
	_ =	sdelay $0x2  }
0x24: {  	p0 =	sne.s32 s12, $0x4E00  }
.Ltmp0:
0x25: {  	_ = 	snop;
	(pc) =	sbr.rel @p0 .LBB2_2-.Ltmp0, $2  }
0x26: {  	_ =	sdelay $0x2  }
0x27: {  	s12 =	sadd.s32 $0x200, s12;
	[tilespmem:v1+s8+$0x0] =	vst.idx.add.f32.msk $0xffff, v0  }
0x28: {  	s11 =	sadd.s32 $0x1, s11  }
0x29: {  	p0 =	sne.s32 s11, s6  }
.Ltmp1:
0x2a: {  	_ = 	snop;
	(pc) =	sbr.rel @p0 .LBB2_1-.Ltmp1, $4  }
0x2b: {  	[hbm4b:s5+s9] =	stream.strided.scatter [tilespmem:s8], [sflag:$0x1], $0x2800, s10, s9, $0x38;
	[tilespmem:$0x3C00] =	vst v63  }
0x2c: {  	_ =	swait.ge [sflag:s7], $0x2800  }
0x2d: {  	[sflag:s7] =	ssyncset.done $0x0  }
0x2e: {  	[sflag:s7] =	ssyncadd.s32 $0xFFFFD800  }
0x2f: {  	_ =	sfence.sel $0x180000  }
0x30: {  	[bflag:$0x0] =	sbarrier.arrive $0xFFFF  }
0x31: {  	p0 =	sne.s32 s1, $0x0;
	_ =	strace $0x90000047  }
0x32: {  	s0 =	sadd.s32 @!p0 $0x100000, s0;
	[bflag:$0x2] =	sbarrier.arrive $0xFFFF  }
0x33: {  	[sflag:s0] =	ssyncadd.tile.s32 @!p0 $0x1;
	_ =	shalt  }
.Lfunc_end2:
_tile_overlayer_lowered:
.L_overlay_start_2:
0x34: {  	(tag) =	ssettag $0x2  }
0x35: {  	s0 =	rddreg [dreg:$0x0];
	s2 =	stileid.u32  }
0x36: {  	s1 =	rddreg [dreg:$0x1];
	p0 =	sne.s32 s2, $0x0  }
0x37: {  	s3 =	rddreg [dreg:$0x2];
	[bflag:$0x3] =	sbarrier.arrive $0xFFFF;
	s2 =	simm.s32 @!p0 $0x1C01  }
0x38: {  	[timem:s3], [sflag:s2] =	dma.local @!p0 [hbm:s0], s1  }
0x39: {  	s0 =	simm.s32 @!p0 $0x1  }
0x3a: {  	_ =	swait.ge @!p0 [sflag:s0], s1  }
0x3b: {  	s1 =	ssub.s32 @!p0 $0x0, s1;
	[sflag:s0] =	ssyncset.done @!p0 $0x0  }
0x3c: {  	[sflag:s0] =	ssyncadd.s32 @!p0 s1  }
0x3d: {  	[bflag:$0x3] =	sbarrier.arrive $0xFFFF  }
0x3e: {  	_ =	shalt  }

</sc_bundles>
